<compile_context>
chip_gen: v7x
topology: tpu7x:2x2x1
jax: 0.10.2.dev20260603
libtpu: 0.0.44.dev20260713+nightly
codegen_flags: <defaults>
</compile_context>

<pallas_src>
import functools

import jax
import jax.numpy as jnp
import numpy as np
from jax import lax
from jax.experimental import pallas as pl
from jax.experimental.pallas import tpu as pltpu
from jax.experimental.pallas import tpu_sc as plsc


def _fps(pts, npoint, interpret=False):
    B, _, N = pts.shape

    U = 4

    def kern(pts_ref, ctr_ref, dists_ref, far_ref):
        i = pl.program_id(0)

        @pl.when(i == 0)
        def _init():
            dists_ref[...] = jnp.full((B, N), 1e10, dtype=jnp.float32)
            far_ref[...] = jnp.zeros((B, 1), jnp.int32)

        x = pts_ref[:, 0, :]
        y = pts_ref[:, 1, :]
        z = pts_ref[:, 2, :]
        iota = lax.broadcasted_iota(jnp.int32, (B, N), 1)
        far = far_ref[...]
        dists = dists_ref[...]
        cols = []
        for _ in range(U):
            oh = iota == far
            cx = jnp.sum(jnp.where(oh, x, 0.0), axis=1, keepdims=True)
            cy = jnp.sum(jnp.where(oh, y, 0.0), axis=1, keepdims=True)
            cz = jnp.sum(jnp.where(oh, z, 0.0), axis=1, keepdims=True)
            cols.append(jnp.concatenate([cx, cy, cz], axis=1))
            dx = x - cx
            dy = y - cy
            dz = z - cz
            d = (dx * dx + dy * dy) + dz * dz
            dists = jnp.minimum(dists, d)
            far = jnp.argmax(dists, axis=1).astype(jnp.int32)[:, None]
        dists_ref[...] = dists
        far_ref[...] = far
        ctr_ref[...] = jnp.stack(cols).reshape(U, B, 3, 1)

    out = pl.pallas_call(
        kern,
        grid=(npoint // U,),
        in_specs=[pl.BlockSpec((B, 3, N), lambda i: (0, 0, 0))],
        out_specs=pl.BlockSpec((U, B, 3, 1), lambda i: (i, 0, 0, 0)),
        out_shape=jax.ShapeDtypeStruct((npoint, B, 3, 1), jnp.float32),
        scratch_shapes=[
            pltpu.VMEM((B, N), jnp.float32),
            pltpu.VMEM((B, 1), jnp.int32),
        ],
        interpret=interpret,
    )(pts)
    return out.reshape(npoint, B, 3).transpose(1, 2, 0)


def _bq_scan(xs, ys, zs, ibuf, cx, cy, cz, R2, NCH, N, iota16):

    def chunk_body(c, p):
        xv = xs[pl.ds(c * 16, 16)]
        yv = ys[pl.ds(c * 16, 16)]
        zv = zs[pl.ds(c * 16, 16)]
        dx = xv - cx
        dy = yv - cy
        dz = zv - cz
        d = (dx * dx + dy * dy) + dz * dz
        m = d <= R2
        incl = plsc.cumsum(m.astype(jnp.int32))
        tgt = jnp.where(m, p + (incl - 1), N + iota16)
        plsc.store_scatter(ibuf, [tgt], iota16 + c * 16)
        return p + incl[15]

    return lax.fori_loop(0, NCH, chunk_body, jnp.int32(0))


def _bq_gather_xyz(soa, ctrs, radius):
    B, _, N = soa.shape
    S = ctrs.shape[2]
    KN = 64
    WPS = 32 // B
    SCH = S // WPS
    NCH = N // 16
    R2 = np.float32(np.float64(radius) * np.float64(radius))
    mesh = plsc.VectorSubcoreMesh(core_axis_name="c", subcore_axis_name="s")

    @functools.partial(
        pl.kernel,
        out_type=jax.ShapeDtypeStruct((B * S * KN * 3,), jnp.float32),
        mesh=mesh,
        scratch_types=[
            pltpu.VMEM((N,), jnp.float32),
            pltpu.VMEM((N,), jnp.float32),
            pltpu.VMEM((N,), jnp.float32),
            pltpu.VMEM((SCH + 16,), jnp.float32),
            pltpu.VMEM((SCH + 16,), jnp.float32),
            pltpu.VMEM((SCH + 16,), jnp.float32),
            pltpu.VMEM((N + 32,), jnp.int32),
            pltpu.VMEM((SCH * KN * 3,), jnp.float32),
        ],
        compiler_params=pltpu.CompilerParams(needs_layout_passes=False),
    )
    def bq(soa_hbm, ctr_hbm, out_hbm,
           xs, ys, zs, cxv, cyv, czv, ibuf, outv):
        b = lax.axis_index("s")
        h = lax.axis_index("c")
        pltpu.sync_copy(soa_hbm.at[pl.ds((b * 3 + 0) * N, N)], xs)
        pltpu.sync_copy(soa_hbm.at[pl.ds((b * 3 + 1) * N, N)], ys)
        pltpu.sync_copy(soa_hbm.at[pl.ds((b * 3 + 2) * N, N)], zs)
        pltpu.sync_copy(ctr_hbm.at[pl.ds((b * 3 + 0) * S + h * SCH, SCH)],
                        cxv.at[pl.ds(0, SCH)])
        pltpu.sync_copy(ctr_hbm.at[pl.ds((b * 3 + 1) * S + h * SCH, SCH)],
                        cyv.at[pl.ds(0, SCH)])
        pltpu.sync_copy(ctr_hbm.at[pl.ds((b * 3 + 2) * S + h * SCH, SCH)],
                        czv.at[pl.ds(0, SCH)])
        iota16 = lax.iota(jnp.int32, 16)

        def center_body(sl, _):
            cx = cxv[pl.ds(sl, 16)][0]
            cy = cyv[pl.ds(sl, 16)][0]
            cz = czv[pl.ds(sl, 16)][0]
            p = _bq_scan(xs, ys, zs, ibuf, cx, cy, cz, R2, NCH, N, iota16)
            count = jnp.minimum(p, KN)
            first = ibuf[pl.ds(0, 16)][0]
            for j4 in range(KN // 16):
                iv = ibuf[pl.ds(j4 * 16, 16)]
                pos = iota16 + j4 * 16
                iv = jnp.where(pos < count, iv, first)
                tgt = sl * KN + pos
                plsc.store_scatter(outv, [tgt],
                                   plsc.load_gather(xs, [iv]) - cx)
                plsc.store_scatter(outv, [tgt + SCH * KN],
                                   plsc.load_gather(ys, [iv]) - cy)
                plsc.store_scatter(outv, [tgt + 2 * SCH * KN],
                                   plsc.load_gather(zs, [iv]) - cz)
            return 0

        lax.fori_loop(0, SCH, center_body, 0)
        base = (b * S + h * SCH) * KN
        for pidx in range(3):
            pltpu.sync_copy(
                outv.at[pl.ds(pidx * SCH * KN, SCH * KN)],
                out_hbm.at[pl.ds(pidx * B * S * KN + base, SCH * KN)])

    return bq(soa.reshape(B * 3 * N), ctrs.reshape(B * 3 * S))


def _bq_gather_feat(soa, ctrs, tab, radius):
    B, _, N = soa.shape
    S = ctrs.shape[2]
    CR = tab.shape[1]
    KN = 64
    WPS = 32 // B
    SCH = S // WPS
    NCH = N // 16
    R2 = np.float32(np.float64(radius) * np.float64(radius))
    mesh = plsc.VectorSubcoreMesh(core_axis_name="c", subcore_axis_name="s")

    @functools.partial(
        pl.kernel,
        out_type=(jax.ShapeDtypeStruct((B * S * KN, CR), jnp.float32),
                  jax.ShapeDtypeStruct((3 * B * S * KN,), jnp.float32)),
        mesh=mesh,
        scratch_types=[
            pltpu.VMEM((N,), jnp.float32),
            pltpu.VMEM((N,), jnp.float32),
            pltpu.VMEM((N,), jnp.float32),
            pltpu.VMEM((SCH + 16,), jnp.float32),
            pltpu.VMEM((SCH + 16,), jnp.float32),
            pltpu.VMEM((SCH + 16,), jnp.float32),
            pltpu.VMEM((N + 32,), jnp.int32),
            pltpu.VMEM((KN,), jnp.int32),
            pltpu.VMEM((KN,), jnp.int32),
            pltpu.VMEM((KN, CR), jnp.float32),
            pltpu.VMEM((KN, CR), jnp.float32),
            pltpu.VMEM((SCH * KN * 3,), jnp.float32),
            pltpu.SemaphoreType.DMA,
            pltpu.SemaphoreType.DMA,
            pltpu.SemaphoreType.DMA,
            pltpu.SemaphoreType.DMA,
        ],
        compiler_params=pltpu.CompilerParams(needs_layout_passes=False),
    )
    def bq(soa_hbm, ctr_hbm, tab_hbm, out_hbm, outx_hbm, xs, ys, zs,
           cxv, cyv, czv, ibuf, idxb0, idxb1, rowb0, rowb1, outv,
           gsem0, gsem1, osem0, osem1):
        b = lax.axis_index("s")
        h = lax.axis_index("c")
        pltpu.sync_copy(soa_hbm.at[pl.ds((b * 3 + 0) * N, N)], xs)
        pltpu.sync_copy(soa_hbm.at[pl.ds((b * 3 + 1) * N, N)], ys)
        pltpu.sync_copy(soa_hbm.at[pl.ds((b * 3 + 2) * N, N)], zs)
        pltpu.sync_copy(ctr_hbm.at[pl.ds((b * 3 + 0) * S + h * SCH, SCH)],
                        cxv.at[pl.ds(0, SCH)])
        pltpu.sync_copy(ctr_hbm.at[pl.ds((b * 3 + 1) * S + h * SCH, SCH)],
                        cyv.at[pl.ds(0, SCH)])
        pltpu.sync_copy(ctr_hbm.at[pl.ds((b * 3 + 2) * S + h * SCH, SCH)],
                        czv.at[pl.ds(0, SCH)])
        iota16 = lax.iota(jnp.int32, 16)
        idxbs = [idxb0, idxb1]
        rowbs = [rowb0, rowb1]
        gsems = [gsem0, gsem1]
        osems = [osem0, osem1]
        base = b * S + h * SCH

        def out_slice(sl):
            return out_hbm.at[pl.ds((base + sl) * KN, KN)]

        def pair_body(k, _):
            for u in range(2):
                sl = k * 2 + u
                cx = cxv[pl.ds(sl, 16)][0]
                cy = cyv[pl.ds(sl, 16)][0]
                cz = czv[pl.ds(sl, 16)][0]
                p = _bq_scan(xs, ys, zs, ibuf, cx, cy, cz, R2, NCH, N,
                             iota16)

                @pl.when(sl >= 2)
                def _wait_out():
                    pltpu.make_async_copy(rowbs[u], out_slice(sl - 2),
                                          osems[u]).wait()

                count = jnp.minimum(p, KN)
                first = ibuf[pl.ds(0, 16)][0]
                for j4 in range(KN // 16):
                    iv = ibuf[pl.ds(j4 * 16, 16)]
                    pos = iota16 + j4 * 16
                    iv = jnp.where(pos < count, iv, first)
                    idxbs[u][pl.ds(j4 * 16, 16)] = iv + b * N
                    tgt = sl * KN + pos
                    plsc.store_scatter(outv, [tgt],
                                       plsc.load_gather(xs, [iv]) - cx)
                    plsc.store_scatter(outv, [tgt + SCH * KN],
                                       plsc.load_gather(ys, [iv]) - cy)
                    plsc.store_scatter(outv, [tgt + 2 * SCH * KN],
                                       plsc.load_gather(zs, [iv]) - cz)

                pltpu.async_copy(tab_hbm.at[idxbs[u]], rowbs[u], gsems[u])

                @pl.when(sl >= 1)
                def _drain_prev():
                    v = 1 - u
                    pltpu.make_async_copy(tab_hbm.at[idxbs[v]], rowbs[v],
                                          gsems[v]).wait()
                    pltpu.async_copy(rowbs[v], out_slice(sl - 1), osems[v])
            return 0

        lax.fori_loop(0, SCH // 2, pair_body, 0)
        ul = (SCH - 1) % 2
        pltpu.make_async_copy(tab_hbm.at[idxbs[ul]], rowbs[ul],
                              gsems[ul]).wait()
        pltpu.async_copy(rowbs[ul], out_slice(SCH - 1), osems[ul])
        pltpu.make_async_copy(rowbs[1 - ul], out_slice(SCH - 2),
                              osems[1 - ul]).wait()
        pltpu.make_async_copy(rowbs[ul], out_slice(SCH - 1), osems[ul]).wait()
        for pidx in range(3):
            pltpu.sync_copy(
                outv.at[pl.ds(pidx * SCH * KN, SCH * KN)],
                outx_hbm.at[pl.ds(pidx * B * S * KN + base * KN, SCH * KN)])

    return bq(soa.reshape(B * 3 * N), ctrs.reshape(B * 3 * S), tab)


def _mlp_max_t(gT, wbs, group=64, tm=8192, interpret=False):
    Cin, R = gT.shape
    G = tm // group
    nlayer = len(wbs)
    Cout = wbs[-1][0].shape[1]

    def kern(g_ref, *refs):
        o_ref = refs[-1]
        h = g_ref[...]
        for i in range(nlayer):
            wT = refs[2 * i][...]
            bc = refs[2 * i + 1][...]
            h = jnp.maximum(
                jnp.dot(wT, h, preferred_element_type=jnp.float32) + bc, 0.0)
        t = h.T
        o_ref[...] = jnp.max(t.reshape(G, group, Cout), axis=1)

    in_specs = [pl.BlockSpec((Cin, tm), lambda i: (0, i))]
    args = [gT]
    for W, bvec in wbs:
        in_specs.append(pl.BlockSpec(W.shape[::-1], lambda i: (0, 0)))
        in_specs.append(pl.BlockSpec((W.shape[1], 1), lambda i: (0, 0)))
        args.append(W.T)
        args.append(bvec.reshape(-1, 1))

    return pl.pallas_call(
        kern,
        grid=(R // tm,),
        in_specs=in_specs,
        out_specs=pl.BlockSpec((G, Cout), lambda i: (i, 0)),
        out_shape=jax.ShapeDtypeStruct((R // group, Cout), jnp.float32),
        interpret=interpret,
    )(*args)


def _mlp_max_2(gfeat, gxyz, W1, b1, wbs, group=64, tm=8192, interpret=False):
    R, C = gfeat.shape
    G = tm // group
    Cout = wbs[-1][0].shape[1]
    nlayer = len(wbs)
    W1xT = W1[0:3].T
    W1f = W1[3:]

    def kern(gf_ref, gx_ref, wxT_ref, wf_ref, b_ref, *refs):
        o_ref = refs[-1]
        hx = jnp.dot(wxT_ref[...], gx_ref[...],
                     preferred_element_type=jnp.float32).T
        h = jnp.maximum(
            hx + jnp.dot(gf_ref[...], wf_ref[...],
                         preferred_element_type=jnp.float32) + b_ref[...],
            0.0)
        for i in range(nlayer):
            W = refs[2 * i][...]
            bvec = refs[2 * i + 1][...]
            h = jnp.maximum(
                jnp.dot(h, W, preferred_element_type=jnp.float32) + bvec, 0.0)
        o_ref[...] = jnp.max(h.reshape(G, group, h.shape[-1]), axis=1)

    in_specs = [
        pl.BlockSpec((tm, C), lambda i: (i, 0)),
        pl.BlockSpec((3, tm), lambda i: (0, i)),
        pl.BlockSpec(W1xT.shape, lambda i: (0, 0)),
        pl.BlockSpec(W1f.shape, lambda i: (0, 0)),
        pl.BlockSpec((1, C), lambda i: (0, 0)),
    ]
    args = [gfeat, gxyz, W1xT, W1f, b1.reshape(1, -1)]
    for W, bvec in wbs:
        in_specs.append(pl.BlockSpec(W.shape, lambda i: (0, 0)))
        in_specs.append(pl.BlockSpec((1, W.shape[1]), lambda i: (0, 0)))
        args.append(W)
        args.append(bvec.reshape(1, -1))

    return pl.pallas_call(
        kern,
        grid=(R // tm,),
        in_specs=in_specs,
        out_specs=pl.BlockSpec((G, Cout), lambda i: (i, 0)),
        out_shape=jax.ShapeDtypeStruct((R // group, Cout), jnp.float32),
        interpret=interpret,
    )(*args)


def _head(rows, B, wbs, interpret=False):
    R, Cin = rows.shape
    S = R // B
    nlayer = len(wbs)

    def kern(r_ref, *refs):
        o_ref = refs[-1]
        h = r_ref[...]
        for i in range(3):
            W = refs[2 * i][...]
            bvec = refs[2 * i + 1][...]
            h = jnp.maximum(
                jnp.dot(h, W, preferred_element_type=jnp.float32) + bvec, 0.0)
        x = jnp.max(h.reshape(B, S, h.shape[-1]), axis=1)
        for i in range(3, nlayer - 1):
            W = refs[2 * i][...]
            bvec = refs[2 * i + 1][...]
            x = jnp.maximum(
                jnp.dot(x, W, preferred_element_type=jnp.float32) + bvec, 0.0)
        W = refs[2 * (nlayer - 1)][...]
        bvec = refs[2 * (nlayer - 1) + 1][...]
        o_ref[...] = jnp.dot(x, W, preferred_element_type=jnp.float32) + bvec

    args = [rows]
    for W, bvec in wbs:
        args.append(W)
        args.append(bvec.reshape(1, -1))

    return pl.pallas_call(
        kern,
        out_shape=jax.ShapeDtypeStruct((B, wbs[-1][0].shape[1]), jnp.float32),
        interpret=interpret,
    )(*args)


def kernel(points, params):
    sa1, sa2, sa3, fc, lin = params
    B, _, N1 = points.shape
    S1, S2, KN = 512, 128, 64

    ctr1 = _fps(points, S1)
    g1 = _bq_gather_xyz(points, ctr1, 0.2).reshape(3, B * S1 * KN)
    f1 = _mlp_max_t(g1, list(sa1), group=KN)

    ctr2 = _fps(ctr1, S2)
    gf, gx = _bq_gather_feat(ctr1, ctr2, f1, 0.4)
    ctr2_rows = ctr2.transpose(0, 2, 1).reshape(B * S2, 3)
    f2 = _mlp_max_2(gf, gx.reshape(3, B * S2 * KN), sa2[0][0], sa2[0][1],
                    list(sa2[1:]), group=KN)

    rows3 = jnp.concatenate([ctr2_rows, f2], axis=1)
    wbs3 = list(sa3) + list(fc) + [lin]
    return _head(rows3, B, wbs3)

# --- scband reference (transcript-rebuilt; emitter-appended) ---
"""Pipeline reference for scband-point-net2-ssg-cls-20770461843671 (READ-ONLY COPY).

The authoritative reference and input builder live on the scoring server;
editing this copy changes nothing except your own understanding.
"""

import jax, jax.numpy as jnp
import numpy as np

def index_points(points, idx):
    B = points.shape[0]
    C = points.shape[-1]
    flat = idx.reshape(B, -1)
    gidx = jnp.broadcast_to(flat[:, :, None], (B, flat.shape[1], C))
    out = jnp.take_along_axis(points, gidx, axis=1)
    return out.reshape(idx.shape + (C,))

def farthest_point_sample(xyz, npoint):
    B, N, _ = xyz.shape
    def body(i, state):
        dists, farthest, idxs = state
        idxs = idxs.at[:, i].set(farthest)
        gidx = jnp.broadcast_to(farthest[:, None, None], (B, 1, 3))
        centroid = jnp.take_along_axis(xyz, gidx, axis=1)
        d = jnp.sum((xyz - centroid) ** 2, axis=-1)
        dists = jnp.minimum(dists, d)
        farthest = jnp.argmax(dists, axis=-1).astype(jnp.int32)
        return (dists, farthest, idxs)
    dists = jnp.full((B, N), 1e10, dtype=jnp.float32)
    farthest = jnp.zeros((B,), dtype=jnp.int32)
    idxs = jnp.zeros((B, npoint), dtype=jnp.int32)
    _, _, idxs = jax.lax.fori_loop(0, npoint, body, (dists, farthest, idxs))
    return idxs

def ball_query(radius, nsample, xyz, new_xyz):
    B, N, _ = xyz.shape
    S = new_xyz.shape[1]
    sqrdists = jnp.sum((new_xyz[:, :, None, :] - xyz[:, None, :, :]) ** 2, axis=-1)
    group_idx = jnp.broadcast_to(jnp.arange(N, dtype=jnp.int32), (B, S, N))
    group_idx = jnp.where(sqrdists > radius * radius, N, group_idx)
    group_idx = jnp.sort(group_idx, axis=-1)[:, :, :nsample]
    group_first = jnp.broadcast_to(group_idx[:, :, 0:1], group_idx.shape)
    group_idx = jnp.where(group_idx == N, group_first, group_idx)
    return group_idx

def run_mlp(h, mlp_params):
    for W, b in mlp_params:
        h = jax.nn.relu(h @ W + b)
    return h

def sa_module(xyz, features, npoint, radius, nsample, mlp_params):
    fps_idx = farthest_point_sample(xyz, npoint)
    new_xyz = index_points(xyz, fps_idx)
    idx = ball_query(radius, nsample, xyz, new_xyz)
    grouped_xyz = index_points(xyz, idx) - new_xyz[:, :, None, :]
    if features is not None:
        grouped = jnp.concatenate([grouped_xyz, index_points(features, idx)], axis=-1)
    else:
        grouped = grouped_xyz
    new_features = jnp.max(run_mlp(grouped, mlp_params), axis=2)
    return new_xyz, new_features

def sa_global(xyz, features, mlp_params):
    grouped = jnp.concatenate([xyz, features], axis=-1)[:, None, :, :]
    return jnp.max(run_mlp(grouped, mlp_params), axis=2)

def make_mlp(key, dims):
    params = []
    for cin, cout in zip(dims[:-1], dims[1:]):
        key, k1 = jax.random.split(key)
        W = (jax.random.normal(k1, (cin, cout), dtype=jnp.float32) / np.sqrt(cin)).astype(jnp.float32)
        b = jnp.zeros((cout,), dtype=jnp.float32)
        params.append((W, b))
    return key, tuple(params)

def setup_inputs(seed: int = 0):
    key = jax.random.key(seed)
    key, kp = jax.random.split(key)
    points = jax.random.uniform(kp, (16, 3, 1024), dtype=jnp.float32)
    key, sa1 = make_mlp(key, (3, 64, 64, 128))
    key, sa2 = make_mlp(key, (131, 128, 128, 256))
    key, sa3 = make_mlp(key, (259, 256, 512, 1024))
    key, fc = make_mlp(key, (1024, 512, 256))
    key, k1 = jax.random.split(key)
    linW = (jax.random.normal(k1, (256, 40), dtype=jnp.float32) / np.sqrt(256.0)).astype(jnp.float32)
    linb = jnp.zeros((40,), dtype=jnp.float32)
    params = (sa1, sa2, sa3, fc, (linW, linb))
    return {"points": points, "params": params}

def reference(points, params):
    sa1, sa2, sa3, fc, lin = params
    pc = jnp.transpose(points, (0, 2, 1))
    xyz = pc[..., 0:3]
    features = None
    xyz, features = sa_module(xyz, features, 512, 0.2, 64, sa1)
    xyz, features = sa_module(xyz, features, 128, 0.4, 64, sa2)
    feat = sa_global(xyz, features, sa3)
    x = feat[:, 0, :]
    for W, b in fc:
        x = jax.nn.relu(x @ W + b)
    W, b = lin
    return x @ W + b

if __name__ == "__main__":
    import jax
    _d = setup_inputs()
    print(jax.jit(kernel)(*tuple(_d.values())))

</pallas_src>

<mosaic_0001>
#map = affine_map<(d0, d1) -> (0)>
module attributes {stable_mosaic.version = 14 : i64} {
  func.func @bq(%arg0: i32, %arg1: i32, %arg2: memref<49152xf32, #tpu.memory_space<hbm>>, %arg3: memref<24576xf32, #tpu.memory_space<hbm>>, %arg4: memref<1572864xf32, #tpu.memory_space<hbm>>, %arg5: memref<1024xf32, #tpu.memory_space<vmem>>, %arg6: memref<1024xf32, #tpu.memory_space<vmem>>, %arg7: memref<1024xf32, #tpu.memory_space<vmem>>, %arg8: memref<272xf32, #tpu.memory_space<vmem>>, %arg9: memref<272xf32, #tpu.memory_space<vmem>>, %arg10: memref<272xf32, #tpu.memory_space<vmem>>, %arg11: memref<1056xi32, #tpu.memory_space<vmem>>, %arg12: memref<49152xf32, #tpu.memory_space<vmem>>) attributes {dimension_semantics = [#tpu.dimension_semantics<core_parallel>, #tpu.dimension_semantics<subcore_parallel>], iteration_bounds = array<i64: 2, 16>, scalar_prefetch = 0 : i64, scratch_operands = 8 : i64, tpu.core_type = #tpu.core_type<sc_vector_subcore>, window_params = [{transform_indices = #map}, {transform_indices = #map}, {transform_indices = #map}]} {
    %mul3A = arith.constant 3 : i32
    %mul3A_0 = arith.muli %arg1, %mul3A : i32
    %add3A = arith.constant 0 : i32
    %add3A_1 = arith.addi %mul3A_0, %add3A : i32
    %mul3A_2 = arith.constant 1024 : i32
    %mul3A_3 = arith.muli %add3A_1, %mul3A_2 : i32
    "tpu.region"() ({
      %run_scoped3A = tpu.sem_alloc : memref<!tpu.dma_semaphore, #tpu.memory_space<semaphore_mem>>
      %dma_start3A = tpu.memref_slice %arg2[%mul3A_3] : memref<49152xf32, #tpu.memory_space<hbm>> -> memref<1024xf32, #tpu.memory_space<hbm>>
      %dma_start3A_62 = tpu.memref_slice %arg2[%mul3A_3] : memref<49152xf32, #tpu.memory_space<hbm>> -> memref<1024xf32, #tpu.memory_space<hbm>>
      tpu.enqueue_dma source(%dma_start3A_62 : memref<1024xf32, #tpu.memory_space<hbm>>) target(%arg5 : memref<1024xf32, #tpu.memory_space<vmem>>) target_semaphore(%run_scoped3A : memref<!tpu.dma_semaphore, #tpu.memory_space<semaphore_mem>>)
      %dma_wait3A = tpu.memref_slice %arg2[%mul3A_3] : memref<49152xf32, #tpu.memory_space<hbm>> -> memref<1024xf32, #tpu.memory_space<hbm>>
      %dma_wait3A_63 = tpu.memref_slice %arg2[%mul3A_3] : memref<49152xf32, #tpu.memory_space<hbm>> -> memref<1024xf32, #tpu.memory_space<hbm>>
      tpu.wait_dma2 semaphore(%run_scoped3A : memref<!tpu.dma_semaphore, #tpu.memory_space<semaphore_mem>>) src(%dma_wait3A_63 : memref<1024xf32, #tpu.memory_space<hbm>>) dst(%arg5 : memref<1024xf32, #tpu.memory_space<vmem>>)
      tpu.yield
    }) : () -> ()
    %mul3A_4 = arith.constant 3 : i32
    %mul3A_5 = arith.muli %arg1, %mul3A_4 : i32
    %add3A_6 = arith.constant 1 : i32
    %add3A_7 = arith.addi %mul3A_5, %add3A_6 : i32
    %mul3A_8 = arith.constant 1024 : i32
    %mul3A_9 = arith.muli %add3A_7, %mul3A_8 : i32
    "tpu.region"() ({
      %run_scoped3A = tpu.sem_alloc : memref<!tpu.dma_semaphore, #tpu.memory_space<semaphore_mem>>
      %dma_start3A = tpu.memref_slice %arg2[%mul3A_9] : memref<49152xf32, #tpu.memory_space<hbm>> -> memref<1024xf32, #tpu.memory_space<hbm>>
      %dma_start3A_62 = tpu.memref_slice %arg2[%mul3A_9] : memref<49152xf32, #tpu.memory_space<hbm>> -> memref<1024xf32, #tpu.memory_space<hbm>>
      tpu.enqueue_dma source(%dma_start3A_62 : memref<1024xf32, #tpu.memory_space<hbm>>) target(%arg6 : memref<1024xf32, #tpu.memory_space<vmem>>) target_semaphore(%run_scoped3A : memref<!tpu.dma_semaphore, #tpu.memory_space<semaphore_mem>>)
      %dma_wait3A = tpu.memref_slice %arg2[%mul3A_9] : memref<49152xf32, #tpu.memory_space<hbm>> -> memref<1024xf32, #tpu.memory_space<hbm>>
      %dma_wait3A_63 = tpu.memref_slice %arg2[%mul3A_9] : memref<49152xf32, #tpu.memory_space<hbm>> -> memref<1024xf32, #tpu.memory_space<hbm>>
      tpu.wait_dma2 semaphore(%run_scoped3A : memref<!tpu.dma_semaphore, #tpu.memory_space<semaphore_mem>>) src(%dma_wait3A_63 : memref<1024xf32, #tpu.memory_space<hbm>>) dst(%arg6 : memref<1024xf32, #tpu.memory_space<vmem>>)
      tpu.yield
    }) : () -> ()
    %mul3A_10 = arith.constant 3 : i32
    %mul3A_11 = arith.muli %arg1, %mul3A_10 : i32
    %add3A_12 = arith.constant 2 : i32
    %add3A_13 = arith.addi %mul3A_11, %add3A_12 : i32
    %mul3A_14 = arith.constant 1024 : i32
    %mul3A_15 = arith.muli %add3A_13, %mul3A_14 : i32
    "tpu.region"() ({
      %run_scoped3A = tpu.sem_alloc : memref<!tpu.dma_semaphore, #tpu.memory_space<semaphore_mem>>
      %dma_start3A = tpu.memref_slice %arg2[%mul3A_15] : memref<49152xf32, #tpu.memory_space<hbm>> -> memref<1024xf32, #tpu.memory_space<hbm>>
      %dma_start3A_62 = tpu.memref_slice %arg2[%mul3A_15] : memref<49152xf32, #tpu.memory_space<hbm>> -> memref<1024xf32, #tpu.memory_space<hbm>>
      tpu.enqueue_dma source(%dma_start3A_62 : memref<1024xf32, #tpu.memory_space<hbm>>) target(%arg7 : memref<1024xf32, #tpu.memory_space<vmem>>) target_semaphore(%run_scoped3A : memref<!tpu.dma_semaphore, #tpu.memory_space<semaphore_mem>>)
      %dma_wait3A = tpu.memref_slice %arg2[%mul3A_15] : memref<49152xf32, #tpu.memory_space<hbm>> -> memref<1024xf32, #tpu.memory_space<hbm>>
      %dma_wait3A_63 = tpu.memref_slice %arg2[%mul3A_15] : memref<49152xf32, #tpu.memory_space<hbm>> -> memref<1024xf32, #tpu.memory_space<hbm>>
      tpu.wait_dma2 semaphore(%run_scoped3A : memref<!tpu.dma_semaphore, #tpu.memory_space<semaphore_mem>>) src(%dma_wait3A_63 : memref<1024xf32, #tpu.memory_space<hbm>>) dst(%arg7 : memref<1024xf32, #tpu.memory_space<vmem>>)
      tpu.yield
    }) : () -> ()
    %mul3A_16 = arith.constant 3 : i32
    %mul3A_17 = arith.muli %arg1, %mul3A_16 : i32
    %add3A_18 = arith.constant 0 : i32
    %add3A_19 = arith.addi %mul3A_17, %add3A_18 : i32
    %mul3A_20 = arith.constant 512 : i32
    %mul3A_21 = arith.muli %add3A_19, %mul3A_20 : i32
    %mul3A_22 = arith.constant 256 : i32
    %mul3A_23 = arith.muli %arg0, %mul3A_22 : i32
    %add3A_24 = arith.addi %mul3A_21, %mul3A_23 : i32
    "tpu.region"() ({
      %run_scoped3A = tpu.sem_alloc : memref<!tpu.dma_semaphore, #tpu.memory_space<semaphore_mem>>
      %dma_start3A = arith.constant 0 : i32
      %dma_start3A_62 = tpu.memref_slice %arg8[%dma_start3A] : memref<272xf32, #tpu.memory_space<vmem>> -> memref<256xf32, #tpu.memory_space<vmem>>
      %dma_start3A_63 = tpu.memref_slice %arg3[%add3A_24] : memref<24576xf32, #tpu.memory_space<hbm>> -> memref<256xf32, #tpu.memory_space<hbm>>
      %dma_start3A_64 = arith.constant 0 : i32
      %dma_start3A_65 = tpu.memref_slice %arg8[%dma_start3A_64] : memref<272xf32, #tpu.memory_space<vmem>> -> memref<256xf32, #tpu.memory_space<vmem>>
      %dma_start3A_66 = tpu.memref_slice %arg3[%add3A_24] : memref<24576xf32, #tpu.memory_space<hbm>> -> memref<256xf32, #tpu.memory_space<hbm>>
      tpu.enqueue_dma source(%dma_start3A_66 : memref<256xf32, #tpu.memory_space<hbm>>) target(%dma_start3A_65 : memref<256xf32, #tpu.memory_space<vmem>>) target_semaphore(%run_scoped3A : memref<!tpu.dma_semaphore, #tpu.memory_space<semaphore_mem>>)
      %dma_wait3A = arith.constant 0 : i32
      %dma_wait3A_67 = tpu.memref_slice %arg8[%dma_wait3A] : memref<272xf32, #tpu.memory_space<vmem>> -> memref<256xf32, #tpu.memory_space<vmem>>
      %dma_wait3A_68 = tpu.memref_slice %arg3[%add3A_24] : memref<24576xf32, #tpu.memory_space<hbm>> -> memref<256xf32, #tpu.memory_space<hbm>>
      %dma_wait3A_69 = arith.constant 0 : i32
      %dma_wait3A_70 = tpu.memref_slice %arg8[%dma_wait3A_69] : memref<272xf32, #tpu.memory_space<vmem>> -> memref<256xf32, #tpu.memory_space<vmem>>
      %dma_wait3A_71 = tpu.memref_slice %arg3[%add3A_24] : memref<24576xf32, #tpu.memory_space<hbm>> -> memref<256xf32, #tpu.memory_space<hbm>>
      tpu.wait_dma2 semaphore(%run_scoped3A : memref<!tpu.dma_semaphore, #tpu.memory_space<semaphore_mem>>) src(%dma_wait3A_71 : memref<256xf32, #tpu.memory_space<hbm>>) dst(%dma_wait3A_70 : memref<256xf32, #tpu.memory_space<vmem>>)
      tpu.yield
    }) : () -> ()
    %mul3A_25 = arith.constant 3 : i32
    %mul3A_26 = arith.muli %arg1, %mul3A_25 : i32
    %add3A_27 = arith.constant 1 : i32
    %add3A_28 = arith.addi %mul3A_26, %add3A_27 : i32
    %mul3A_29 = arith.constant 512 : i32
    %mul3A_30 = arith.muli %add3A_28, %mul3A_29 : i32
    %mul3A_31 = arith.constant 256 : i32
    %mul3A_32 = arith.muli %arg0, %mul3A_31 : i32
    %add3A_33 = arith.addi %mul3A_30, %mul3A_32 : i32
    "tpu.region"() ({
      %run_scoped3A = tpu.sem_alloc : memref<!tpu.dma_semaphore, #tpu.memory_space<semaphore_mem>>
      %dma_start3A = arith.constant 0 : i32
      %dma_start3A_62 = tpu.memref_slice %arg9[%dma_start3A] : memref<272xf32, #tpu.memory_space<vmem>> -> memref<256xf32, #tpu.memory_space<vmem>>
      %dma_start3A_63 = tpu.memref_slice %arg3[%add3A_33] : memref<24576xf32, #tpu.memory_space<hbm>> -> memref<256xf32, #tpu.memory_space<hbm>>
      %dma_start3A_64 = arith.constant 0 : i32
      %dma_start3A_65 = tpu.memref_slice %arg9[%dma_start3A_64] : memref<272xf32, #tpu.memory_space<vmem>> -> memref<256xf32, #tpu.memory_space<vmem>>
      %dma_start3A_66 = tpu.memref_slice %arg3[%add3A_33] : memref<24576xf32, #tpu.memory_space<hbm>> -> memref<256xf32, #tpu.memory_space<hbm>>
      tpu.enqueue_dma source(%dma_start3A_66 : memref<256xf32, #tpu.memory_space<hbm>>) target(%dma_start3A_65 : memref<256xf32, #tpu.memory_space<vmem>>) target_semaphore(%run_scoped3A : memref<!tpu.dma_semaphore, #tpu.memory_space<semaphore_mem>>)
      %dma_wait3A = arith.constant 0 : i32
      %dma_wait3A_67 = tpu.memref_slice %arg9[%dma_wait3A] : memref<272xf32, #tpu.memory_space<vmem>> -> memref<256xf32, #tpu.memory_space<vmem>>
      %dma_wait3A_68 = tpu.memref_slice %arg3[%add3A_33] : memref<24576xf32, #tpu.memory_space<hbm>> -> memref<256xf32, #tpu.memory_space<hbm>>
      %dma_wait3A_69 = arith.constant 0 : i32
      %dma_wait3A_70 = tpu.memref_slice %arg9[%dma_wait3A_69] : memref<272xf32, #tpu.memory_space<vmem>> -> memref<256xf32, #tpu.memory_space<vmem>>
      %dma_wait3A_71 = tpu.memref_slice %arg3[%add3A_33] : memref<24576xf32, #tpu.memory_space<hbm>> -> memref<256xf32, #tpu.memory_space<hbm>>
      tpu.wait_dma2 semaphore(%run_scoped3A : memref<!tpu.dma_semaphore, #tpu.memory_space<semaphore_mem>>) src(%dma_wait3A_71 : memref<256xf32, #tpu.memory_space<hbm>>) dst(%dma_wait3A_70 : memref<256xf32, #tpu.memory_space<vmem>>)
      tpu.yield
    }) : () -> ()
    %mul3A_34 = arith.constant 3 : i32
    %mul3A_35 = arith.muli %arg1, %mul3A_34 : i32
    %add3A_36 = arith.constant 2 : i32
    %add3A_37 = arith.addi %mul3A_35, %add3A_36 : i32
    %mul3A_38 = arith.constant 512 : i32
    %mul3A_39 = arith.muli %add3A_37, %mul3A_38 : i32
    %mul3A_40 = arith.constant 256 : i32
    %mul3A_41 = arith.muli %arg0, %mul3A_40 : i32
    %add3A_42 = arith.addi %mul3A_39, %mul3A_41 : i32
    "tpu.region"() ({
      %run_scoped3A = tpu.sem_alloc : memref<!tpu.dma_semaphore, #tpu.memory_space<semaphore_mem>>
      %dma_start3A = arith.constant 0 : i32
      %dma_start3A_62 = tpu.memref_slice %arg10[%dma_start3A] : memref<272xf32, #tpu.memory_space<vmem>> -> memref<256xf32, #tpu.memory_space<vmem>>
      %dma_start3A_63 = tpu.memref_slice %arg3[%add3A_42] : memref<24576xf32, #tpu.memory_space<hbm>> -> memref<256xf32, #tpu.memory_space<hbm>>
      %dma_start3A_64 = arith.constant 0 : i32
      %dma_start3A_65 = tpu.memref_slice %arg10[%dma_start3A_64] : memref<272xf32, #tpu.memory_space<vmem>> -> memref<256xf32, #tpu.memory_space<vmem>>
      %dma_start3A_66 = tpu.memref_slice %arg3[%add3A_42] : memref<24576xf32, #tpu.memory_space<hbm>> -> memref<256xf32, #tpu.memory_space<hbm>>
      tpu.enqueue_dma source(%dma_start3A_66 : memref<256xf32, #tpu.memory_space<hbm>>) target(%dma_start3A_65 : memref<256xf32, #tpu.memory_space<vmem>>) target_semaphore(%run_scoped3A : memref<!tpu.dma_semaphore, #tpu.memory_space<semaphore_mem>>)
      %dma_wait3A = arith.constant 0 : i32
      %dma_wait3A_67 = tpu.memref_slice %arg10[%dma_wait3A] : memref<272xf32, #tpu.memory_space<vmem>> -> memref<256xf32, #tpu.memory_space<vmem>>
      %dma_wait3A_68 = tpu.memref_slice %arg3[%add3A_42] : memref<24576xf32, #tpu.memory_space<hbm>> -> memref<256xf32, #tpu.memory_space<hbm>>
      %dma_wait3A_69 = arith.constant 0 : i32
      %dma_wait3A_70 = tpu.memref_slice %arg10[%dma_wait3A_69] : memref<272xf32, #tpu.memory_space<vmem>> -> memref<256xf32, #tpu.memory_space<vmem>>
      %dma_wait3A_71 = tpu.memref_slice %arg3[%add3A_42] : memref<24576xf32, #tpu.memory_space<hbm>> -> memref<256xf32, #tpu.memory_space<hbm>>
      tpu.wait_dma2 semaphore(%run_scoped3A : memref<!tpu.dma_semaphore, #tpu.memory_space<semaphore_mem>>) src(%dma_wait3A_71 : memref<256xf32, #tpu.memory_space<hbm>>) dst(%dma_wait3A_70 : memref<256xf32, #tpu.memory_space<vmem>>)
      tpu.yield
    }) : () -> ()
    %iota3A = tpu.iota {dimensions = array<i32: 0>} : vector<16xi32>
    %scan3A = arith.constant 0 : i32
    %scan3A_43 = arith.constant 0 : i32
    %scan3A_44 = arith.constant 256 : i32
    %scan3A_45 = arith.addi %scan3A_43, %scan3A_44 : i32
    %scan3A_46 = arith.constant 1 : i32
    %scan3A_47 = scf.for %scan3A_62 = %scan3A_43 to %scan3A_45 step %scan3A_46 iter_args(%scan3A_63 = %scan3A) -> (i32)  : i32 {
      %get3A = arith.index_cast %scan3A_62 : i32 to index
      %get3A_64 = tpu.vector_load %arg8[%get3A] {strides = array<i32>} : memref<272xf32, #tpu.memory_space<vmem>>, vector<16xf32>,
      %slice3A = vector.extract_strided_slice %get3A_64 {offsets = [0], sizes = [1], strides = [1]} : vector<16xf32> to vector<1xf32>
      %squeeze3A = vector.extract %slice3A[0] : f32 from vector<1xf32>
      %get3A_65 = arith.index_cast %scan3A_62 : i32 to index
      %get3A_66 = tpu.vector_load %arg9[%get3A_65] {strides = array<i32>} : memref<272xf32, #tpu.memory_space<vmem>>, vector<16xf32>,
      %slice3A_67 = vector.extract_strided_slice %get3A_66 {offsets = [0], sizes = [1], strides = [1]} : vector<16xf32> to vector<1xf32>
      %squeeze3A_68 = vector.extract %slice3A_67[0] : f32 from vector<1xf32>
      %get3A_69 = arith.index_cast %scan3A_62 : i32 to index
      %get3A_70 = tpu.vector_load %arg10[%get3A_69] {strides = array<i32>} : memref<272xf32, #tpu.memory_space<vmem>>, vector<16xf32>,
      %slice3A_71 = vector.extract_strided_slice %get3A_70 {offsets = [0], sizes = [1], strides = [1]} : vector<16xf32> to vector<1xf32>
      %squeeze3A_72 = vector.extract %slice3A_71[0] : f32 from vector<1xf32>
      %scan3A_73 = arith.constant 0 : i32
      %scan3A_74 = arith.constant 0 : i32
      %scan3A_75 = arith.constant 64 : i32
      %scan3A_76 = arith.addi %scan3A_74, %scan3A_75 : i32
      %scan3A_77 = arith.constant 1 : i32
      %scan3A_78 = scf.for %scan3A_193 = %scan3A_74 to %scan3A_76 step %scan3A_77 iter_args(%scan3A_194 = %scan3A_73) -> (i32)  : i32 {
        %mul3A_195 = arith.constant 16 : i32
        %mul3A_196 = arith.muli %scan3A_193, %mul3A_195 : i32
        %get3A_197 = arith.index_cast %mul3A_196 : i32 to index
        %get3A_198 = tpu.vector_load %arg5[%get3A_197] {strides = array<i32>} : memref<1024xf32, #tpu.memory_space<vmem>>, vector<16xf32>,
        %mul3A_199 = arith.constant 16 : i32
        %mul3A_200 = arith.muli %scan3A_193, %mul3A_199 : i32
        %get3A_201 = arith.index_cast %mul3A_200 : i32 to index
        %get3A_202 = tpu.vector_load %arg6[%get3A_201] {strides = array<i32>} : memref<1024xf32, #tpu.memory_space<vmem>>, vector<16xf32>,
        %mul3A_203 = arith.constant 16 : i32
        %mul3A_204 = arith.muli %scan3A_193, %mul3A_203 : i32
        %get3A_205 = arith.index_cast %mul3A_204 : i32 to index
        %get3A_206 = tpu.vector_load %arg7[%get3A_205] {strides = array<i32>} : memref<1024xf32, #tpu.memory_space<vmem>>, vector<16xf32>,
        %sub3A_207 = vector.broadcast %squeeze3A : f32 to vector<16xf32>
        %sub3A_208 = arith.subf %get3A_198, %sub3A_207 : vector<16xf32>
        %sub3A_209 = vector.broadcast %squeeze3A_68 : f32 to vector<16xf32>
        %sub3A_210 = arith.subf %get3A_202, %sub3A_209 : vector<16xf32>
        %sub3A_211 = vector.broadcast %squeeze3A_72 : f32 to vector<16xf32>
        %sub3A_212 = arith.subf %get3A_206, %sub3A_211 : vector<16xf32>
        %mul3A_213 = arith.mulf %sub3A_208, %sub3A_208 : vector<16xf32>
        %mul3A_214 = arith.mulf %sub3A_210, %sub3A_210 : vector<16xf32>
        %add3A_215 = arith.addf %mul3A_213, %mul3A_214 : vector<16xf32>
        %mul3A_216 = arith.mulf %sub3A_212, %sub3A_212 : vector<16xf32>
        %add3A_217 = arith.addf %add3A_215, %mul3A_216 : vector<16xf32>
        %le3A = arith.constant 4.000000e-02 : f32
        %le3A_218 = vector.broadcast %le3A : f32 to vector<16xf32>
        %le3A_219 = arith.cmpf ole, %add3A_217, %le3A_218 : vector<16xf32>
        %convert_element_type3A = arith.extui %le3A_219 : vector<16xi1> to vector<16xi32>
        %broadcast_in_dim3A_220 = arith.constant true
        %broadcast_in_dim3A_221 = vector.broadcast %broadcast_in_dim3A_220 : i1 to vector<16xi1>
        %masked_cumsum3A = tpu.scan <sum>, %convert_element_type3A masked %broadcast_in_dim3A_221 : vector<16xi32>, vector<16xi1> -> vector<16xi32>
        %sub3A_222 = arith.constant 1 : i32
        %sub3A_223 = vector.broadcast %sub3A_222 : i32 to vector<16xi32>
        %sub3A_224 = arith.subi %masked_cumsum3A, %sub3A_223 : vector<16xi32>
        %add3A_225 = vector.broadcast %scan3A_194 : i32 to vector<16xi32>
        %add3A_226 = arith.addi %add3A_225, %sub3A_224 : vector<16xi32>
        %add3A_227 = arith.constant 1024 : i32
        %add3A_228 = vector.broadcast %add3A_227 : i32 to vector<16xi32>
        %add3A_229 = arith.addi %add3A_228, %iota3A : vector<16xi32>
        %select_n3A_230 = arith.select %le3A_219, %add3A_226, %add3A_229 : vector<16xi1>, vector<16xi32>
        %mul3A_231 = arith.constant 16 : i32
        %mul3A_232 = arith.muli %scan3A_193, %mul3A_231 : i32
        %add3A_233 = vector.broadcast %mul3A_232 : i32 to vector<16xi32>
        %add3A_234 = arith.addi %iota3A, %add3A_233 : vector<16xi32>
        tpu.vector_store_idx %arg11[%select_n3A_230], %add3A_234 : memref<1056xi32, #tpu.memory_space<vmem>>[vector<16xi32>], vector<16xi32>,
        %slice3A_235 = vector.extract_strided_slice %masked_cumsum3A {offsets = [15], sizes = [1], strides = [1]} : vector<16xi32> to vector<1xi32>
        %squeeze3A_236 = vector.extract %slice3A_235[0] : i32 from vector<1xi32>
        %add3A_237 = arith.addi %scan3A_194, %squeeze3A_236 : i32
        scf.yield %add3A_237 : i32
      }
      %scan3A_79 = arith.constant 64 : i32
      %min3A = arith.constant 64 : i32
      %min3A_80 = arith.minsi %scan3A_78, %min3A : i32
      %get3A_81 = arith.constant 0 : index
      %get3A_82 = tpu.vector_load %arg11[%get3A_81] {strides = array<i32>} : memref<1056xi32, #tpu.memory_space<vmem>>, vector<16xi32>,
      %slice3A_83 = vector.extract_strided_slice %get3A_82 {offsets = [0], sizes = [1], strides = [1]} : vector<16xi32> to vector<1xi32>
      %squeeze3A_84 = vector.extract %slice3A_83[0] : i32 from vector<1xi32>
      %get3A_85 = arith.constant 0 : index
      %get3A_86 = tpu.vector_load %arg11[%get3A_85] {strides = array<i32>} : memref<1056xi32, #tpu.memory_space<vmem>>, vector<16xi32>,
      %add3A_87 = arith.constant 0 : i32
      %add3A_88 = vector.broadcast %add3A_87 : i32 to vector<16xi32>
      %add3A_89 = arith.addi %iota3A, %add3A_88 : vector<16xi32>
      %lt3A = vector.broadcast %min3A_80 : i32 to vector<16xi32>
      %lt3A_90 = arith.cmpi slt, %add3A_89, %lt3A : vector<16xi32>
      %broadcast_in_dim3A = vector.broadcast %squeeze3A_84 : i32 to vector<16xi32>
      %select_n3A = arith.select %lt3A_90, %get3A_86, %broadcast_in_dim3A : vector<16xi1>, vector<16xi32>
      %mul3A_91 = arith.constant 64 : i32
      %mul3A_92 = arith.muli %scan3A_62, %mul3A_91 : i32
      %add3A_93 = vector.broadcast %mul3A_92 : i32 to vector<16xi32>
      %add3A_94 = arith.addi %add3A_93, %add3A_89 : vector<16xi32>
      %gather3A = tpu.vector_load_idx %arg5[%select_n3A] : memref<1024xf32, #tpu.memory_space<vmem>>[vector<16xi32>], vector<16xf32>,
      %sub3A = vector.broadcast %squeeze3A : f32 to vector<16xf32>
      %sub3A_95 = arith.subf %gather3A, %sub3A : vector<16xf32>
      tpu.vector_store_idx %arg12[%add3A_94], %sub3A_95 : memref<49152xf32, #tpu.memory_space<vmem>>[vector<16xi32>], vector<16xf32>,
      %add3A_96 = arith.constant 16384 : i32
      %add3A_97 = vector.broadcast %add3A_96 : i32 to vector<16xi32>
      %add3A_98 = arith.addi %add3A_94, %add3A_97 : vector<16xi32>
      %gather3A_99 = tpu.vector_load_idx %arg6[%select_n3A] : memref<1024xf32, #tpu.memory_space<vmem>>[vector<16xi32>], vector<16xf32>,
      %sub3A_100 = vector.broadcast %squeeze3A_68 : f32 to vector<16xf32>
      %sub3A_101 = arith.subf %gather3A_99, %sub3A_100 : vector<16xf32>
      tpu.vector_store_idx %arg12[%add3A_98], %sub3A_101 : memref<49152xf32, #tpu.memory_space<vmem>>[vector<16xi32>], vector<16xf32>,
      %add3A_102 = arith.constant 32768 : i32
      %add3A_103 = vector.broadcast %add3A_102 : i32 to vector<16xi32>
      %add3A_104 = arith.addi %add3A_94, %add3A_103 : vector<16xi32>
      %gather3A_105 = tpu.vector_load_idx %arg7[%select_n3A] : memref<1024xf32, #tpu.memory_space<vmem>>[vector<16xi32>], vector<16xf32>,
      %sub3A_106 = vector.broadcast %squeeze3A_72 : f32 to vector<16xf32>
      %sub3A_107 = arith.subf %gather3A_105, %sub3A_106 : vector<16xf32>
      tpu.vector_store_idx %arg12[%add3A_104], %sub3A_107 : memref<49152xf32, #tpu.memory_space<vmem>>[vector<16xi32>], vector<16xf32>,
      %get3A_108 = arith.constant 16 : index
      %get3A_109 = tpu.vector_load %arg11[%get3A_108] {strides = array<i32>} : memref<1056xi32, #tpu.memory_space<vmem>>, vector<16xi32>,
      %add3A_110 = arith.constant 16 : i32
      %add3A_111 = vector.broadcast %add3A_110 : i32 to vector<16xi32>
      %add3A_112 = arith.addi %iota3A, %add3A_111 : vector<16xi32>
      %lt3A_113 = vector.broadcast %min3A_80 : i32 to vector<16xi32>
      %lt3A_114 = arith.cmpi slt, %add3A_112, %lt3A_113 : vector<16xi32>
      %broadcast_in_dim3A_115 = vector.broadcast %squeeze3A_84 : i32 to vector<16xi32>
      %select_n3A_116 = arith.select %lt3A_114, %get3A_109, %broadcast_in_dim3A_115 : vector<16xi1>, vector<16xi32>
      %mul3A_117 = arith.constant 64 : i32
      %mul3A_118 = arith.muli %scan3A_62, %mul3A_117 : i32
      %add3A_119 = vector.broadcast %mul3A_118 : i32 to vector<16xi32>
      %add3A_120 = arith.addi %add3A_119, %add3A_112 : vector<16xi32>
      %gather3A_121 = tpu.vector_load_idx %arg5[%select_n3A_116] : memref<1024xf32, #tpu.memory_space<vmem>>[vector<16xi32>], vector<16xf32>,
      %sub3A_122 = vector.broadcast %squeeze3A : f32 to vector<16xf32>
      %sub3A_123 = arith.subf %gather3A_121, %sub3A_122 : vector<16xf32>
      tpu.vector_store_idx %arg12[%add3A_120], %sub3A_123 : memref<49152xf32, #tpu.memory_space<vmem>>[vector<16xi32>], vector<16xf32>,
      %add3A_124 = arith.constant 16384 : i32
      %add3A_125 = vector.broadcast %add3A_124 : i32 to vector<16xi32>
      %add3A_126 = arith.addi %add3A_120, %add3A_125 : vector<16xi32>
      %gather3A_127 = tpu.vector_load_idx %arg6[%select_n3A_116] : memref<1024xf32, #tpu.memory_space<vmem>>[vector<16xi32>], vector<16xf32>,
      %sub3A_128 = vector.broadcast %squeeze3A_68 : f32 to vector<16xf32>
      %sub3A_129 = arith.subf %gather3A_127, %sub3A_128 : vector<16xf32>
      tpu.vector_store_idx %arg12[%add3A_126], %sub3A_129 : memref<49152xf32, #tpu.memory_space<vmem>>[vector<16xi32>], vector<16xf32>,
      %add3A_130 = arith.constant 32768 : i32
      %add3A_131 = vector.broadcast %add3A_130 : i32 to vector<16xi32>
      %add3A_132 = arith.addi %add3A_120, %add3A_131 : vector<16xi32>
      %gather3A_133 = tpu.vector_load_idx %arg7[%select_n3A_116] : memref<1024xf32, #tpu.memory_space<vmem>>[vector<16xi32>], vector<16xf32>,
      %sub3A_134 = vector.broadcast %squeeze3A_72 : f32 to vector<16xf32>
      %sub3A_135 = arith.subf %gather3A_133, %sub3A_134 : vector<16xf32>
      tpu.vector_store_idx %arg12[%add3A_132], %sub3A_135 : memref<49152xf32, #tpu.memory_space<vmem>>[vector<16xi32>], vector<16xf32>,
      %get3A_136 = arith.constant 32 : index
      %get3A_137 = tpu.vector_load %arg11[%get3A_136] {strides = array<i32>} : memref<1056xi32, #tpu.memory_space<vmem>>, vector<16xi32>,
      %add3A_138 = arith.constant 32 : i32
      %add3A_139 = vector.broadcast %add3A_138 : i32 to vector<16xi32>
      %add3A_140 = arith.addi %iota3A, %add3A_139 : vector<16xi32>
      %lt3A_141 = vector.broadcast %min3A_80 : i32 to vector<16xi32>
      %lt3A_142 = arith.cmpi slt, %add3A_140, %lt3A_141 : vector<16xi32>
      %broadcast_in_dim3A_143 = vector.broadcast %squeeze3A_84 : i32 to vector<16xi32>
      %select_n3A_144 = arith.select %lt3A_142, %get3A_137, %broadcast_in_dim3A_143 : vector<16xi1>, vector<16xi32>
      %mul3A_145 = arith.constant 64 : i32
      %mul3A_146 = arith.muli %scan3A_62, %mul3A_145 : i32
      %add3A_147 = vector.broadcast %mul3A_146 : i32 to vector<16xi32>
      %add3A_148 = arith.addi %add3A_147, %add3A_140 : vector<16xi32>
      %gather3A_149 = tpu.vector_load_idx %arg5[%select_n3A_144] : memref<1024xf32, #tpu.memory_space<vmem>>[vector<16xi32>], vector<16xf32>,
      %sub3A_150 = vector.broadcast %squeeze3A : f32 to vector<16xf32>
      %sub3A_151 = arith.subf %gather3A_149, %sub3A_150 : vector<16xf32>
      tpu.vector_store_idx %arg12[%add3A_148], %sub3A_151 : memref<49152xf32, #tpu.memory_space<vmem>>[vector<16xi32>], vector<16xf32>,
      %add3A_152 = arith.constant 16384 : i32
      %add3A_153 = vector.broadcast %add3A_152 : i32 to vector<16xi32>
      %add3A_154 = arith.addi %add3A_148, %add3A_153 : vector<16xi32>
      %gather3A_155 = tpu.vector_load_idx %arg6[%select_n3A_144] : memref<1024xf32, #tpu.memory_space<vmem>>[vector<16xi32>], vector<16xf32>,
      %sub3A_156 = vector.broadcast %squeeze3A_68 : f32 to vector<16xf32>
      %sub3A_157 = arith.subf %gather3A_155, %sub3A_156 : vector<16xf32>
      tpu.vector_store_idx %arg12[%add3A_154], %sub3A_157 : memref<49152xf32, #tpu.memory_space<vmem>>[vector<16xi32>], vector<16xf32>,
      %add3A_158 = arith.constant 32768 : i32
      %add3A_159 = vector.broadcast %add3A_158 : i32 to vector<16xi32>
      %add3A_160 = arith.addi %add3A_148, %add3A_159 : vector<16xi32>
      %gather3A_161 = tpu.vector_load_idx %arg7[%select_n3A_144] : memref<1024xf32, #tpu.memory_space<vmem>>[vector<16xi32>], vector<16xf32>,
      %sub3A_162 = vector.broadcast %squeeze3A_72 : f32 to vector<16xf32>
      %sub3A_163 = arith.subf %gather3A_161, %sub3A_162 : vector<16xf32>
      tpu.vector_store_idx %arg12[%add3A_160], %sub3A_163 : memref<49152xf32, #tpu.memory_space<vmem>>[vector<16xi32>], vector<16xf32>,
      %get3A_164 = arith.constant 48 : index
      %get3A_165 = tpu.vector_load %arg11[%get3A_164] {strides = array<i32>} : memref<1056xi32, #tpu.memory_space<vmem>>, vector<16xi32>,
      %add3A_166 = arith.constant 48 : i32
      %add3A_167 = vector.broadcast %add3A_166 : i32 to vector<16xi32>
      %add3A_168 = arith.addi %iota3A, %add3A_167 : vector<16xi32>
      %lt3A_169 = vector.broadcast %min3A_80 : i32 to vector<16xi32>
      %lt3A_170 = arith.cmpi slt, %add3A_168, %lt3A_169 : vector<16xi32>
      %broadcast_in_dim3A_171 = vector.broadcast %squeeze3A_84 : i32 to vector<16xi32>
      %select_n3A_172 = arith.select %lt3A_170, %get3A_165, %broadcast_in_dim3A_171 : vector<16xi1>, vector<16xi32>
      %mul3A_173 = arith.constant 64 : i32
      %mul3A_174 = arith.muli %scan3A_62, %mul3A_173 : i32
      %add3A_175 = vector.broadcast %mul3A_174 : i32 to vector<16xi32>
      %add3A_176 = arith.addi %add3A_175, %add3A_168 : vector<16xi32>
      %gather3A_177 = tpu.vector_load_idx %arg5[%select_n3A_172] : memref<1024xf32, #tpu.memory_space<vmem>>[vector<16xi32>], vector<16xf32>,
      %sub3A_178 = vector.broadcast %squeeze3A : f32 to vector<16xf32>
      %sub3A_179 = arith.subf %gather3A_177, %sub3A_178 : vector<16xf32>
      tpu.vector_store_idx %arg12[%add3A_176], %sub3A_179 : memref<49152xf32, #tpu.memory_space<vmem>>[vector<16xi32>], vector<16xf32>,
      %add3A_180 = arith.constant 16384 : i32
      %add3A_181 = vector.broadcast %add3A_180 : i32 to vector<16xi32>
      %add3A_182 = arith.addi %add3A_176, %add3A_181 : vector<16xi32>
      %gather3A_183 = tpu.vector_load_idx %arg6[%select_n3A_172] : memref<1024xf32, #tpu.memory_space<vmem>>[vector<16xi32>], vector<16xf32>,
      %sub3A_184 = vector.broadcast %squeeze3A_68 : f32 to vector<16xf32>
      %sub3A_185 = arith.subf %gather3A_183, %sub3A_184 : vector<16xf32>
      tpu.vector_store_idx %arg12[%add3A_182], %sub3A_185 : memref<49152xf32, #tpu.memory_space<vmem>>[vector<16xi32>], vector<16xf32>,
      %add3A_186 = arith.constant 32768 : i32
      %add3A_187 = vector.broadcast %add3A_186 : i32 to vector<16xi32>
      %add3A_188 = arith.addi %add3A_176, %add3A_187 : vector<16xi32>
      %gather3A_189 = tpu.vector_load_idx %arg7[%select_n3A_172] : memref<1024xf32, #tpu.memory_space<vmem>>[vector<16xi32>], vector<16xf32>,
      %sub3A_190 = vector.broadcast %squeeze3A_72 : f32 to vector<16xf32>
      %sub3A_191 = arith.subf %gather3A_189, %sub3A_190 : vector<16xf32>
      tpu.vector_store_idx %arg12[%add3A_188], %sub3A_191 : memref<49152xf32, #tpu.memory_space<vmem>>[vector<16xi32>], vector<16xf32>,
      %scan3A_192 = arith.constant 0 : i32
      scf.yield %scan3A_192 : i32
    }
    %scan3A_48 = arith.constant 256 : i32
    %mul3A_49 = arith.constant 512 : i32
    %mul3A_50 = arith.muli %arg1, %mul3A_49 : i32
    %mul3A_51 = arith.constant 256 : i32
    %mul3A_52 = arith.muli %arg0, %mul3A_51 : i32
    %add3A_53 = arith.addi %mul3A_50, %mul3A_52 : i32
    %mul3A_54 = arith.constant 64 : i32
    %mul3A_55 = arith.muli %add3A_53, %mul3A_54 : i32
    %add3A_56 = arith.constant 0 : i32
    %add3A_57 = arith.addi %add3A_56, %mul3A_55 : i32
    "tpu.region"() ({
      %run_scoped3A = tpu.sem_alloc : memref<!tpu.dma_semaphore, #tpu.memory_space<semaphore_mem>>
      %dma_start3A = arith.constant 0 : i32
      %dma_start3A_62 = tpu.memref_slice %arg12[%dma_start3A] : memref<49152xf32, #tpu.memory_space<vmem>> -> memref<16384xf32, #tpu.memory_space<vmem>>
      %dma_start3A_63 = tpu.memref_slice %arg4[%add3A_57] : memref<1572864xf32, #tpu.memory_space<hbm>> -> memref<16384xf32, #tpu.memory_space<hbm>>
      %dma_start3A_64 = tpu.memref_slice %arg4[%add3A_57] : memref<1572864xf32, #tpu.memory_space<hbm>> -> memref<16384xf32, #tpu.memory_space<hbm>>
      %dma_start3A_65 = arith.constant 0 : i32
      %dma_start3A_66 = tpu.memref_slice %arg12[%dma_start3A_65] : memref<49152xf32, #tpu.memory_space<vmem>> -> memref<16384xf32, #tpu.memory_space<vmem>>
      tpu.enqueue_dma source(%dma_start3A_66 : memref<16384xf32, #tpu.memory_space<vmem>>) target(%dma_start3A_64 : memref<16384xf32, #tpu.memory_space<hbm>>) target_semaphore(%run_scoped3A : memref<!tpu.dma_semaphore, #tpu.memory_space<semaphore_mem>>)
      %dma_wait3A = arith.constant 0 : i32
      %dma_wait3A_67 = tpu.memref_slice %arg12[%dma_wait3A] : memref<49152xf32, #tpu.memory_space<vmem>> -> memref<16384xf32, #tpu.memory_space<vmem>>
      %dma_wait3A_68 = tpu.memref_slice %arg4[%add3A_57] : memref<1572864xf32, #tpu.memory_space<hbm>> -> memref<16384xf32, #tpu.memory_space<hbm>>
      %dma_wait3A_69 = tpu.memref_slice %arg4[%add3A_57] : memref<1572864xf32, #tpu.memory_space<hbm>> -> memref<16384xf32, #tpu.memory_space<hbm>>
      %dma_wait3A_70 = arith.constant 0 : i32
      %dma_wait3A_71 = tpu.memref_slice %arg12[%dma_wait3A_70] : memref<49152xf32, #tpu.memory_space<vmem>> -> memref<16384xf32, #tpu.memory_space<vmem>>
      tpu.wait_dma2 semaphore(%run_scoped3A : memref<!tpu.dma_semaphore, #tpu.memory_space<semaphore_mem>>) src(%dma_wait3A_71 : memref<16384xf32, #tpu.memory_space<vmem>>) dst(%dma_wait3A_69 : memref<16384xf32, #tpu.memory_space<hbm>>)
      tpu.yield
    }) : () -> ()
    %add3A_58 = arith.constant 524288 : i32
    %add3A_59 = arith.addi %add3A_58, %mul3A_55 : i32
    "tpu.region"() ({
      %run_scoped3A = tpu.sem_alloc : memref<!tpu.dma_semaphore, #tpu.memory_space<semaphore_mem>>
      %dma_start3A = arith.constant 16384 : i32
      %dma_start3A_62 = tpu.memref_slice %arg12[%dma_start3A] : memref<49152xf32, #tpu.memory_space<vmem>> -> memref<16384xf32, #tpu.memory_space<vmem>>
      %dma_start3A_63 = tpu.memref_slice %arg4[%add3A_59] : memref<1572864xf32, #tpu.memory_space<hbm>> -> memref<16384xf32, #tpu.memory_space<hbm>>
      %dma_start3A_64 = tpu.memref_slice %arg4[%add3A_59] : memref<1572864xf32, #tpu.memory_space<hbm>> -> memref<16384xf32, #tpu.memory_space<hbm>>
      %dma_start3A_65 = arith.constant 16384 : i32
      %dma_start3A_66 = tpu.memref_slice %arg12[%dma_start3A_65] : memref<49152xf32, #tpu.memory_space<vmem>> -> memref<16384xf32, #tpu.memory_space<vmem>>
      tpu.enqueue_dma source(%dma_start3A_66 : memref<16384xf32, #tpu.memory_space<vmem>>) target(%dma_start3A_64 : memref<16384xf32, #tpu.memory_space<hbm>>) target_semaphore(%run_scoped3A : memref<!tpu.dma_semaphore, #tpu.memory_space<semaphore_mem>>)
      %dma_wait3A = arith.constant 16384 : i32
      %dma_wait3A_67 = tpu.memref_slice %arg12[%dma_wait3A] : memref<49152xf32, #tpu.memory_space<vmem>> -> memref<16384xf32, #tpu.memory_space<vmem>>
      %dma_wait3A_68 = tpu.memref_slice %arg4[%add3A_59] : memref<1572864xf32, #tpu.memory_space<hbm>> -> memref<16384xf32, #tpu.memory_space<hbm>>
      %dma_wait3A_69 = tpu.memref_slice %arg4[%add3A_59] : memref<1572864xf32, #tpu.memory_space<hbm>> -> memref<16384xf32, #tpu.memory_space<hbm>>
      %dma_wait3A_70 = arith.constant 16384 : i32
      %dma_wait3A_71 = tpu.memref_slice %arg12[%dma_wait3A_70] : memref<49152xf32, #tpu.memory_space<vmem>> -> memref<16384xf32, #tpu.memory_space<vmem>>
      tpu.wait_dma2 semaphore(%run_scoped3A : memref<!tpu.dma_semaphore, #tpu.memory_space<semaphore_mem>>) src(%dma_wait3A_71 : memref<16384xf32, #tpu.memory_space<vmem>>) dst(%dma_wait3A_69 : memref<16384xf32, #tpu.memory_space<hbm>>)
      tpu.yield
    }) : () -> ()
    %add3A_60 = arith.constant 1048576 : i32
    %add3A_61 = arith.addi %add3A_60, %mul3A_55 : i32
    "tpu.region"() ({
      %run_scoped3A = tpu.sem_alloc : memref<!tpu.dma_semaphore, #tpu.memory_space<semaphore_mem>>
      %dma_start3A = arith.constant 32768 : i32
      %dma_start3A_62 = tpu.memref_slice %arg12[%dma_start3A] : memref<49152xf32, #tpu.memory_space<vmem>> -> memref<16384xf32, #tpu.memory_space<vmem>>
      %dma_start3A_63 = tpu.memref_slice %arg4[%add3A_61] : memref<1572864xf32, #tpu.memory_space<hbm>> -> memref<16384xf32, #tpu.memory_space<hbm>>
      %dma_start3A_64 = tpu.memref_slice %arg4[%add3A_61] : memref<1572864xf32, #tpu.memory_space<hbm>> -> memref<16384xf32, #tpu.memory_space<hbm>>
      %dma_start3A_65 = arith.constant 32768 : i32
      %dma_start3A_66 = tpu.memref_slice %arg12[%dma_start3A_65] : memref<49152xf32, #tpu.memory_space<vmem>> -> memref<16384xf32, #tpu.memory_space<vmem>>
      tpu.enqueue_dma source(%dma_start3A_66 : memref<16384xf32, #tpu.memory_space<vmem>>) target(%dma_start3A_64 : memref<16384xf32, #tpu.memory_space<hbm>>) target_semaphore(%run_scoped3A : memref<!tpu.dma_semaphore, #tpu.memory_space<semaphore_mem>>)
      %dma_wait3A = arith.constant 32768 : i32
      %dma_wait3A_67 = tpu.memref_slice %arg12[%dma_wait3A] : memref<49152xf32, #tpu.memory_space<vmem>> -> memref<16384xf32, #tpu.memory_space<vmem>>
      %dma_wait3A_68 = tpu.memref_slice %arg4[%add3A_61] : memref<1572864xf32, #tpu.memory_space<hbm>> -> memref<16384xf32, #tpu.memory_space<hbm>>
      %dma_wait3A_69 = tpu.memref_slice %arg4[%add3A_61] : memref<1572864xf32, #tpu.memory_space<hbm>> -> memref<16384xf32, #tpu.memory_space<hbm>>
      %dma_wait3A_70 = arith.constant 32768 : i32
      %dma_wait3A_71 = tpu.memref_slice %arg12[%dma_wait3A_70] : memref<49152xf32, #tpu.memory_space<vmem>> -> memref<16384xf32, #tpu.memory_space<vmem>>
      tpu.wait_dma2 semaphore(%run_scoped3A : memref<!tpu.dma_semaphore, #tpu.memory_space<semaphore_mem>>) src(%dma_wait3A_71 : memref<16384xf32, #tpu.memory_space<vmem>>) dst(%dma_wait3A_69 : memref<16384xf32, #tpu.memory_space<hbm>>)
      tpu.yield
    }) : () -> ()
    return
  }
}

#map = affine_map<(d0, d1) -> (0)>
#map1 = affine_map<(d0, d1) -> (0, 0)>
module attributes {stable_mosaic.version = 14 : i64} {
  func.func @bq(%arg0: i32, %arg1: i32, %arg2: memref<24576xf32, #tpu.memory_space<hbm>>, %arg3: memref<6144xf32, #tpu.memory_space<hbm>>, %arg4: memref<8192x128xf32, #tpu.memory_space<hbm>>, %arg5: memref<131072x128xf32, #tpu.memory_space<hbm>>, %arg6: memref<393216xf32, #tpu.memory_space<hbm>>, %arg7: memref<512xf32, #tpu.memory_space<vmem>>, %arg8: memref<512xf32, #tpu.memory_space<vmem>>, %arg9: memref<512xf32, #tpu.memory_space<vmem>>, %arg10: memref<80xf32, #tpu.memory_space<vmem>>, %arg11: memref<80xf32, #tpu.memory_space<vmem>>, %arg12: memref<80xf32, #tpu.memory_space<vmem>>, %arg13: memref<544xi32, #tpu.memory_space<vmem>>, %arg14: memref<64xi32, #tpu.memory_space<vmem>>, %arg15: memref<64xi32, #tpu.memory_space<vmem>>, %arg16: memref<64x128xf32, #tpu.memory_space<vmem>>, %arg17: memref<64x128xf32, #tpu.memory_space<vmem>>, %arg18: memref<12288xf32, #tpu.memory_space<vmem>>, %arg19: memref<!tpu.dma_semaphore, #tpu.memory_space<semaphore_mem>>, %arg20: memref<!tpu.dma_semaphore, #tpu.memory_space<semaphore_mem>>, %arg21: memref<!tpu.dma_semaphore, #tpu.memory_space<semaphore_mem>>, %arg22: memref<!tpu.dma_semaphore, #tpu.memory_space<semaphore_mem>>) attributes {dimension_semantics = [#tpu.dimension_semantics<core_parallel>, #tpu.dimension_semantics<subcore_parallel>], iteration_bounds = array<i64: 2, 16>, scalar_prefetch = 0 : i64, scratch_operands = 16 : i64, tpu.core_type = #tpu.core_type<sc_vector_subcore>, window_params = [{transform_indices = #map}, {transform_indices = #map}, {transform_indices = #map1}, {transform_indices = #map1}, {transform_indices = #map}]} {
    %mul3A = arith.constant 3 : i32
    %mul3A_0 = arith.muli %arg1, %mul3A : i32
    %add3A = arith.constant 0 : i32
    %add3A_1 = arith.addi %mul3A_0, %add3A : i32
    %mul3A_2 = arith.constant 512 : i32
    %mul3A_3 = arith.muli %add3A_1, %mul3A_2 : i32
    "tpu.region"() ({
      %run_scoped3A = tpu.sem_alloc : memref<!tpu.dma_semaphore, #tpu.memory_space<semaphore_mem>>
      %dma_start3A_91 = tpu.memref_slice %arg2[%mul3A_3] : memref<24576xf32, #tpu.memory_space<hbm>> -> memref<512xf32, #tpu.memory_space<hbm>>
      %dma_start3A_92 = tpu.memref_slice %arg2[%mul3A_3] : memref<24576xf32, #tpu.memory_space<hbm>> -> memref<512xf32, #tpu.memory_space<hbm>>
      tpu.enqueue_dma source(%dma_start3A_92 : memref<512xf32, #tpu.memory_space<hbm>>) target(%arg7 : memref<512xf32, #tpu.memory_space<vmem>>) target_semaphore(%run_scoped3A : memref<!tpu.dma_semaphore, #tpu.memory_space<semaphore_mem>>)
      %dma_wait3A_93 = tpu.memref_slice %arg2[%mul3A_3] : memref<24576xf32, #tpu.memory_space<hbm>> -> memref<512xf32, #tpu.memory_space<hbm>>
      %dma_wait3A_94 = tpu.memref_slice %arg2[%mul3A_3] : memref<24576xf32, #tpu.memory_space<hbm>> -> memref<512xf32, #tpu.memory_space<hbm>>
      tpu.wait_dma2 semaphore(%run_scoped3A : memref<!tpu.dma_semaphore, #tpu.memory_space<semaphore_mem>>) src(%dma_wait3A_94 : memref<512xf32, #tpu.memory_space<hbm>>) dst(%arg7 : memref<512xf32, #tpu.memory_space<vmem>>)
      tpu.yield
    }) : () -> ()
    %mul3A_4 = arith.constant 3 : i32
    %mul3A_5 = arith.muli %arg1, %mul3A_4 : i32
    %add3A_6 = arith.constant 1 : i32
    %add3A_7 = arith.addi %mul3A_5, %add3A_6 : i32
    %mul3A_8 = arith.constant 512 : i32
    %mul3A_9 = arith.muli %add3A_7, %mul3A_8 : i32
    "tpu.region"() ({
      %run_scoped3A = tpu.sem_alloc : memref<!tpu.dma_semaphore, #tpu.memory_space<semaphore_mem>>
      %dma_start3A_91 = tpu.memref_slice %arg2[%mul3A_9] : memref<24576xf32, #tpu.memory_space<hbm>> -> memref<512xf32, #tpu.memory_space<hbm>>
      %dma_start3A_92 = tpu.memref_slice %arg2[%mul3A_9] : memref<24576xf32, #tpu.memory_space<hbm>> -> memref<512xf32, #tpu.memory_space<hbm>>
      tpu.enqueue_dma source(%dma_start3A_92 : memref<512xf32, #tpu.memory_space<hbm>>) target(%arg8 : memref<512xf32, #tpu.memory_space<vmem>>) target_semaphore(%run_scoped3A : memref<!tpu.dma_semaphore, #tpu.memory_space<semaphore_mem>>)
      %dma_wait3A_93 = tpu.memref_slice %arg2[%mul3A_9] : memref<24576xf32, #tpu.memory_space<hbm>> -> memref<512xf32, #tpu.memory_space<hbm>>
      %dma_wait3A_94 = tpu.memref_slice %arg2[%mul3A_9] : memref<24576xf32, #tpu.memory_space<hbm>> -> memref<512xf32, #tpu.memory_space<hbm>>
      tpu.wait_dma2 semaphore(%run_scoped3A : memref<!tpu.dma_semaphore, #tpu.memory_space<semaphore_mem>>) src(%dma_wait3A_94 : memref<512xf32, #tpu.memory_space<hbm>>) dst(%arg8 : memref<512xf32, #tpu.memory_space<vmem>>)
      tpu.yield
    }) : () -> ()
    %mul3A_10 = arith.constant 3 : i32
    %mul3A_11 = arith.muli %arg1, %mul3A_10 : i32
    %add3A_12 = arith.constant 2 : i32
    %add3A_13 = arith.addi %mul3A_11, %add3A_12 : i32
    %mul3A_14 = arith.constant 512 : i32
    %mul3A_15 = arith.muli %add3A_13, %mul3A_14 : i32
    "tpu.region"() ({
      %run_scoped3A = tpu.sem_alloc : memref<!tpu.dma_semaphore, #tpu.memory_space<semaphore_mem>>
      %dma_start3A_91 = tpu.memref_slice %arg2[%mul3A_15] : memref<24576xf32, #tpu.memory_space<hbm>> -> memref<512xf32, #tpu.memory_space<hbm>>
      %dma_start3A_92 = tpu.memref_slice %arg2[%mul3A_15] : memref<24576xf32, #tpu.memory_space<hbm>> -> memref<512xf32, #tpu.memory_space<hbm>>
      tpu.enqueue_dma source(%dma_start3A_92 : memref<512xf32, #tpu.memory_space<hbm>>) target(%arg9 : memref<512xf32, #tpu.memory_space<vmem>>) target_semaphore(%run_scoped3A : memref<!tpu.dma_semaphore, #tpu.memory_space<semaphore_mem>>)
      %dma_wait3A_93 = tpu.memref_slice %arg2[%mul3A_15] : memref<24576xf32, #tpu.memory_space<hbm>> -> memref<512xf32, #tpu.memory_space<hbm>>
      %dma_wait3A_94 = tpu.memref_slice %arg2[%mul3A_15] : memref<24576xf32, #tpu.memory_space<hbm>> -> memref<512xf32, #tpu.memory_space<hbm>>
      tpu.wait_dma2 semaphore(%run_scoped3A : memref<!tpu.dma_semaphore, #tpu.memory_space<semaphore_mem>>) src(%dma_wait3A_94 : memref<512xf32, #tpu.memory_space<hbm>>) dst(%arg9 : memref<512xf32, #tpu.memory_space<vmem>>)
      tpu.yield
    }) : () -> ()
    %mul3A_16 = arith.constant 3 : i32
    %mul3A_17 = arith.muli %arg1, %mul3A_16 : i32
    %add3A_18 = arith.constant 0 : i32
    %add3A_19 = arith.addi %mul3A_17, %add3A_18 : i32
    %mul3A_20 = arith.constant 128 : i32
    %mul3A_21 = arith.muli %add3A_19, %mul3A_20 : i32
    %mul3A_22 = arith.constant 64 : i32
    %mul3A_23 = arith.muli %arg0, %mul3A_22 : i32
    %add3A_24 = arith.addi %mul3A_21, %mul3A_23 : i32
    "tpu.region"() ({
      %run_scoped3A = tpu.sem_alloc : memref<!tpu.dma_semaphore, #tpu.memory_space<semaphore_mem>>
      %dma_start3A_91 = arith.constant 0 : i32
      %dma_start3A_92 = tpu.memref_slice %arg10[%dma_start3A_91] : memref<80xf32, #tpu.memory_space<vmem>> -> memref<64xf32, #tpu.memory_space<vmem>>
      %dma_start3A_93 = tpu.memref_slice %arg3[%add3A_24] : memref<6144xf32, #tpu.memory_space<hbm>> -> memref<64xf32, #tpu.memory_space<hbm>>
      %dma_start3A_94 = arith.constant 0 : i32
      %dma_start3A_95 = tpu.memref_slice %arg10[%dma_start3A_94] : memref<80xf32, #tpu.memory_space<vmem>> -> memref<64xf32, #tpu.memory_space<vmem>>
      %dma_start3A_96 = tpu.memref_slice %arg3[%add3A_24] : memref<6144xf32, #tpu.memory_space<hbm>> -> memref<64xf32, #tpu.memory_space<hbm>>
      tpu.enqueue_dma source(%dma_start3A_96 : memref<64xf32, #tpu.memory_space<hbm>>) target(%dma_start3A_95 : memref<64xf32, #tpu.memory_space<vmem>>) target_semaphore(%run_scoped3A : memref<!tpu.dma_semaphore, #tpu.memory_space<semaphore_mem>>)
      %dma_wait3A_97 = arith.constant 0 : i32
      %dma_wait3A_98 = tpu.memref_slice %arg10[%dma_wait3A_97] : memref<80xf32, #tpu.memory_space<vmem>> -> memref<64xf32, #tpu.memory_space<vmem>>
      %dma_wait3A_99 = tpu.memref_slice %arg3[%add3A_24] : memref<6144xf32, #tpu.memory_space<hbm>> -> memref<64xf32, #tpu.memory_space<hbm>>
      %dma_wait3A_100 = arith.constant 0 : i32
      %dma_wait3A_101 = tpu.memref_slice %arg10[%dma_wait3A_100] : memref<80xf32, #tpu.memory_space<vmem>> -> memref<64xf32, #tpu.memory_space<vmem>>
      %dma_wait3A_102 = tpu.memref_slice %arg3[%add3A_24] : memref<6144xf32, #tpu.memory_space<hbm>> -> memref<64xf32, #tpu.memory_space<hbm>>
      tpu.wait_dma2 semaphore(%run_scoped3A : memref<!tpu.dma_semaphore, #tpu.memory_space<semaphore_mem>>) src(%dma_wait3A_102 : memref<64xf32, #tpu.memory_space<hbm>>) dst(%dma_wait3A_101 : memref<64xf32, #tpu.memory_space<vmem>>)
      tpu.yield
    }) : () -> ()
    %mul3A_25 = arith.constant 3 : i32
    %mul3A_26 = arith.muli %arg1, %mul3A_25 : i32
    %add3A_27 = arith.constant 1 : i32
    %add3A_28 = arith.addi %mul3A_26, %add3A_27 : i32
    %mul3A_29 = arith.constant 128 : i32
    %mul3A_30 = arith.muli %add3A_28, %mul3A_29 : i32
    %mul3A_31 = arith.constant 64 : i32
    %mul3A_32 = arith.muli %arg0, %mul3A_31 : i32
    %add3A_33 = arith.addi %mul3A_30, %mul3A_32 : i32
    "tpu.region"() ({
      %run_scoped3A = tpu.sem_alloc : memref<!tpu.dma_semaphore, #tpu.memory_space<semaphore_mem>>
      %dma_start3A_91 = arith.constant 0 : i32
      %dma_start3A_92 = tpu.memref_slice %arg11[%dma_start3A_91] : memref<80xf32, #tpu.memory_space<vmem>> -> memref<64xf32, #tpu.memory_space<vmem>>
      %dma_start3A_93 = tpu.memref_slice %arg3[%add3A_33] : memref<6144xf32, #tpu.memory_space<hbm>> -> memref<64xf32, #tpu.memory_space<hbm>>
      %dma_start3A_94 = arith.constant 0 : i32
      %dma_start3A_95 = tpu.memref_slice %arg11[%dma_start3A_94] : memref<80xf32, #tpu.memory_space<vmem>> -> memref<64xf32, #tpu.memory_space<vmem>>
      %dma_start3A_96 = tpu.memref_slice %arg3[%add3A_33] : memref<6144xf32, #tpu.memory_space<hbm>> -> memref<64xf32, #tpu.memory_space<hbm>>
      tpu.enqueue_dma source(%dma_start3A_96 : memref<64xf32, #tpu.memory_space<hbm>>) target(%dma_start3A_95 : memref<64xf32, #tpu.memory_space<vmem>>) target_semaphore(%run_scoped3A : memref<!tpu.dma_semaphore, #tpu.memory_space<semaphore_mem>>)
      %dma_wait3A_97 = arith.constant 0 : i32
      %dma_wait3A_98 = tpu.memref_slice %arg11[%dma_wait3A_97] : memref<80xf32, #tpu.memory_space<vmem>> -> memref<64xf32, #tpu.memory_space<vmem>>
      %dma_wait3A_99 = tpu.memref_slice %arg3[%add3A_33] : memref<6144xf32, #tpu.memory_space<hbm>> -> memref<64xf32, #tpu.memory_space<hbm>>
      %dma_wait3A_100 = arith.constant 0 : i32
      %dma_wait3A_101 = tpu.memref_slice %arg11[%dma_wait3A_100] : memref<80xf32, #tpu.memory_space<vmem>> -> memref<64xf32, #tpu.memory_space<vmem>>
      %dma_wait3A_102 = tpu.memref_slice %arg3[%add3A_33] : memref<6144xf32, #tpu.memory_space<hbm>> -> memref<64xf32, #tpu.memory_space<hbm>>
      tpu.wait_dma2 semaphore(%run_scoped3A : memref<!tpu.dma_semaphore, #tpu.memory_space<semaphore_mem>>) src(%dma_wait3A_102 : memref<64xf32, #tpu.memory_space<hbm>>) dst(%dma_wait3A_101 : memref<64xf32, #tpu.memory_space<vmem>>)
      tpu.yield
    }) : () -> ()
    %mul3A_34 = arith.constant 3 : i32
    %mul3A_35 = arith.muli %arg1, %mul3A_34 : i32
    %add3A_36 = arith.constant 2 : i32
    %add3A_37 = arith.addi %mul3A_35, %add3A_36 : i32
    %mul3A_38 = arith.constant 128 : i32
    %mul3A_39 = arith.muli %add3A_37, %mul3A_38 : i32
    %mul3A_40 = arith.constant 64 : i32
    %mul3A_41 = arith.muli %arg0, %mul3A_40 : i32
    %add3A_42 = arith.addi %mul3A_39, %mul3A_41 : i32
    "tpu.region"() ({
      %run_scoped3A = tpu.sem_alloc : memref<!tpu.dma_semaphore, #tpu.memory_space<semaphore_mem>>
      %dma_start3A_91 = arith.constant 0 : i32
      %dma_start3A_92 = tpu.memref_slice %arg12[%dma_start3A_91] : memref<80xf32, #tpu.memory_space<vmem>> -> memref<64xf32, #tpu.memory_space<vmem>>
      %dma_start3A_93 = tpu.memref_slice %arg3[%add3A_42] : memref<6144xf32, #tpu.memory_space<hbm>> -> memref<64xf32, #tpu.memory_space<hbm>>
      %dma_start3A_94 = arith.constant 0 : i32
      %dma_start3A_95 = tpu.memref_slice %arg12[%dma_start3A_94] : memref<80xf32, #tpu.memory_space<vmem>> -> memref<64xf32, #tpu.memory_space<vmem>>
      %dma_start3A_96 = tpu.memref_slice %arg3[%add3A_42] : memref<6144xf32, #tpu.memory_space<hbm>> -> memref<64xf32, #tpu.memory_space<hbm>>
      tpu.enqueue_dma source(%dma_start3A_96 : memref<64xf32, #tpu.memory_space<hbm>>) target(%dma_start3A_95 : memref<64xf32, #tpu.memory_space<vmem>>) target_semaphore(%run_scoped3A : memref<!tpu.dma_semaphore, #tpu.memory_space<semaphore_mem>>)
      %dma_wait3A_97 = arith.constant 0 : i32
      %dma_wait3A_98 = tpu.memref_slice %arg12[%dma_wait3A_97] : memref<80xf32, #tpu.memory_space<vmem>> -> memref<64xf32, #tpu.memory_space<vmem>>
      %dma_wait3A_99 = tpu.memref_slice %arg3[%add3A_42] : memref<6144xf32, #tpu.memory_space<hbm>> -> memref<64xf32, #tpu.memory_space<hbm>>
      %dma_wait3A_100 = arith.constant 0 : i32
      %dma_wait3A_101 = tpu.memref_slice %arg12[%dma_wait3A_100] : memref<80xf32, #tpu.memory_space<vmem>> -> memref<64xf32, #tpu.memory_space<vmem>>
      %dma_wait3A_102 = tpu.memref_slice %arg3[%add3A_42] : memref<6144xf32, #tpu.memory_space<hbm>> -> memref<64xf32, #tpu.memory_space<hbm>>
      tpu.wait_dma2 semaphore(%run_scoped3A : memref<!tpu.dma_semaphore, #tpu.memory_space<semaphore_mem>>) src(%dma_wait3A_102 : memref<64xf32, #tpu.memory_space<hbm>>) dst(%dma_wait3A_101 : memref<64xf32, #tpu.memory_space<vmem>>)
      tpu.yield
    }) : () -> ()
    %iota3A = tpu.iota {dimensions = array<i32: 0>} : vector<16xi32>
    %mul3A_43 = arith.constant 128 : i32
    %mul3A_44 = arith.muli %arg1, %mul3A_43 : i32
    %mul3A_45 = arith.constant 64 : i32
    %mul3A_46 = arith.muli %arg0, %mul3A_45 : i32
    %add3A_47 = arith.addi %mul3A_44, %mul3A_46 : i32
    %scan3A = arith.constant 0 : i32
    %scan3A_48 = arith.constant 0 : i32
    %scan3A_49 = arith.constant 32 : i32
    %scan3A_50 = arith.addi %scan3A_48, %scan3A_49 : i32
    %scan3A_51 = arith.constant 1 : i32
    %scan3A_52 = scf.for %scan3A_91 = %scan3A_48 to %scan3A_50 step %scan3A_51 iter_args(%scan3A_92 = %scan3A) -> (i32)  : i32 {
      %mul3A_93 = arith.constant 2 : i32
      %mul3A_94 = arith.muli %scan3A_91, %mul3A_93 : i32
      %add3A_95 = arith.constant 0 : i32
      %add3A_96 = arith.addi %mul3A_94, %add3A_95 : i32
      %get3A = arith.index_cast %add3A_96 : i32 to index
      %get3A_97 = tpu.vector_load %arg10[%get3A] {strides = array<i32>} : memref<80xf32, #tpu.memory_space<vmem>>, vector<16xf32>,
      %slice3A = vector.extract_strided_slice %get3A_97 {offsets = [0], sizes = [1], strides = [1]} : vector<16xf32> to vector<1xf32>
      %squeeze3A = vector.extract %slice3A[0] : f32 from vector<1xf32>
      %get3A_98 = arith.index_cast %add3A_96 : i32 to index
      %get3A_99 = tpu.vector_load %arg11[%get3A_98] {strides = array<i32>} : memref<80xf32, #tpu.memory_space<vmem>>, vector<16xf32>,
      %slice3A_100 = vector.extract_strided_slice %get3A_99 {offsets = [0], sizes = [1], strides = [1]} : vector<16xf32> to vector<1xf32>
      %squeeze3A_101 = vector.extract %slice3A_100[0] : f32 from vector<1xf32>
      %get3A_102 = arith.index_cast %add3A_96 : i32 to index
      %get3A_103 = tpu.vector_load %arg12[%get3A_102] {strides = array<i32>} : memref<80xf32, #tpu.memory_space<vmem>>, vector<16xf32>,
      %slice3A_104 = vector.extract_strided_slice %get3A_103 {offsets = [0], sizes = [1], strides = [1]} : vector<16xf32> to vector<1xf32>
      %squeeze3A_105 = vector.extract %slice3A_104[0] : f32 from vector<1xf32>
      %scan3A_106 = arith.constant 0 : i32
      %scan3A_107 = arith.constant 0 : i32
      %scan3A_108 = arith.constant 32 : i32
      %scan3A_109 = arith.addi %scan3A_107, %scan3A_108 : i32
      %scan3A_110 = arith.constant 1 : i32
      %scan3A_111 = scf.for %scan3A_437 = %scan3A_107 to %scan3A_109 step %scan3A_110 iter_args(%scan3A_438 = %scan3A_106) -> (i32)  : i32 {
        %mul3A_439 = arith.constant 16 : i32
        %mul3A_440 = arith.muli %scan3A_437, %mul3A_439 : i32
        %get3A_441 = arith.index_cast %mul3A_440 : i32 to index
        %get3A_442 = tpu.vector_load %arg7[%get3A_441] {strides = array<i32>} : memref<512xf32, #tpu.memory_space<vmem>>, vector<16xf32>,
        %mul3A_443 = arith.constant 16 : i32
        %mul3A_444 = arith.muli %scan3A_437, %mul3A_443 : i32
        %get3A_445 = arith.index_cast %mul3A_444 : i32 to index
        %get3A_446 = tpu.vector_load %arg8[%get3A_445] {strides = array<i32>} : memref<512xf32, #tpu.memory_space<vmem>>, vector<16xf32>,
        %mul3A_447 = arith.constant 16 : i32
        %mul3A_448 = arith.muli %scan3A_437, %mul3A_447 : i32
        %get3A_449 = arith.index_cast %mul3A_448 : i32 to index
        %get3A_450 = tpu.vector_load %arg9[%get3A_449] {strides = array<i32>} : memref<512xf32, #tpu.memory_space<vmem>>, vector<16xf32>,
        %sub3A_451 = vector.broadcast %squeeze3A : f32 to vector<16xf32>
        %sub3A_452 = arith.subf %get3A_442, %sub3A_451 : vector<16xf32>
        %sub3A_453 = vector.broadcast %squeeze3A_101 : f32 to vector<16xf32>
        %sub3A_454 = arith.subf %get3A_446, %sub3A_453 : vector<16xf32>
        %sub3A_455 = vector.broadcast %squeeze3A_105 : f32 to vector<16xf32>
        %sub3A_456 = arith.subf %get3A_450, %sub3A_455 : vector<16xf32>
        %mul3A_457 = arith.mulf %sub3A_452, %sub3A_452 : vector<16xf32>
        %mul3A_458 = arith.mulf %sub3A_454, %sub3A_454 : vector<16xf32>
        %add3A_459 = arith.addf %mul3A_457, %mul3A_458 : vector<16xf32>
        %mul3A_460 = arith.mulf %sub3A_456, %sub3A_456 : vector<16xf32>
        %add3A_461 = arith.addf %add3A_459, %mul3A_460 : vector<16xf32>
        %le3A = arith.constant 1.600000e-01 : f32
        %le3A_462 = vector.broadcast %le3A : f32 to vector<16xf32>
        %le3A_463 = arith.cmpf ole, %add3A_461, %le3A_462 : vector<16xf32>
        %convert_element_type3A_464 = arith.extui %le3A_463 : vector<16xi1> to vector<16xi32>
        %broadcast_in_dim3A_465 = arith.constant true
        %broadcast_in_dim3A_466 = vector.broadcast %broadcast_in_dim3A_465 : i1 to vector<16xi1>
        %masked_cumsum3A = tpu.scan <sum>, %convert_element_type3A_464 masked %broadcast_in_dim3A_466 : vector<16xi32>, vector<16xi1> -> vector<16xi32>
        %sub3A_467 = arith.constant 1 : i32
        %sub3A_468 = vector.broadcast %sub3A_467 : i32 to vector<16xi32>
        %sub3A_469 = arith.subi %masked_cumsum3A, %sub3A_468 : vector<16xi32>
        %add3A_470 = vector.broadcast %scan3A_438 : i32 to vector<16xi32>
        %add3A_471 = arith.addi %add3A_470, %sub3A_469 : vector<16xi32>
        %add3A_472 = arith.constant 512 : i32
        %add3A_473 = vector.broadcast %add3A_472 : i32 to vector<16xi32>
        %add3A_474 = arith.addi %add3A_473, %iota3A : vector<16xi32>
        %select_n3A_475 = arith.select %le3A_463, %add3A_471, %add3A_474 : vector<16xi1>, vector<16xi32>
        %mul3A_476 = arith.constant 16 : i32
        %mul3A_477 = arith.muli %scan3A_437, %mul3A_476 : i32
        %add3A_478 = vector.broadcast %mul3A_477 : i32 to vector<16xi32>
        %add3A_479 = arith.addi %iota3A, %add3A_478 : vector<16xi32>
        tpu.vector_store_idx %arg13[%select_n3A_475], %add3A_479 : memref<544xi32, #tpu.memory_space<vmem>>[vector<16xi32>], vector<16xi32>,
        %slice3A_480 = vector.extract_strided_slice %masked_cumsum3A {offsets = [15], sizes = [1], strides = [1]} : vector<16xi32> to vector<1xi32>
        %squeeze3A_481 = vector.extract %slice3A_480[0] : i32 from vector<1xi32>
        %add3A_482 = arith.addi %scan3A_438, %squeeze3A_481 : i32
        scf.yield %add3A_482 : i32
      }
      %scan3A_112 = arith.constant 32 : i32
      %ge3A = arith.constant 2 : i32
      %ge3A_113 = arith.cmpi sge, %add3A_96, %ge3A : i32
      %convert_element_type3A = arith.extui %ge3A_113 : i1 to i32
      %cond3A = arith.constant 0 : i32
      %cond3A_114 = arith.cmpi ne, %convert_element_type3A, %cond3A : i32
      scf.if %cond3A_114 {
        %sub3A_437 = arith.constant 2 : i32
        %sub3A_438 = arith.subi %add3A_96, %sub3A_437 : i32
        %add3A_439 = arith.addi %add3A_47, %sub3A_438 : i32
        %mul3A_440 = arith.constant 64 : i32
        %mul3A_441 = arith.muli %add3A_439, %mul3A_440 : i32
        %dma_wait3A_442 = arith.constant 0 : i32
        %dma_wait3A_443 = tpu.memref_slice %arg5[%mul3A_441, %dma_wait3A_442] : memref<131072x128xf32, #tpu.memory_space<hbm>> -> memref<64x128xf32, #tpu.memory_space<hbm>>
        %dma_wait3A_444 = arith.constant 0 : i32
        %dma_wait3A_445 = tpu.memref_slice %arg5[%mul3A_441, %dma_wait3A_444] : memref<131072x128xf32, #tpu.memory_space<hbm>> -> memref<64x128xf32, #tpu.memory_space<hbm>>
        tpu.wait_dma2 semaphore(%arg21 : memref<!tpu.dma_semaphore, #tpu.memory_space<semaphore_mem>>) src(%arg16 : memref<64x128xf32, #tpu.memory_space<vmem>>) dst(%dma_wait3A_445 : memref<64x128xf32, #tpu.memory_space<hbm>>)
      } else {
      }
      %min3A = arith.constant 64 : i32
      %min3A_115 = arith.minsi %scan3A_111, %min3A : i32
      %get3A_116 = arith.constant 0 : index
      %get3A_117 = tpu.vector_load %arg13[%get3A_116] {strides = array<i32>} : memref<544xi32, #tpu.memory_space<vmem>>, vector<16xi32>,
      %slice3A_118 = vector.extract_strided_slice %get3A_117 {offsets = [0], sizes = [1], strides = [1]} : vector<16xi32> to vector<1xi32>
      %squeeze3A_119 = vector.extract %slice3A_118[0] : i32 from vector<1xi32>
      %get3A_120 = arith.constant 0 : index
      %get3A_121 = tpu.vector_load %arg13[%get3A_120] {strides = array<i32>} : memref<544xi32, #tpu.memory_space<vmem>>, vector<16xi32>,
      %add3A_122 = arith.constant 0 : i32
      %add3A_123 = vector.broadcast %add3A_122 : i32 to vector<16xi32>
      %add3A_124 = arith.addi %iota3A, %add3A_123 : vector<16xi32>
      %lt3A = vector.broadcast %min3A_115 : i32 to vector<16xi32>
      %lt3A_125 = arith.cmpi slt, %add3A_124, %lt3A : vector<16xi32>
      %broadcast_in_dim3A = vector.broadcast %squeeze3A_119 : i32 to vector<16xi32>
      %select_n3A = arith.select %lt3A_125, %get3A_121, %broadcast_in_dim3A : vector<16xi1>, vector<16xi32>
      %mul3A_126 = arith.constant 512 : i32
      %mul3A_127 = arith.muli %arg1, %mul3A_126 : i32
      %add3A_128 = vector.broadcast %mul3A_127 : i32 to vector<16xi32>
      %add3A_129 = arith.addi %select_n3A, %add3A_128 : vector<16xi32>
      %swap3A = arith.constant 0 : index
      %swap3A_130 = tpu.vector_load %arg14[%swap3A] {strides = array<i32>} : memref<64xi32, #tpu.memory_space<vmem>>, vector<16xi32>,
      tpu.vector_store %arg14[%swap3A], %add3A_129 {strides = array<i32>} : memref<64xi32, #tpu.memory_space<vmem>>, vector<16xi32>,
      %mul3A_131 = arith.constant 64 : i32
      %mul3A_132 = arith.muli %add3A_96, %mul3A_131 : i32
      %add3A_133 = vector.broadcast %mul3A_132 : i32 to vector<16xi32>
      %add3A_134 = arith.addi %add3A_133, %add3A_124 : vector<16xi32>
      %gather3A = tpu.vector_load_idx %arg7[%select_n3A] : memref<512xf32, #tpu.memory_space<vmem>>[vector<16xi32>], vector<16xf32>,
      %sub3A = vector.broadcast %squeeze3A : f32 to vector<16xf32>
      %sub3A_135 = arith.subf %gather3A, %sub3A : vector<16xf32>
      tpu.vector_store_idx %arg18[%add3A_134], %sub3A_135 : memref<12288xf32, #tpu.memory_space<vmem>>[vector<16xi32>], vector<16xf32>,
      %add3A_136 = arith.constant 4096 : i32
      %add3A_137 = vector.broadcast %add3A_136 : i32 to vector<16xi32>
      %add3A_138 = arith.addi %add3A_134, %add3A_137 : vector<16xi32>
      %gather3A_139 = tpu.vector_load_idx %arg8[%select_n3A] : memref<512xf32, #tpu.memory_space<vmem>>[vector<16xi32>], vector<16xf32>,
      %sub3A_140 = vector.broadcast %squeeze3A_101 : f32 to vector<16xf32>
      %sub3A_141 = arith.subf %gather3A_139, %sub3A_140 : vector<16xf32>
      tpu.vector_store_idx %arg18[%add3A_138], %sub3A_141 : memref<12288xf32, #tpu.memory_space<vmem>>[vector<16xi32>], vector<16xf32>,
      %add3A_142 = arith.constant 8192 : i32
      %add3A_143 = vector.broadcast %add3A_142 : i32 to vector<16xi32>
      %add3A_144 = arith.addi %add3A_134, %add3A_143 : vector<16xi32>
      %gather3A_145 = tpu.vector_load_idx %arg9[%select_n3A] : memref<512xf32, #tpu.memory_space<vmem>>[vector<16xi32>], vector<16xf32>,
      %sub3A_146 = vector.broadcast %squeeze3A_105 : f32 to vector<16xf32>
      %sub3A_147 = arith.subf %gather3A_145, %sub3A_146 : vector<16xf32>
      tpu.vector_store_idx %arg18[%add3A_144], %sub3A_147 : memref<12288xf32, #tpu.memory_space<vmem>>[vector<16xi32>], vector<16xf32>,
      %get3A_148 = arith.constant 16 : index
      %get3A_149 = tpu.vector_load %arg13[%get3A_148] {strides = array<i32>} : memref<544xi32, #tpu.memory_space<vmem>>, vector<16xi32>,
      %add3A_150 = arith.constant 16 : i32
      %add3A_151 = vector.broadcast %add3A_150 : i32 to vector<16xi32>
      %add3A_152 = arith.addi %iota3A, %add3A_151 : vector<16xi32>
      %lt3A_153 = vector.broadcast %min3A_115 : i32 to vector<16xi32>
      %lt3A_154 = arith.cmpi slt, %add3A_152, %lt3A_153 : vector<16xi32>
      %broadcast_in_dim3A_155 = vector.broadcast %squeeze3A_119 : i32 to vector<16xi32>
      %select_n3A_156 = arith.select %lt3A_154, %get3A_149, %broadcast_in_dim3A_155 : vector<16xi1>, vector<16xi32>
      %mul3A_157 = arith.constant 512 : i32
      %mul3A_158 = arith.muli %arg1, %mul3A_157 : i32
      %add3A_159 = vector.broadcast %mul3A_158 : i32 to vector<16xi32>
      %add3A_160 = arith.addi %select_n3A_156, %add3A_159 : vector<16xi32>
      %swap3A_161 = arith.constant 16 : index
      %swap3A_162 = tpu.vector_load %arg14[%swap3A_161] {strides = array<i32>} : memref<64xi32, #tpu.memory_space<vmem>>, vector<16xi32>,
      tpu.vector_store %arg14[%swap3A_161], %add3A_160 {strides = array<i32>} : memref<64xi32, #tpu.memory_space<vmem>>, vector<16xi32>,
      %mul3A_163 = arith.constant 64 : i32
      %mul3A_164 = arith.muli %add3A_96, %mul3A_163 : i32
      %add3A_165 = vector.broadcast %mul3A_164 : i32 to vector<16xi32>
      %add3A_166 = arith.addi %add3A_165, %add3A_152 : vector<16xi32>
      %gather3A_167 = tpu.vector_load_idx %arg7[%select_n3A_156] : memref<512xf32, #tpu.memory_space<vmem>>[vector<16xi32>], vector<16xf32>,
      %sub3A_168 = vector.broadcast %squeeze3A : f32 to vector<16xf32>
      %sub3A_169 = arith.subf %gather3A_167, %sub3A_168 : vector<16xf32>
      tpu.vector_store_idx %arg18[%add3A_166], %sub3A_169 : memref<12288xf32, #tpu.memory_space<vmem>>[vector<16xi32>], vector<16xf32>,
      %add3A_170 = arith.constant 4096 : i32
      %add3A_171 = vector.broadcast %add3A_170 : i32 to vector<16xi32>
      %add3A_172 = arith.addi %add3A_166, %add3A_171 : vector<16xi32>
      %gather3A_173 = tpu.vector_load_idx %arg8[%select_n3A_156] : memref<512xf32, #tpu.memory_space<vmem>>[vector<16xi32>], vector<16xf32>,
      %sub3A_174 = vector.broadcast %squeeze3A_101 : f32 to vector<16xf32>
      %sub3A_175 = arith.subf %gather3A_173, %sub3A_174 : vector<16xf32>
      tpu.vector_store_idx %arg18[%add3A_172], %sub3A_175 : memref<12288xf32, #tpu.memory_space<vmem>>[vector<16xi32>], vector<16xf32>,
      %add3A_176 = arith.constant 8192 : i32
      %add3A_177 = vector.broadcast %add3A_176 : i32 to vector<16xi32>
      %add3A_178 = arith.addi %add3A_166, %add3A_177 : vector<16xi32>
      %gather3A_179 = tpu.vector_load_idx %arg9[%select_n3A_156] : memref<512xf32, #tpu.memory_space<vmem>>[vector<16xi32>], vector<16xf32>,
      %sub3A_180 = vector.broadcast %squeeze3A_105 : f32 to vector<16xf32>
      %sub3A_181 = arith.subf %gather3A_179, %sub3A_180 : vector<16xf32>
      tpu.vector_store_idx %arg18[%add3A_178], %sub3A_181 : memref<12288xf32, #tpu.memory_space<vmem>>[vector<16xi32>], vector<16xf32>,
      %get3A_182 = arith.constant 32 : index
      %get3A_183 = tpu.vector_load %arg13[%get3A_182] {strides = array<i32>} : memref<544xi32, #tpu.memory_space<vmem>>, vector<16xi32>,
      %add3A_184 = arith.constant 32 : i32
      %add3A_185 = vector.broadcast %add3A_184 : i32 to vector<16xi32>
      %add3A_186 = arith.addi %iota3A, %add3A_185 : vector<16xi32>
      %lt3A_187 = vector.broadcast %min3A_115 : i32 to vector<16xi32>
      %lt3A_188 = arith.cmpi slt, %add3A_186, %lt3A_187 : vector<16xi32>
      %broadcast_in_dim3A_189 = vector.broadcast %squeeze3A_119 : i32 to vector<16xi32>
      %select_n3A_190 = arith.select %lt3A_188, %get3A_183, %broadcast_in_dim3A_189 : vector<16xi1>, vector<16xi32>
      %mul3A_191 = arith.constant 512 : i32
      %mul3A_192 = arith.muli %arg1, %mul3A_191 : i32
      %add3A_193 = vector.broadcast %mul3A_192 : i32 to vector<16xi32>
      %add3A_194 = arith.addi %select_n3A_190, %add3A_193 : vector<16xi32>
      %swap3A_195 = arith.constant 32 : index
      %swap3A_196 = tpu.vector_load %arg14[%swap3A_195] {strides = array<i32>} : memref<64xi32, #tpu.memory_space<vmem>>, vector<16xi32>,
      tpu.vector_store %arg14[%swap3A_195], %add3A_194 {strides = array<i32>} : memref<64xi32, #tpu.memory_space<vmem>>, vector<16xi32>,
      %mul3A_197 = arith.constant 64 : i32
      %mul3A_198 = arith.muli %add3A_96, %mul3A_197 : i32
      %add3A_199 = vector.broadcast %mul3A_198 : i32 to vector<16xi32>
      %add3A_200 = arith.addi %add3A_199, %add3A_186 : vector<16xi32>
      %gather3A_201 = tpu.vector_load_idx %arg7[%select_n3A_190] : memref<512xf32, #tpu.memory_space<vmem>>[vector<16xi32>], vector<16xf32>,
      %sub3A_202 = vector.broadcast %squeeze3A : f32 to vector<16xf32>
      %sub3A_203 = arith.subf %gather3A_201, %sub3A_202 : vector<16xf32>
      tpu.vector_store_idx %arg18[%add3A_200], %sub3A_203 : memref<12288xf32, #tpu.memory_space<vmem>>[vector<16xi32>], vector<16xf32>,
      %add3A_204 = arith.constant 4096 : i32
      %add3A_205 = vector.broadcast %add3A_204 : i32 to vector<16xi32>
      %add3A_206 = arith.addi %add3A_200, %add3A_205 : vector<16xi32>
      %gather3A_207 = tpu.vector_load_idx %arg8[%select_n3A_190] : memref<512xf32, #tpu.memory_space<vmem>>[vector<16xi32>], vector<16xf32>,
      %sub3A_208 = vector.broadcast %squeeze3A_101 : f32 to vector<16xf32>
      %sub3A_209 = arith.subf %gather3A_207, %sub3A_208 : vector<16xf32>
      tpu.vector_store_idx %arg18[%add3A_206], %sub3A_209 : memref<12288xf32, #tpu.memory_space<vmem>>[vector<16xi32>], vector<16xf32>,
      %add3A_210 = arith.constant 8192 : i32
      %add3A_211 = vector.broadcast %add3A_210 : i32 to vector<16xi32>
      %add3A_212 = arith.addi %add3A_200, %add3A_211 : vector<16xi32>
      %gather3A_213 = tpu.vector_load_idx %arg9[%select_n3A_190] : memref<512xf32, #tpu.memory_space<vmem>>[vector<16xi32>], vector<16xf32>,
      %sub3A_214 = vector.broadcast %squeeze3A_105 : f32 to vector<16xf32>
      %sub3A_215 = arith.subf %gather3A_213, %sub3A_214 : vector<16xf32>
      tpu.vector_store_idx %arg18[%add3A_212], %sub3A_215 : memref<12288xf32, #tpu.memory_space<vmem>>[vector<16xi32>], vector<16xf32>,
      %get3A_216 = arith.constant 48 : index
      %get3A_217 = tpu.vector_load %arg13[%get3A_216] {strides = array<i32>} : memref<544xi32, #tpu.memory_space<vmem>>, vector<16xi32>,
      %add3A_218 = arith.constant 48 : i32
      %add3A_219 = vector.broadcast %add3A_218 : i32 to vector<16xi32>
      %add3A_220 = arith.addi %iota3A, %add3A_219 : vector<16xi32>
      %lt3A_221 = vector.broadcast %min3A_115 : i32 to vector<16xi32>
      %lt3A_222 = arith.cmpi slt, %add3A_220, %lt3A_221 : vector<16xi32>
      %broadcast_in_dim3A_223 = vector.broadcast %squeeze3A_119 : i32 to vector<16xi32>
      %select_n3A_224 = arith.select %lt3A_222, %get3A_217, %broadcast_in_dim3A_223 : vector<16xi1>, vector<16xi32>
      %mul3A_225 = arith.constant 512 : i32
      %mul3A_226 = arith.muli %arg1, %mul3A_225 : i32
      %add3A_227 = vector.broadcast %mul3A_226 : i32 to vector<16xi32>
      %add3A_228 = arith.addi %select_n3A_224, %add3A_227 : vector<16xi32>
      %swap3A_229 = arith.constant 48 : index
      %swap3A_230 = tpu.vector_load %arg14[%swap3A_229] {strides = array<i32>} : memref<64xi32, #tpu.memory_space<vmem>>, vector<16xi32>,
      tpu.vector_store %arg14[%swap3A_229], %add3A_228 {strides = array<i32>} : memref<64xi32, #tpu.memory_space<vmem>>, vector<16xi32>,
      %mul3A_231 = arith.constant 64 : i32
      %mul3A_232 = arith.muli %add3A_96, %mul3A_231 : i32
      %add3A_233 = vector.broadcast %mul3A_232 : i32 to vector<16xi32>
      %add3A_234 = arith.addi %add3A_233, %add3A_220 : vector<16xi32>
      %gather3A_235 = tpu.vector_load_idx %arg7[%select_n3A_224] : memref<512xf32, #tpu.memory_space<vmem>>[vector<16xi32>], vector<16xf32>,
      %sub3A_236 = vector.broadcast %squeeze3A : f32 to vector<16xf32>
      %sub3A_237 = arith.subf %gather3A_235, %sub3A_236 : vector<16xf32>
      tpu.vector_store_idx %arg18[%add3A_234], %sub3A_237 : memref<12288xf32, #tpu.memory_space<vmem>>[vector<16xi32>], vector<16xf32>,
      %add3A_238 = arith.constant 4096 : i32
      %add3A_239 = vector.broadcast %add3A_238 : i32 to vector<16xi32>
      %add3A_240 = arith.addi %add3A_234, %add3A_239 : vector<16xi32>
      %gather3A_241 = tpu.vector_load_idx %arg8[%select_n3A_224] : memref<512xf32, #tpu.memory_space<vmem>>[vector<16xi32>], vector<16xf32>,
      %sub3A_242 = vector.broadcast %squeeze3A_101 : f32 to vector<16xf32>
      %sub3A_243 = arith.subf %gather3A_241, %sub3A_242 : vector<16xf32>
      tpu.vector_store_idx %arg18[%add3A_240], %sub3A_243 : memref<12288xf32, #tpu.memory_space<vmem>>[vector<16xi32>], vector<16xf32>,
      %add3A_244 = arith.constant 8192 : i32
      %add3A_245 = vector.broadcast %add3A_244 : i32 to vector<16xi32>
      %add3A_246 = arith.addi %add3A_234, %add3A_245 : vector<16xi32>
      %gather3A_247 = tpu.vector_load_idx %arg9[%select_n3A_224] : memref<512xf32, #tpu.memory_space<vmem>>[vector<16xi32>], vector<16xf32>,
      %sub3A_248 = vector.broadcast %squeeze3A_105 : f32 to vector<16xf32>
      %sub3A_249 = arith.subf %gather3A_247, %sub3A_248 : vector<16xf32>
      tpu.vector_store_idx %arg18[%add3A_246], %sub3A_249 : memref<12288xf32, #tpu.memory_space<vmem>>[vector<16xi32>], vector<16xf32>,
      %dma_start3A_250 = arith.constant 0 : i32
      %dma_start3A_251 = arith.constant 0 : i32
      %dma_start3A_252 = tpu.memref_slice %arg4[%dma_start3A_250, %dma_start3A_251] : memref<8192x128xf32, #tpu.memory_space<hbm>> -> memref<8192x128xf32, #tpu.memory_space<hbm>>
      tpu.enqueue_indirect_dma source(%dma_start3A_252 : memref<8192x128xf32, #tpu.memory_space<hbm>>) target(%arg16 : memref<64x128xf32, #tpu.memory_space<vmem>>) offsets(%arg14 : memref<64xi32, #tpu.memory_space<vmem>>) semaphore(%arg19 : memref<!tpu.dma_semaphore, #tpu.memory_space<semaphore_mem>>)
      %ge3A_253 = arith.constant 1 : i32
      %ge3A_254 = arith.cmpi sge, %add3A_96, %ge3A_253 : i32
      %convert_element_type3A_255 = arith.extui %ge3A_254 : i1 to i32
      %cond3A_256 = arith.constant 0 : i32
      %cond3A_257 = arith.cmpi ne, %convert_element_type3A_255, %cond3A_256 : i32
      scf.if %cond3A_257 {
        %dma_wait3A_437 = arith.constant 0 : i32
        %dma_wait3A_438 = arith.constant 0 : i32
        %dma_wait3A_439 = tpu.memref_slice %arg4[%dma_wait3A_437, %dma_wait3A_438] : memref<8192x128xf32, #tpu.memory_space<hbm>> -> memref<8192x128xf32, #tpu.memory_space<hbm>>
        tpu.wait_indirect_dma semaphore(%arg20 : memref<!tpu.dma_semaphore, #tpu.memory_space<semaphore_mem>>) src(%dma_wait3A_439 : memref<8192x128xf32, #tpu.memory_space<hbm>>) dst(%arg17 : memref<64x128xf32, #tpu.memory_space<vmem>>)
        %sub3A_440 = arith.constant 1 : i32
        %sub3A_441 = arith.subi %add3A_96, %sub3A_440 : i32
        %add3A_442 = arith.addi %add3A_47, %sub3A_441 : i32
        %mul3A_443 = arith.constant 64 : i32
        %mul3A_444 = arith.muli %add3A_442, %mul3A_443 : i32
        %dma_start3A_445 = arith.constant 0 : i32
        %dma_start3A_446 = tpu.memref_slice %arg5[%mul3A_444, %dma_start3A_445] : memref<131072x128xf32, #tpu.memory_space<hbm>> -> memref<64x128xf32, #tpu.memory_space<hbm>>
        %dma_start3A_447 = arith.constant 0 : i32
        %dma_start3A_448 = tpu.memref_slice %arg5[%mul3A_444, %dma_start3A_447] : memref<131072x128xf32, #tpu.memory_space<hbm>> -> memref<64x128xf32, #tpu.memory_space<hbm>>
        tpu.enqueue_dma source(%arg17 : memref<64x128xf32, #tpu.memory_space<vmem>>) target(%dma_start3A_448 : memref<64x128xf32, #tpu.memory_space<hbm>>) target_semaphore(%arg22 : memref<!tpu.dma_semaphore, #tpu.memory_space<semaphore_mem>>)
      } else {
      }
      %mul3A_258 = arith.constant 2 : i32
      %mul3A_259 = arith.muli %scan3A_91, %mul3A_258 : i32
      %add3A_260 = arith.constant 1 : i32
      %add3A_261 = arith.addi %mul3A_259, %add3A_260 : i32
      %get3A_262 = arith.index_cast %add3A_261 : i32 to index
      %get3A_263 = tpu.vector_load %arg10[%get3A_262] {strides = array<i32>} : memref<80xf32, #tpu.memory_space<vmem>>, vector<16xf32>,
      %slice3A_264 = vector.extract_strided_slice %get3A_263 {offsets = [0], sizes = [1], strides = [1]} : vector<16xf32> to vector<1xf32>
      %squeeze3A_265 = vector.extract %slice3A_264[0] : f32 from vector<1xf32>
      %get3A_266 = arith.index_cast %add3A_261 : i32 to index
      %get3A_267 = tpu.vector_load %arg11[%get3A_266] {strides = array<i32>} : memref<80xf32, #tpu.memory_space<vmem>>, vector<16xf32>,
      %slice3A_268 = vector.extract_strided_slice %get3A_267 {offsets = [0], sizes = [1], strides = [1]} : vector<16xf32> to vector<1xf32>
      %squeeze3A_269 = vector.extract %slice3A_268[0] : f32 from vector<1xf32>
      %get3A_270 = arith.index_cast %add3A_261 : i32 to index
      %get3A_271 = tpu.vector_load %arg12[%get3A_270] {strides = array<i32>} : memref<80xf32, #tpu.memory_space<vmem>>, vector<16xf32>,
      %slice3A_272 = vector.extract_strided_slice %get3A_271 {offsets = [0], sizes = [1], strides = [1]} : vector<16xf32> to vector<1xf32>
      %squeeze3A_273 = vector.extract %slice3A_272[0] : f32 from vector<1xf32>
      %scan3A_274 = arith.constant 0 : i32
      %scan3A_275 = arith.constant 0 : i32
      %scan3A_276 = arith.constant 32 : i32
      %scan3A_277 = arith.addi %scan3A_275, %scan3A_276 : i32
      %scan3A_278 = arith.constant 1 : i32
      %scan3A_279 = scf.for %scan3A_437 = %scan3A_275 to %scan3A_277 step %scan3A_278 iter_args(%scan3A_438 = %scan3A_274) -> (i32)  : i32 {
        %mul3A_439 = arith.constant 16 : i32
        %mul3A_440 = arith.muli %scan3A_437, %mul3A_439 : i32
        %get3A_441 = arith.index_cast %mul3A_440 : i32 to index
        %get3A_442 = tpu.vector_load %arg7[%get3A_441] {strides = array<i32>} : memref<512xf32, #tpu.memory_space<vmem>>, vector<16xf32>,
        %mul3A_443 = arith.constant 16 : i32
        %mul3A_444 = arith.muli %scan3A_437, %mul3A_443 : i32
        %get3A_445 = arith.index_cast %mul3A_444 : i32 to index
        %get3A_446 = tpu.vector_load %arg8[%get3A_445] {strides = array<i32>} : memref<512xf32, #tpu.memory_space<vmem>>, vector<16xf32>,
        %mul3A_447 = arith.constant 16 : i32
        %mul3A_448 = arith.muli %scan3A_437, %mul3A_447 : i32
        %get3A_449 = arith.index_cast %mul3A_448 : i32 to index
        %get3A_450 = tpu.vector_load %arg9[%get3A_449] {strides = array<i32>} : memref<512xf32, #tpu.memory_space<vmem>>, vector<16xf32>,
        %sub3A_451 = vector.broadcast %squeeze3A_265 : f32 to vector<16xf32>
        %sub3A_452 = arith.subf %get3A_442, %sub3A_451 : vector<16xf32>
        %sub3A_453 = vector.broadcast %squeeze3A_269 : f32 to vector<16xf32>
        %sub3A_454 = arith.subf %get3A_446, %sub3A_453 : vector<16xf32>
        %sub3A_455 = vector.broadcast %squeeze3A_273 : f32 to vector<16xf32>
        %sub3A_456 = arith.subf %get3A_450, %sub3A_455 : vector<16xf32>
        %mul3A_457 = arith.mulf %sub3A_452, %sub3A_452 : vector<16xf32>
        %mul3A_458 = arith.mulf %sub3A_454, %sub3A_454 : vector<16xf32>
        %add3A_459 = arith.addf %mul3A_457, %mul3A_458 : vector<16xf32>
        %mul3A_460 = arith.mulf %sub3A_456, %sub3A_456 : vector<16xf32>
        %add3A_461 = arith.addf %add3A_459, %mul3A_460 : vector<16xf32>
        %le3A = arith.constant 1.600000e-01 : f32
        %le3A_462 = vector.broadcast %le3A : f32 to vector<16xf32>
        %le3A_463 = arith.cmpf ole, %add3A_461, %le3A_462 : vector<16xf32>
        %convert_element_type3A_464 = arith.extui %le3A_463 : vector<16xi1> to vector<16xi32>
        %broadcast_in_dim3A_465 = arith.constant true
        %broadcast_in_dim3A_466 = vector.broadcast %broadcast_in_dim3A_465 : i1 to vector<16xi1>
        %masked_cumsum3A = tpu.scan <sum>, %convert_element_type3A_464 masked %broadcast_in_dim3A_466 : vector<16xi32>, vector<16xi1> -> vector<16xi32>
        %sub3A_467 = arith.constant 1 : i32
        %sub3A_468 = vector.broadcast %sub3A_467 : i32 to vector<16xi32>
        %sub3A_469 = arith.subi %masked_cumsum3A, %sub3A_468 : vector<16xi32>
        %add3A_470 = vector.broadcast %scan3A_438 : i32 to vector<16xi32>
        %add3A_471 = arith.addi %add3A_470, %sub3A_469 : vector<16xi32>
        %add3A_472 = arith.constant 512 : i32
        %add3A_473 = vector.broadcast %add3A_472 : i32 to vector<16xi32>
        %add3A_474 = arith.addi %add3A_473, %iota3A : vector<16xi32>
        %select_n3A_475 = arith.select %le3A_463, %add3A_471, %add3A_474 : vector<16xi1>, vector<16xi32>
        %mul3A_476 = arith.constant 16 : i32
        %mul3A_477 = arith.muli %scan3A_437, %mul3A_476 : i32
        %add3A_478 = vector.broadcast %mul3A_477 : i32 to vector<16xi32>
        %add3A_479 = arith.addi %iota3A, %add3A_478 : vector<16xi32>
        tpu.vector_store_idx %arg13[%select_n3A_475], %add3A_479 : memref<544xi32, #tpu.memory_space<vmem>>[vector<16xi32>], vector<16xi32>,
        %slice3A_480 = vector.extract_strided_slice %masked_cumsum3A {offsets = [15], sizes = [1], strides = [1]} : vector<16xi32> to vector<1xi32>
        %squeeze3A_481 = vector.extract %slice3A_480[0] : i32 from vector<1xi32>
        %add3A_482 = arith.addi %scan3A_438, %squeeze3A_481 : i32
        scf.yield %add3A_482 : i32
      }
      %scan3A_280 = arith.constant 32 : i32
      %ge3A_281 = arith.constant 2 : i32
      %ge3A_282 = arith.cmpi sge, %add3A_261, %ge3A_281 : i32
      %convert_element_type3A_283 = arith.extui %ge3A_282 : i1 to i32
      %cond3A_284 = arith.constant 0 : i32
      %cond3A_285 = arith.cmpi ne, %convert_element_type3A_283, %cond3A_284 : i32
      scf.if %cond3A_285 {
        %sub3A_437 = arith.constant 2 : i32
        %sub3A_438 = arith.subi %add3A_261, %sub3A_437 : i32
        %add3A_439 = arith.addi %add3A_47, %sub3A_438 : i32
        %mul3A_440 = arith.constant 64 : i32
        %mul3A_441 = arith.muli %add3A_439, %mul3A_440 : i32
        %dma_wait3A_442 = arith.constant 0 : i32
        %dma_wait3A_443 = tpu.memref_slice %arg5[%mul3A_441, %dma_wait3A_442] : memref<131072x128xf32, #tpu.memory_space<hbm>> -> memref<64x128xf32, #tpu.memory_space<hbm>>
        %dma_wait3A_444 = arith.constant 0 : i32
        %dma_wait3A_445 = tpu.memref_slice %arg5[%mul3A_441, %dma_wait3A_444] : memref<131072x128xf32, #tpu.memory_space<hbm>> -> memref<64x128xf32, #tpu.memory_space<hbm>>
        tpu.wait_dma2 semaphore(%arg22 : memref<!tpu.dma_semaphore, #tpu.memory_space<semaphore_mem>>) src(%arg17 : memref<64x128xf32, #tpu.memory_space<vmem>>) dst(%dma_wait3A_445 : memref<64x128xf32, #tpu.memory_space<hbm>>)
      } else {
      }
      %min3A_286 = arith.constant 64 : i32
      %min3A_287 = arith.minsi %scan3A_279, %min3A_286 : i32
      %get3A_288 = arith.constant 0 : index
      %get3A_289 = tpu.vector_load %arg13[%get3A_288] {strides = array<i32>} : memref<544xi32, #tpu.memory_space<vmem>>, vector<16xi32>,
      %slice3A_290 = vector.extract_strided_slice %get3A_289 {offsets = [0], sizes = [1], strides = [1]} : vector<16xi32> to vector<1xi32>
      %squeeze3A_291 = vector.extract %slice3A_290[0] : i32 from vector<1xi32>
      %get3A_292 = arith.constant 0 : index
      %get3A_293 = tpu.vector_load %arg13[%get3A_292] {strides = array<i32>} : memref<544xi32, #tpu.memory_space<vmem>>, vector<16xi32>,
      %add3A_294 = arith.constant 0 : i32
      %add3A_295 = vector.broadcast %add3A_294 : i32 to vector<16xi32>
      %add3A_296 = arith.addi %iota3A, %add3A_295 : vector<16xi32>
      %lt3A_297 = vector.broadcast %min3A_287 : i32 to vector<16xi32>
      %lt3A_298 = arith.cmpi slt, %add3A_296, %lt3A_297 : vector<16xi32>
      %broadcast_in_dim3A_299 = vector.broadcast %squeeze3A_291 : i32 to vector<16xi32>
      %select_n3A_300 = arith.select %lt3A_298, %get3A_293, %broadcast_in_dim3A_299 : vector<16xi1>, vector<16xi32>
      %mul3A_301 = arith.constant 512 : i32
      %mul3A_302 = arith.muli %arg1, %mul3A_301 : i32
      %add3A_303 = vector.broadcast %mul3A_302 : i32 to vector<16xi32>
      %add3A_304 = arith.addi %select_n3A_300, %add3A_303 : vector<16xi32>
      %swap3A_305 = arith.constant 0 : index
      %swap3A_306 = tpu.vector_load %arg15[%swap3A_305] {strides = array<i32>} : memref<64xi32, #tpu.memory_space<vmem>>, vector<16xi32>,
      tpu.vector_store %arg15[%swap3A_305], %add3A_304 {strides = array<i32>} : memref<64xi32, #tpu.memory_space<vmem>>, vector<16xi32>,
      %mul3A_307 = arith.constant 64 : i32
      %mul3A_308 = arith.muli %add3A_261, %mul3A_307 : i32
      %add3A_309 = vector.broadcast %mul3A_308 : i32 to vector<16xi32>
      %add3A_310 = arith.addi %add3A_309, %add3A_296 : vector<16xi32>
      %gather3A_311 = tpu.vector_load_idx %arg7[%select_n3A_300] : memref<512xf32, #tpu.memory_space<vmem>>[vector<16xi32>], vector<16xf32>,
      %sub3A_312 = vector.broadcast %squeeze3A_265 : f32 to vector<16xf32>
      %sub3A_313 = arith.subf %gather3A_311, %sub3A_312 : vector<16xf32>
      tpu.vector_store_idx %arg18[%add3A_310], %sub3A_313 : memref<12288xf32, #tpu.memory_space<vmem>>[vector<16xi32>], vector<16xf32>,
      %add3A_314 = arith.constant 4096 : i32
      %add3A_315 = vector.broadcast %add3A_314 : i32 to vector<16xi32>
      %add3A_316 = arith.addi %add3A_310, %add3A_315 : vector<16xi32>
      %gather3A_317 = tpu.vector_load_idx %arg8[%select_n3A_300] : memref<512xf32, #tpu.memory_space<vmem>>[vector<16xi32>], vector<16xf32>,
      %sub3A_318 = vector.broadcast %squeeze3A_269 : f32 to vector<16xf32>
      %sub3A_319 = arith.subf %gather3A_317, %sub3A_318 : vector<16xf32>
      tpu.vector_store_idx %arg18[%add3A_316], %sub3A_319 : memref<12288xf32, #tpu.memory_space<vmem>>[vector<16xi32>], vector<16xf32>,
      %add3A_320 = arith.constant 8192 : i32
      %add3A_321 = vector.broadcast %add3A_320 : i32 to vector<16xi32>
      %add3A_322 = arith.addi %add3A_310, %add3A_321 : vector<16xi32>
      %gather3A_323 = tpu.vector_load_idx %arg9[%select_n3A_300] : memref<512xf32, #tpu.memory_space<vmem>>[vector<16xi32>], vector<16xf32>,
      %sub3A_324 = vector.broadcast %squeeze3A_273 : f32 to vector<16xf32>
      %sub3A_325 = arith.subf %gather3A_323, %sub3A_324 : vector<16xf32>
      tpu.vector_store_idx %arg18[%add3A_322], %sub3A_325 : memref<12288xf32, #tpu.memory_space<vmem>>[vector<16xi32>], vector<16xf32>,
      %get3A_326 = arith.constant 16 : index
      %get3A_327 = tpu.vector_load %arg13[%get3A_326] {strides = array<i32>} : memref<544xi32, #tpu.memory_space<vmem>>, vector<16xi32>,
      %add3A_328 = arith.constant 16 : i32
      %add3A_329 = vector.broadcast %add3A_328 : i32 to vector<16xi32>
      %add3A_330 = arith.addi %iota3A, %add3A_329 : vector<16xi32>
      %lt3A_331 = vector.broadcast %min3A_287 : i32 to vector<16xi32>
      %lt3A_332 = arith.cmpi slt, %add3A_330, %lt3A_331 : vector<16xi32>
      %broadcast_in_dim3A_333 = vector.broadcast %squeeze3A_291 : i32 to vector<16xi32>
      %select_n3A_334 = arith.select %lt3A_332, %get3A_327, %broadcast_in_dim3A_333 : vector<16xi1>, vector<16xi32>
      %mul3A_335 = arith.constant 512 : i32
      %mul3A_336 = arith.muli %arg1, %mul3A_335 : i32
      %add3A_337 = vector.broadcast %mul3A_336 : i32 to vector<16xi32>
      %add3A_338 = arith.addi %select_n3A_334, %add3A_337 : vector<16xi32>
      %swap3A_339 = arith.constant 16 : index
      %swap3A_340 = tpu.vector_load %arg15[%swap3A_339] {strides = array<i32>} : memref<64xi32, #tpu.memory_space<vmem>>, vector<16xi32>,
      tpu.vector_store %arg15[%swap3A_339], %add3A_338 {strides = array<i32>} : memref<64xi32, #tpu.memory_space<vmem>>, vector<16xi32>,
      %mul3A_341 = arith.constant 64 : i32
      %mul3A_342 = arith.muli %add3A_261, %mul3A_341 : i32
      %add3A_343 = vector.broadcast %mul3A_342 : i32 to vector<16xi32>
      %add3A_344 = arith.addi %add3A_343, %add3A_330 : vector<16xi32>
      %gather3A_345 = tpu.vector_load_idx %arg7[%select_n3A_334] : memref<512xf32, #tpu.memory_space<vmem>>[vector<16xi32>], vector<16xf32>,
      %sub3A_346 = vector.broadcast %squeeze3A_265 : f32 to vector<16xf32>
      %sub3A_347 = arith.subf %gather3A_345, %sub3A_346 : vector<16xf32>
      tpu.vector_store_idx %arg18[%add3A_344], %sub3A_347 : memref<12288xf32, #tpu.memory_space<vmem>>[vector<16xi32>], vector<16xf32>,
      %add3A_348 = arith.constant 4096 : i32
      %add3A_349 = vector.broadcast %add3A_348 : i32 to vector<16xi32>
      %add3A_350 = arith.addi %add3A_344, %add3A_349 : vector<16xi32>
      %gather3A_351 = tpu.vector_load_idx %arg8[%select_n3A_334] : memref<512xf32, #tpu.memory_space<vmem>>[vector<16xi32>], vector<16xf32>,
      %sub3A_352 = vector.broadcast %squeeze3A_269 : f32 to vector<16xf32>
      %sub3A_353 = arith.subf %gather3A_351, %sub3A_352 : vector<16xf32>
      tpu.vector_store_idx %arg18[%add3A_350], %sub3A_353 : memref<12288xf32, #tpu.memory_space<vmem>>[vector<16xi32>], vector<16xf32>,
      %add3A_354 = arith.constant 8192 : i32
      %add3A_355 = vector.broadcast %add3A_354 : i32 to vector<16xi32>
      %add3A_356 = arith.addi %add3A_344, %add3A_355 : vector<16xi32>
      %gather3A_357 = tpu.vector_load_idx %arg9[%select_n3A_334] : memref<512xf32, #tpu.memory_space<vmem>>[vector<16xi32>], vector<16xf32>,
      %sub3A_358 = vector.broadcast %squeeze3A_273 : f32 to vector<16xf32>
      %sub3A_359 = arith.subf %gather3A_357, %sub3A_358 : vector<16xf32>
      tpu.vector_store_idx %arg18[%add3A_356], %sub3A_359 : memref<12288xf32, #tpu.memory_space<vmem>>[vector<16xi32>], vector<16xf32>,
      %get3A_360 = arith.constant 32 : index
      %get3A_361 = tpu.vector_load %arg13[%get3A_360] {strides = array<i32>} : memref<544xi32, #tpu.memory_space<vmem>>, vector<16xi32>,
      %add3A_362 = arith.constant 32 : i32
      %add3A_363 = vector.broadcast %add3A_362 : i32 to vector<16xi32>
      %add3A_364 = arith.addi %iota3A, %add3A_363 : vector<16xi32>
      %lt3A_365 = vector.broadcast %min3A_287 : i32 to vector<16xi32>
      %lt3A_366 = arith.cmpi slt, %add3A_364, %lt3A_365 : vector<16xi32>
      %broadcast_in_dim3A_367 = vector.broadcast %squeeze3A_291 : i32 to vector<16xi32>
      %select_n3A_368 = arith.select %lt3A_366, %get3A_361, %broadcast_in_dim3A_367 : vector<16xi1>, vector<16xi32>
      %mul3A_369 = arith.constant 512 : i32
      %mul3A_370 = arith.muli %arg1, %mul3A_369 : i32
      %add3A_371 = vector.broadcast %mul3A_370 : i32 to vector<16xi32>
      %add3A_372 = arith.addi %select_n3A_368, %add3A_371 : vector<16xi32>
      %swap3A_373 = arith.constant 32 : index
      %swap3A_374 = tpu.vector_load %arg15[%swap3A_373] {strides = array<i32>} : memref<64xi32, #tpu.memory_space<vmem>>, vector<16xi32>,
      tpu.vector_store %arg15[%swap3A_373], %add3A_372 {strides = array<i32>} : memref<64xi32, #tpu.memory_space<vmem>>, vector<16xi32>,
      %mul3A_375 = arith.constant 64 : i32
      %mul3A_376 = arith.muli %add3A_261, %mul3A_375 : i32
      %add3A_377 = vector.broadcast %mul3A_376 : i32 to vector<16xi32>
      %add3A_378 = arith.addi %add3A_377, %add3A_364 : vector<16xi32>
      %gather3A_379 = tpu.vector_load_idx %arg7[%select_n3A_368] : memref<512xf32, #tpu.memory_space<vmem>>[vector<16xi32>], vector<16xf32>,
      %sub3A_380 = vector.broadcast %squeeze3A_265 : f32 to vector<16xf32>
      %sub3A_381 = arith.subf %gather3A_379, %sub3A_380 : vector<16xf32>
      tpu.vector_store_idx %arg18[%add3A_378], %sub3A_381 : memref<12288xf32, #tpu.memory_space<vmem>>[vector<16xi32>], vector<16xf32>,
      %add3A_382 = arith.constant 4096 : i32
      %add3A_383 = vector.broadcast %add3A_382 : i32 to vector<16xi32>
      %add3A_384 = arith.addi %add3A_378, %add3A_383 : vector<16xi32>
      %gather3A_385 = tpu.vector_load_idx %arg8[%select_n3A_368] : memref<512xf32, #tpu.memory_space<vmem>>[vector<16xi32>], vector<16xf32>,
      %sub3A_386 = vector.broadcast %squeeze3A_269 : f32 to vector<16xf32>
      %sub3A_387 = arith.subf %gather3A_385, %sub3A_386 : vector<16xf32>
      tpu.vector_store_idx %arg18[%add3A_384], %sub3A_387 : memref<12288xf32, #tpu.memory_space<vmem>>[vector<16xi32>], vector<16xf32>,
      %add3A_388 = arith.constant 8192 : i32
      %add3A_389 = vector.broadcast %add3A_388 : i32 to vector<16xi32>
      %add3A_390 = arith.addi %add3A_378, %add3A_389 : vector<16xi32>
      %gather3A_391 = tpu.vector_load_idx %arg9[%select_n3A_368] : memref<512xf32, #tpu.memory_space<vmem>>[vector<16xi32>], vector<16xf32>,
      %sub3A_392 = vector.broadcast %squeeze3A_273 : f32 to vector<16xf32>
      %sub3A_393 = arith.subf %gather3A_391, %sub3A_392 : vector<16xf32>
      tpu.vector_store_idx %arg18[%add3A_390], %sub3A_393 : memref<12288xf32, #tpu.memory_space<vmem>>[vector<16xi32>], vector<16xf32>,
      %get3A_394 = arith.constant 48 : index
      %get3A_395 = tpu.vector_load %arg13[%get3A_394] {strides = array<i32>} : memref<544xi32, #tpu.memory_space<vmem>>, vector<16xi32>,
      %add3A_396 = arith.constant 48 : i32
      %add3A_397 = vector.broadcast %add3A_396 : i32 to vector<16xi32>
      %add3A_398 = arith.addi %iota3A, %add3A_397 : vector<16xi32>
      %lt3A_399 = vector.broadcast %min3A_287 : i32 to vector<16xi32>
      %lt3A_400 = arith.cmpi slt, %add3A_398, %lt3A_399 : vector<16xi32>
      %broadcast_in_dim3A_401 = vector.broadcast %squeeze3A_291 : i32 to vector<16xi32>
      %select_n3A_402 = arith.select %lt3A_400, %get3A_395, %broadcast_in_dim3A_401 : vector<16xi1>, vector<16xi32>
      %mul3A_403 = arith.constant 512 : i32
      %mul3A_404 = arith.muli %arg1, %mul3A_403 : i32
      %add3A_405 = vector.broadcast %mul3A_404 : i32 to vector<16xi32>
      %add3A_406 = arith.addi %select_n3A_402, %add3A_405 : vector<16xi32>
      %swap3A_407 = arith.constant 48 : index
      %swap3A_408 = tpu.vector_load %arg15[%swap3A_407] {strides = array<i32>} : memref<64xi32, #tpu.memory_space<vmem>>, vector<16xi32>,
      tpu.vector_store %arg15[%swap3A_407], %add3A_406 {strides = array<i32>} : memref<64xi32, #tpu.memory_space<vmem>>, vector<16xi32>,
      %mul3A_409 = arith.constant 64 : i32
      %mul3A_410 = arith.muli %add3A_261, %mul3A_409 : i32
      %add3A_411 = vector.broadcast %mul3A_410 : i32 to vector<16xi32>
      %add3A_412 = arith.addi %add3A_411, %add3A_398 : vector<16xi32>
      %gather3A_413 = tpu.vector_load_idx %arg7[%select_n3A_402] : memref<512xf32, #tpu.memory_space<vmem>>[vector<16xi32>], vector<16xf32>,
      %sub3A_414 = vector.broadcast %squeeze3A_265 : f32 to vector<16xf32>
      %sub3A_415 = arith.subf %gather3A_413, %sub3A_414 : vector<16xf32>
      tpu.vector_store_idx %arg18[%add3A_412], %sub3A_415 : memref<12288xf32, #tpu.memory_space<vmem>>[vector<16xi32>], vector<16xf32>,
      %add3A_416 = arith.constant 4096 : i32
      %add3A_417 = vector.broadcast %add3A_416 : i32 to vector<16xi32>
      %add3A_418 = arith.addi %add3A_412, %add3A_417 : vector<16xi32>
      %gather3A_419 = tpu.vector_load_idx %arg8[%select_n3A_402] : memref<512xf32, #tpu.memory_space<vmem>>[vector<16xi32>], vector<16xf32>,
      %sub3A_420 = vector.broadcast %squeeze3A_269 : f32 to vector<16xf32>
      %sub3A_421 = arith.subf %gather3A_419, %sub3A_420 : vector<16xf32>
      tpu.vector_store_idx %arg18[%add3A_418], %sub3A_421 : memref<12288xf32, #tpu.memory_space<vmem>>[vector<16xi32>], vector<16xf32>,
      %add3A_422 = arith.constant 8192 : i32
      %add3A_423 = vector.broadcast %add3A_422 : i32 to vector<16xi32>
      %add3A_424 = arith.addi %add3A_412, %add3A_423 : vector<16xi32>
      %gather3A_425 = tpu.vector_load_idx %arg9[%select_n3A_402] : memref<512xf32, #tpu.memory_space<vmem>>[vector<16xi32>], vector<16xf32>,
      %sub3A_426 = vector.broadcast %squeeze3A_273 : f32 to vector<16xf32>
      %sub3A_427 = arith.subf %gather3A_425, %sub3A_426 : vector<16xf32>
      tpu.vector_store_idx %arg18[%add3A_424], %sub3A_427 : memref<12288xf32, #tpu.memory_space<vmem>>[vector<16xi32>], vector<16xf32>,
      %dma_start3A_428 = arith.constant 0 : i32
      %dma_start3A_429 = arith.constant 0 : i32
      %dma_start3A_430 = tpu.memref_slice %arg4[%dma_start3A_428, %dma_start3A_429] : memref<8192x128xf32, #tpu.memory_space<hbm>> -> memref<8192x128xf32, #tpu.memory_space<hbm>>
      tpu.enqueue_indirect_dma source(%dma_start3A_430 : memref<8192x128xf32, #tpu.memory_space<hbm>>) target(%arg17 : memref<64x128xf32, #tpu.memory_space<vmem>>) offsets(%arg15 : memref<64xi32, #tpu.memory_space<vmem>>) semaphore(%arg20 : memref<!tpu.dma_semaphore, #tpu.memory_space<semaphore_mem>>)
      %ge3A_431 = arith.constant 1 : i32
      %ge3A_432 = arith.cmpi sge, %add3A_261, %ge3A_431 : i32
      %convert_element_type3A_433 = arith.extui %ge3A_432 : i1 to i32
      %cond3A_434 = arith.constant 0 : i32
      %cond3A_435 = arith.cmpi ne, %convert_element_type3A_433, %cond3A_434 : i32
      scf.if %cond3A_435 {
        %dma_wait3A_437 = arith.constant 0 : i32
        %dma_wait3A_438 = arith.constant 0 : i32
        %dma_wait3A_439 = tpu.memref_slice %arg4[%dma_wait3A_437, %dma_wait3A_438] : memref<8192x128xf32, #tpu.memory_space<hbm>> -> memref<8192x128xf32, #tpu.memory_space<hbm>>
        tpu.wait_indirect_dma semaphore(%arg19 : memref<!tpu.dma_semaphore, #tpu.memory_space<semaphore_mem>>) src(%dma_wait3A_439 : memref<8192x128xf32, #tpu.memory_space<hbm>>) dst(%arg16 : memref<64x128xf32, #tpu.memory_space<vmem>>)
        %sub3A_440 = arith.constant 1 : i32
        %sub3A_441 = arith.subi %add3A_261, %sub3A_440 : i32
        %add3A_442 = arith.addi %add3A_47, %sub3A_441 : i32
        %mul3A_443 = arith.constant 64 : i32
        %mul3A_444 = arith.muli %add3A_442, %mul3A_443 : i32
        %dma_start3A_445 = arith.constant 0 : i32
        %dma_start3A_446 = tpu.memref_slice %arg5[%mul3A_444, %dma_start3A_445] : memref<131072x128xf32, #tpu.memory_space<hbm>> -> memref<64x128xf32, #tpu.memory_space<hbm>>
        %dma_start3A_447 = arith.constant 0 : i32
        %dma_start3A_448 = tpu.memref_slice %arg5[%mul3A_444, %dma_start3A_447] : memref<131072x128xf32, #tpu.memory_space<hbm>> -> memref<64x128xf32, #tpu.memory_space<hbm>>
        tpu.enqueue_dma source(%arg16 : memref<64x128xf32, #tpu.memory_space<vmem>>) target(%dma_start3A_448 : memref<64x128xf32, #tpu.memory_space<hbm>>) target_semaphore(%arg21 : memref<!tpu.dma_semaphore, #tpu.memory_space<semaphore_mem>>)
      } else {
      }
      %scan3A_436 = arith.constant 0 : i32
      scf.yield %scan3A_436 : i32
    }
    %scan3A_53 = arith.constant 32 : i32
    %dma_wait3A = arith.constant 0 : i32
    %dma_wait3A_54 = arith.constant 0 : i32
    %dma_wait3A_55 = tpu.memref_slice %arg4[%dma_wait3A, %dma_wait3A_54] : memref<8192x128xf32, #tpu.memory_space<hbm>> -> memref<8192x128xf32, #tpu.memory_space<hbm>>
    tpu.wait_indirect_dma semaphore(%arg20 : memref<!tpu.dma_semaphore, #tpu.memory_space<semaphore_mem>>) src(%dma_wait3A_55 : memref<8192x128xf32, #tpu.memory_space<hbm>>) dst(%arg17 : memref<64x128xf32, #tpu.memory_space<vmem>>)
    %add3A_56 = arith.constant 63 : i32
    %add3A_57 = arith.addi %add3A_47, %add3A_56 : i32
    %mul3A_58 = arith.constant 64 : i32
    %mul3A_59 = arith.muli %add3A_57, %mul3A_58 : i32
    %dma_start3A = arith.constant 0 : i32
    %dma_start3A_60 = tpu.memref_slice %arg5[%mul3A_59, %dma_start3A] : memref<131072x128xf32, #tpu.memory_space<hbm>> -> memref<64x128xf32, #tpu.memory_space<hbm>>
    %dma_start3A_61 = arith.constant 0 : i32
    %dma_start3A_62 = tpu.memref_slice %arg5[%mul3A_59, %dma_start3A_61] : memref<131072x128xf32, #tpu.memory_space<hbm>> -> memref<64x128xf32, #tpu.memory_space<hbm>>
    tpu.enqueue_dma source(%arg17 : memref<64x128xf32, #tpu.memory_space<vmem>>) target(%dma_start3A_62 : memref<64x128xf32, #tpu.memory_space<hbm>>) target_semaphore(%arg22 : memref<!tpu.dma_semaphore, #tpu.memory_space<semaphore_mem>>)
    %add3A_63 = arith.constant 62 : i32
    %add3A_64 = arith.addi %add3A_47, %add3A_63 : i32
    %mul3A_65 = arith.constant 64 : i32
    %mul3A_66 = arith.muli %add3A_64, %mul3A_65 : i32
    %dma_wait3A_67 = arith.constant 0 : i32
    %dma_wait3A_68 = tpu.memref_slice %arg5[%mul3A_66, %dma_wait3A_67] : memref<131072x128xf32, #tpu.memory_space<hbm>> -> memref<64x128xf32, #tpu.memory_space<hbm>>
    %dma_wait3A_69 = arith.constant 0 : i32
    %dma_wait3A_70 = tpu.memref_slice %arg5[%mul3A_66, %dma_wait3A_69] : memref<131072x128xf32, #tpu.memory_space<hbm>> -> memref<64x128xf32, #tpu.memory_space<hbm>>
    tpu.wait_dma2 semaphore(%arg21 : memref<!tpu.dma_semaphore, #tpu.memory_space<semaphore_mem>>) src(%arg16 : memref<64x128xf32, #tpu.memory_space<vmem>>) dst(%dma_wait3A_70 : memref<64x128xf32, #tpu.memory_space<hbm>>)
    %add3A_71 = arith.constant 63 : i32
    %add3A_72 = arith.addi %add3A_47, %add3A_71 : i32
    %mul3A_73 = arith.constant 64 : i32
    %mul3A_74 = arith.muli %add3A_72, %mul3A_73 : i32
    %dma_wait3A_75 = arith.constant 0 : i32
    %dma_wait3A_76 = tpu.memref_slice %arg5[%mul3A_74, %dma_wait3A_75] : memref<131072x128xf32, #tpu.memory_space<hbm>> -> memref<64x128xf32, #tpu.memory_space<hbm>>
    %dma_wait3A_77 = arith.constant 0 : i32
    %dma_wait3A_78 = tpu.memref_slice %arg5[%mul3A_74, %dma_wait3A_77] : memref<131072x128xf32, #tpu.memory_space<hbm>> -> memref<64x128xf32, #tpu.memory_space<hbm>>
    tpu.wait_dma2 semaphore(%arg22 : memref<!tpu.dma_semaphore, #tpu.memory_space<semaphore_mem>>) src(%arg17 : memref<64x128xf32, #tpu.memory_space<vmem>>) dst(%dma_wait3A_78 : memref<64x128xf32, #tpu.memory_space<hbm>>)
    %mul3A_79 = arith.constant 64 : i32
    %mul3A_80 = arith.muli %add3A_47, %mul3A_79 : i32
    %add3A_81 = arith.constant 0 : i32
    %add3A_82 = arith.addi %add3A_81, %mul3A_80 : i32
    "tpu.region"() ({
      %run_scoped3A = tpu.sem_alloc : memref<!tpu.dma_semaphore, #tpu.memory_space<semaphore_mem>>
      %dma_start3A_91 = arith.constant 0 : i32
      %dma_start3A_92 = tpu.memref_slice %arg18[%dma_start3A_91] : memref<12288xf32, #tpu.memory_space<vmem>> -> memref<4096xf32, #tpu.memory_space<vmem>>
      %dma_start3A_93 = tpu.memref_slice %arg6[%add3A_82] : memref<393216xf32, #tpu.memory_space<hbm>> -> memref<4096xf32, #tpu.memory_space<hbm>>
      %dma_start3A_94 = tpu.memref_slice %arg6[%add3A_82] : memref<393216xf32, #tpu.memory_space<hbm>> -> memref<4096xf32, #tpu.memory_space<hbm>>
      %dma_start3A_95 = arith.constant 0 : i32
      %dma_start3A_96 = tpu.memref_slice %arg18[%dma_start3A_95] : memref<12288xf32, #tpu.memory_space<vmem>> -> memref<4096xf32, #tpu.memory_space<vmem>>
      tpu.enqueue_dma source(%dma_start3A_96 : memref<4096xf32, #tpu.memory_space<vmem>>) target(%dma_start3A_94 : memref<4096xf32, #tpu.memory_space<hbm>>) target_semaphore(%run_scoped3A : memref<!tpu.dma_semaphore, #tpu.memory_space<semaphore_mem>>)
      %dma_wait3A_97 = arith.constant 0 : i32
      %dma_wait3A_98 = tpu.memref_slice %arg18[%dma_wait3A_97] : memref<12288xf32, #tpu.memory_space<vmem>> -> memref<4096xf32, #tpu.memory_space<vmem>>
      %dma_wait3A_99 = tpu.memref_slice %arg6[%add3A_82] : memref<393216xf32, #tpu.memory_space<hbm>> -> memref<4096xf32, #tpu.memory_space<hbm>>
      %dma_wait3A_100 = tpu.memref_slice %arg6[%add3A_82] : memref<393216xf32, #tpu.memory_space<hbm>> -> memref<4096xf32, #tpu.memory_space<hbm>>
      %dma_wait3A_101 = arith.constant 0 : i32
      %dma_wait3A_102 = tpu.memref_slice %arg18[%dma_wait3A_101] : memref<12288xf32, #tpu.memory_space<vmem>> -> memref<4096xf32, #tpu.memory_space<vmem>>
      tpu.wait_dma2 semaphore(%run_scoped3A : memref<!tpu.dma_semaphore, #tpu.memory_space<semaphore_mem>>) src(%dma_wait3A_102 : memref<4096xf32, #tpu.memory_space<vmem>>) dst(%dma_wait3A_100 : memref<4096xf32, #tpu.memory_space<hbm>>)
      tpu.yield
    }) : () -> ()
    %mul3A_83 = arith.constant 64 : i32
    %mul3A_84 = arith.muli %add3A_47, %mul3A_83 : i32
    %add3A_85 = arith.constant 131072 : i32
    %add3A_86 = arith.addi %add3A_85, %mul3A_84 : i32
    "tpu.region"() ({
      %run_scoped3A = tpu.sem_alloc : memref<!tpu.dma_semaphore, #tpu.memory_space<semaphore_mem>>
      %dma_start3A_91 = arith.constant 4096 : i32
      %dma_start3A_92 = tpu.memref_slice %arg18[%dma_start3A_91] : memref<12288xf32, #tpu.memory_space<vmem>> -> memref<4096xf32, #tpu.memory_space<vmem>>
      %dma_start3A_93 = tpu.memref_slice %arg6[%add3A_86] : memref<393216xf32, #tpu.memory_space<hbm>> -> memref<4096xf32, #tpu.memory_space<hbm>>
      %dma_start3A_94 = tpu.memref_slice %arg6[%add3A_86] : memref<393216xf32, #tpu.memory_space<hbm>> -> memref<4096xf32, #tpu.memory_space<hbm>>
      %dma_start3A_95 = arith.constant 4096 : i32
      %dma_start3A_96 = tpu.memref_slice %arg18[%dma_start3A_95] : memref<12288xf32, #tpu.memory_space<vmem>> -> memref<4096xf32, #tpu.memory_space<vmem>>
      tpu.enqueue_dma source(%dma_start3A_96 : memref<4096xf32, #tpu.memory_space<vmem>>) target(%dma_start3A_94 : memref<4096xf32, #tpu.memory_space<hbm>>) target_semaphore(%run_scoped3A : memref<!tpu.dma_semaphore, #tpu.memory_space<semaphore_mem>>)
      %dma_wait3A_97 = arith.constant 4096 : i32
      %dma_wait3A_98 = tpu.memref_slice %arg18[%dma_wait3A_97] : memref<12288xf32, #tpu.memory_space<vmem>> -> memref<4096xf32, #tpu.memory_space<vmem>>
      %dma_wait3A_99 = tpu.memref_slice %arg6[%add3A_86] : memref<393216xf32, #tpu.memory_space<hbm>> -> memref<4096xf32, #tpu.memory_space<hbm>>
      %dma_wait3A_100 = tpu.memref_slice %arg6[%add3A_86] : memref<393216xf32, #tpu.memory_space<hbm>> -> memref<4096xf32, #tpu.memory_space<hbm>>
      %dma_wait3A_101 = arith.constant 4096 : i32
      %dma_wait3A_102 = tpu.memref_slice %arg18[%dma_wait3A_101] : memref<12288xf32, #tpu.memory_space<vmem>> -> memref<4096xf32, #tpu.memory_space<vmem>>
      tpu.wait_dma2 semaphore(%run_scoped3A : memref<!tpu.dma_semaphore, #tpu.memory_space<semaphore_mem>>) src(%dma_wait3A_102 : memref<4096xf32, #tpu.memory_space<vmem>>) dst(%dma_wait3A_100 : memref<4096xf32, #tpu.memory_space<hbm>>)
      tpu.yield
    }) : () -> ()
    %mul3A_87 = arith.constant 64 : i32
    %mul3A_88 = arith.muli %add3A_47, %mul3A_87 : i32
    %add3A_89 = arith.constant 262144 : i32
    %add3A_90 = arith.addi %add3A_89, %mul3A_88 : i32
    "tpu.region"() ({
      %run_scoped3A = tpu.sem_alloc : memref<!tpu.dma_semaphore, #tpu.memory_space<semaphore_mem>>
      %dma_start3A_91 = arith.constant 8192 : i32
      %dma_start3A_92 = tpu.memref_slice %arg18[%dma_start3A_91] : memref<12288xf32, #tpu.memory_space<vmem>> -> memref<4096xf32, #tpu.memory_space<vmem>>
      %dma_start3A_93 = tpu.memref_slice %arg6[%add3A_90] : memref<393216xf32, #tpu.memory_space<hbm>> -> memref<4096xf32, #tpu.memory_space<hbm>>
      %dma_start3A_94 = tpu.memref_slice %arg6[%add3A_90] : memref<393216xf32, #tpu.memory_space<hbm>> -> memref<4096xf32, #tpu.memory_space<hbm>>
      %dma_start3A_95 = arith.constant 8192 : i32
      %dma_start3A_96 = tpu.memref_slice %arg18[%dma_start3A_95] : memref<12288xf32, #tpu.memory_space<vmem>> -> memref<4096xf32, #tpu.memory_space<vmem>>
      tpu.enqueue_dma source(%dma_start3A_96 : memref<4096xf32, #tpu.memory_space<vmem>>) target(%dma_start3A_94 : memref<4096xf32, #tpu.memory_space<hbm>>) target_semaphore(%run_scoped3A : memref<!tpu.dma_semaphore, #tpu.memory_space<semaphore_mem>>)
      %dma_wait3A_97 = arith.constant 8192 : i32
      %dma_wait3A_98 = tpu.memref_slice %arg18[%dma_wait3A_97] : memref<12288xf32, #tpu.memory_space<vmem>> -> memref<4096xf32, #tpu.memory_space<vmem>>
      %dma_wait3A_99 = tpu.memref_slice %arg6[%add3A_90] : memref<393216xf32, #tpu.memory_space<hbm>> -> memref<4096xf32, #tpu.memory_space<hbm>>
      %dma_wait3A_100 = tpu.memref_slice %arg6[%add3A_90] : memref<393216xf32, #tpu.memory_space<hbm>> -> memref<4096xf32, #tpu.memory_space<hbm>>
      %dma_wait3A_101 = arith.constant 8192 : i32
      %dma_wait3A_102 = tpu.memref_slice %arg18[%dma_wait3A_101] : memref<12288xf32, #tpu.memory_space<vmem>> -> memref<4096xf32, #tpu.memory_space<vmem>>
      tpu.wait_dma2 semaphore(%run_scoped3A : memref<!tpu.dma_semaphore, #tpu.memory_space<semaphore_mem>>) src(%dma_wait3A_102 : memref<4096xf32, #tpu.memory_space<vmem>>) dst(%dma_wait3A_100 : memref<4096xf32, #tpu.memory_space<hbm>>)
      tpu.yield
    }) : () -> ()
    return
  }
}

module attributes {stable_mosaic.version = 14 : i64} {
  func.func @kern(%arg0: i32, %arg1: memref<16x3x1024xf32, #tpu.memory_space<vmem>>, %arg2: memref<4x16x3x1xf32, #tpu.memory_space<vmem>>, %arg3: memref<16x1024xf32, #tpu.memory_space<vmem>>, %arg4: memref<16x1xi32, #tpu.memory_space<vmem>>) attributes {dimension_semantics = [#tpu.dimension_semantics<arbitrary>], iteration_bounds = array<i64: 128>, scalar_prefetch = 0 : i64, scratch_operands = 2 : i64, tpu.core_type = #tpu.core_type<tc>, window_params = [{pipeline_mode = #tpu.pipeline_mode<synchronous>, transform_indices = @transform_0, window_bounds = array<i64: 16, 3, 1024>}, {transform_indices = @transform_1, window_bounds = array<i64: 4, 16, 3, 1>}]} {
    %eq3A = arith.constant 0 : i32
    %eq3A_0 = arith.cmpi eq, %arg0, %eq3A : i32
    %convert_element_type3A = arith.extui %eq3A_0 : i1 to i32
    %cond3A = arith.constant 0 : i32
    %cond3A_1 = arith.cmpi ne, %convert_element_type3A, %cond3A : i32
    scf.if %cond3A_1 {
      %broadcast_in_dim3A_166 = arith.constant 1.000000e+10 : f32
      %broadcast_in_dim3A_167 = vector.broadcast %broadcast_in_dim3A_166 : f32 to vector<16x1024xf32>
      %swap3A_168 = arith.constant 0 : index
      %swap3A_169 = arith.constant 0 : index
      %swap3A_170 = vector.load %arg3[%swap3A_168, %swap3A_169] : memref<16x1024xf32, #tpu.memory_space<vmem>>, vector<16x1024xf32>
      tpu.vector_store %arg3[%swap3A_168, %swap3A_169], %broadcast_in_dim3A_167 {strides = array<i32>} : memref<16x1024xf32, #tpu.memory_space<vmem>>, vector<16x1024xf32>,
      %broadcast_in_dim3A_171 = arith.constant 0 : i32
      %broadcast_in_dim3A_172 = vector.broadcast %broadcast_in_dim3A_171 : i32 to vector<16x1xi32>
      %swap3A_173 = arith.constant 0 : index
      %swap3A_174 = arith.constant 0 : index
      %swap3A_175 = vector.load %arg4[%swap3A_173, %swap3A_174] : memref<16x1xi32, #tpu.memory_space<vmem>>, vector<16x1xi32>
      tpu.vector_store %arg4[%swap3A_173, %swap3A_174], %broadcast_in_dim3A_172 {strides = array<i32>} : memref<16x1xi32, #tpu.memory_space<vmem>>, vector<16x1xi32>,
    } else {
    }
    %get3A = arith.constant 0 : index
    %get3A_2 = arith.constant 0 : index
    %get3A_3 = arith.constant 0 : index
    %get3A_4 = vector.load %arg1[%get3A, %get3A_2, %get3A_3] : memref<16x3x1024xf32, #tpu.memory_space<vmem>>, vector<16x1x1024xf32>
    %get3A_5 = vector.shape_cast %get3A_4 : vector<16x1x1024xf32> to vector<16x1024xf32>
    %get3A_6 = arith.constant 0 : index
    %get3A_7 = arith.constant 1 : index
    %get3A_8 = arith.constant 0 : index
    %get3A_9 = vector.load %arg1[%get3A_6, %get3A_7, %get3A_8] : memref<16x3x1024xf32, #tpu.memory_space<vmem>>, vector<16x1x1024xf32>
    %get3A_10 = vector.shape_cast %get3A_9 : vector<16x1x1024xf32> to vector<16x1024xf32>
    %get3A_11 = arith.constant 0 : index
    %get3A_12 = arith.constant 2 : index
    %get3A_13 = arith.constant 0 : index
    %get3A_14 = vector.load %arg1[%get3A_11, %get3A_12, %get3A_13] : memref<16x3x1024xf32, #tpu.memory_space<vmem>>, vector<16x1x1024xf32>
    %get3A_15 = vector.shape_cast %get3A_14 : vector<16x1x1024xf32> to vector<16x1024xf32>
    %iota3A = tpu.iota {dimensions = array<i32: 1>} : vector<16x1024xi32>
    %get3A_16 = arith.constant 0 : index
    %get3A_17 = arith.constant 0 : index
    %get3A_18 = vector.load %arg4[%get3A_16, %get3A_17] : memref<16x1xi32, #tpu.memory_space<vmem>>, vector<16x1xi32>
    %get3A_19 = arith.constant 0 : index
    %get3A_20 = arith.constant 0 : index
    %get3A_21 = vector.load %arg3[%get3A_19, %get3A_20] : memref<16x1024xf32, #tpu.memory_space<vmem>>, vector<16x1024xf32>
    %eq3A_22 = vector.broadcast %get3A_18 : vector<16x1xi32> to vector<16x1024xi32>
    %eq3A_23 = arith.cmpi eq, %iota3A, %eq3A_22 : vector<16x1024xi32>
    %jit3A = arith.constant 0.000000e+00 : f32
    %broadcast_in_dim3A = vector.broadcast %jit3A : f32 to vector<16x1024xf32>
    %select_n3A = arith.select %eq3A_23, %get3A_5, %broadcast_in_dim3A : vector<16x1024xi1>, vector<16x1024xf32>
    %reduce_sum3A = arith.constant dense<0.000000e+00> : vector<16xf32>
    %reduce_sum3A_24 = vector.multi_reduction <add>, %select_n3A, %reduce_sum3A [1] : vector<16x1024xf32> to vector<16xf32>
    %broadcast_in_dim3A_25 = vector.shape_cast %reduce_sum3A_24 : vector<16xf32> to vector<16x1xf32>
    %jit3A_26 = arith.constant 0.000000e+00 : f32
    %broadcast_in_dim3A_27 = vector.broadcast %jit3A_26 : f32 to vector<16x1024xf32>
    %select_n3A_28 = arith.select %eq3A_23, %get3A_10, %broadcast_in_dim3A_27 : vector<16x1024xi1>, vector<16x1024xf32>
    %reduce_sum3A_29 = arith.constant dense<0.000000e+00> : vector<16xf32>
    %reduce_sum3A_30 = vector.multi_reduction <add>, %select_n3A_28, %reduce_sum3A_29 [1] : vector<16x1024xf32> to vector<16xf32>
    %broadcast_in_dim3A_31 = vector.shape_cast %reduce_sum3A_30 : vector<16xf32> to vector<16x1xf32>
    %jit3A_32 = arith.constant 0.000000e+00 : f32
    %broadcast_in_dim3A_33 = vector.broadcast %jit3A_32 : f32 to vector<16x1024xf32>
    %select_n3A_34 = arith.select %eq3A_23, %get3A_15, %broadcast_in_dim3A_33 : vector<16x1024xi1>, vector<16x1024xf32>
    %reduce_sum3A_35 = arith.constant dense<0.000000e+00> : vector<16xf32>
    %reduce_sum3A_36 = vector.multi_reduction <add>, %select_n3A_34, %reduce_sum3A_35 [1] : vector<16x1024xf32> to vector<16xf32>
    %broadcast_in_dim3A_37 = vector.shape_cast %reduce_sum3A_36 : vector<16xf32> to vector<16x1xf32>
    %concatenate3A = tpu.concatenate %broadcast_in_dim3A_25, %broadcast_in_dim3A_31, %broadcast_in_dim3A_37 in 1 : vector<16x1xf32>, vector<16x1xf32>, vector<16x1xf32> -> vector<16x3xf32>
    %sub3A = vector.broadcast %broadcast_in_dim3A_25 : vector<16x1xf32> to vector<16x1024xf32>
    %sub3A_38 = arith.subf %get3A_5, %sub3A : vector<16x1024xf32>
    %sub3A_39 = vector.broadcast %broadcast_in_dim3A_31 : vector<16x1xf32> to vector<16x1024xf32>
    %sub3A_40 = arith.subf %get3A_10, %sub3A_39 : vector<16x1024xf32>
    %sub3A_41 = vector.broadcast %broadcast_in_dim3A_37 : vector<16x1xf32> to vector<16x1024xf32>
    %sub3A_42 = arith.subf %get3A_15, %sub3A_41 : vector<16x1024xf32>
    %mul3A = arith.mulf %sub3A_38, %sub3A_38 : vector<16x1024xf32>
    %mul3A_43 = arith.mulf %sub3A_40, %sub3A_40 : vector<16x1024xf32>
    %add3A = arith.addf %mul3A, %mul3A_43 : vector<16x1024xf32>
    %mul3A_44 = arith.mulf %sub3A_42, %sub3A_42 : vector<16x1024xf32>
    %add3A_45 = arith.addf %add3A, %mul3A_44 : vector<16x1024xf32>
    %min3A = arith.minimumf %get3A_21, %add3A_45 : vector<16x1024xf32>
    %argmax3A = tpu.reduce_index %min3A {axis = 1 : i32, kind = #tpu.reduction_kind<arg_max>} : vector<16x1024xf32> -> vector<16xi32>
    %broadcast_in_dim3A_46 = vector.shape_cast %argmax3A : vector<16xi32> to vector<16x1xi32>
    %eq3A_47 = vector.broadcast %broadcast_in_dim3A_46 : vector<16x1xi32> to vector<16x1024xi32>
    %eq3A_48 = arith.cmpi eq, %iota3A, %eq3A_47 : vector<16x1024xi32>
    %jit3A_49 = arith.constant 0.000000e+00 : f32
    %broadcast_in_dim3A_50 = vector.broadcast %jit3A_49 : f32 to vector<16x1024xf32>
    %select_n3A_51 = arith.select %eq3A_48, %get3A_5, %broadcast_in_dim3A_50 : vector<16x1024xi1>, vector<16x1024xf32>
    %reduce_sum3A_52 = arith.constant dense<0.000000e+00> : vector<16xf32>
    %reduce_sum3A_53 = vector.multi_reduction <add>, %select_n3A_51, %reduce_sum3A_52 [1] : vector<16x1024xf32> to vector<16xf32>
    %broadcast_in_dim3A_54 = vector.shape_cast %reduce_sum3A_53 : vector<16xf32> to vector<16x1xf32>
    %jit3A_55 = arith.constant 0.000000e+00 : f32
    %broadcast_in_dim3A_56 = vector.broadcast %jit3A_55 : f32 to vector<16x1024xf32>
    %select_n3A_57 = arith.select %eq3A_48, %get3A_10, %broadcast_in_dim3A_56 : vector<16x1024xi1>, vector<16x1024xf32>
    %reduce_sum3A_58 = arith.constant dense<0.000000e+00> : vector<16xf32>
    %reduce_sum3A_59 = vector.multi_reduction <add>, %select_n3A_57, %reduce_sum3A_58 [1] : vector<16x1024xf32> to vector<16xf32>
    %broadcast_in_dim3A_60 = vector.shape_cast %reduce_sum3A_59 : vector<16xf32> to vector<16x1xf32>
    %jit3A_61 = arith.constant 0.000000e+00 : f32
    %broadcast_in_dim3A_62 = vector.broadcast %jit3A_61 : f32 to vector<16x1024xf32>
    %select_n3A_63 = arith.select %eq3A_48, %get3A_15, %broadcast_in_dim3A_62 : vector<16x1024xi1>, vector<16x1024xf32>
    %reduce_sum3A_64 = arith.constant dense<0.000000e+00> : vector<16xf32>
    %reduce_sum3A_65 = vector.multi_reduction <add>, %select_n3A_63, %reduce_sum3A_64 [1] : vector<16x1024xf32> to vector<16xf32>
    %broadcast_in_dim3A_66 = vector.shape_cast %reduce_sum3A_65 : vector<16xf32> to vector<16x1xf32>
    %concatenate3A_67 = tpu.concatenate %broadcast_in_dim3A_54, %broadcast_in_dim3A_60, %broadcast_in_dim3A_66 in 1 : vector<16x1xf32>, vector<16x1xf32>, vector<16x1xf32> -> vector<16x3xf32>
    %sub3A_68 = vector.broadcast %broadcast_in_dim3A_54 : vector<16x1xf32> to vector<16x1024xf32>
    %sub3A_69 = arith.subf %get3A_5, %sub3A_68 : vector<16x1024xf32>
    %sub3A_70 = vector.broadcast %broadcast_in_dim3A_60 : vector<16x1xf32> to vector<16x1024xf32>
    %sub3A_71 = arith.subf %get3A_10, %sub3A_70 : vector<16x1024xf32>
    %sub3A_72 = vector.broadcast %broadcast_in_dim3A_66 : vector<16x1xf32> to vector<16x1024xf32>
    %sub3A_73 = arith.subf %get3A_15, %sub3A_72 : vector<16x1024xf32>
    %mul3A_74 = arith.mulf %sub3A_69, %sub3A_69 : vector<16x1024xf32>
    %mul3A_75 = arith.mulf %sub3A_71, %sub3A_71 : vector<16x1024xf32>
    %add3A_76 = arith.addf %mul3A_74, %mul3A_75 : vector<16x1024xf32>
    %mul3A_77 = arith.mulf %sub3A_73, %sub3A_73 : vector<16x1024xf32>
    %add3A_78 = arith.addf %add3A_76, %mul3A_77 : vector<16x1024xf32>
    %min3A_79 = arith.minimumf %min3A, %add3A_78 : vector<16x1024xf32>
    %argmax3A_80 = tpu.reduce_index %min3A_79 {axis = 1 : i32, kind = #tpu.reduction_kind<arg_max>} : vector<16x1024xf32> -> vector<16xi32>
    %broadcast_in_dim3A_81 = vector.shape_cast %argmax3A_80 : vector<16xi32> to vector<16x1xi32>
    %eq3A_82 = vector.broadcast %broadcast_in_dim3A_81 : vector<16x1xi32> to vector<16x1024xi32>
    %eq3A_83 = arith.cmpi eq, %iota3A, %eq3A_82 : vector<16x1024xi32>
    %jit3A_84 = arith.constant 0.000000e+00 : f32
    %broadcast_in_dim3A_85 = vector.broadcast %jit3A_84 : f32 to vector<16x1024xf32>
    %select_n3A_86 = arith.select %eq3A_83, %get3A_5, %broadcast_in_dim3A_85 : vector<16x1024xi1>, vector<16x1024xf32>
    %reduce_sum3A_87 = arith.constant dense<0.000000e+00> : vector<16xf32>
    %reduce_sum3A_88 = vector.multi_reduction <add>, %select_n3A_86, %reduce_sum3A_87 [1] : vector<16x1024xf32> to vector<16xf32>
    %broadcast_in_dim3A_89 = vector.shape_cast %reduce_sum3A_88 : vector<16xf32> to vector<16x1xf32>
    %jit3A_90 = arith.constant 0.000000e+00 : f32
    %broadcast_in_dim3A_91 = vector.broadcast %jit3A_90 : f32 to vector<16x1024xf32>
    %select_n3A_92 = arith.select %eq3A_83, %get3A_10, %broadcast_in_dim3A_91 : vector<16x1024xi1>, vector<16x1024xf32>
    %reduce_sum3A_93 = arith.constant dense<0.000000e+00> : vector<16xf32>
    %reduce_sum3A_94 = vector.multi_reduction <add>, %select_n3A_92, %reduce_sum3A_93 [1] : vector<16x1024xf32> to vector<16xf32>
    %broadcast_in_dim3A_95 = vector.shape_cast %reduce_sum3A_94 : vector<16xf32> to vector<16x1xf32>
    %jit3A_96 = arith.constant 0.000000e+00 : f32
    %broadcast_in_dim3A_97 = vector.broadcast %jit3A_96 : f32 to vector<16x1024xf32>
    %select_n3A_98 = arith.select %eq3A_83, %get3A_15, %broadcast_in_dim3A_97 : vector<16x1024xi1>, vector<16x1024xf32>
    %reduce_sum3A_99 = arith.constant dense<0.000000e+00> : vector<16xf32>
    %reduce_sum3A_100 = vector.multi_reduction <add>, %select_n3A_98, %reduce_sum3A_99 [1] : vector<16x1024xf32> to vector<16xf32>
    %broadcast_in_dim3A_101 = vector.shape_cast %reduce_sum3A_100 : vector<16xf32> to vector<16x1xf32>
    %concatenate3A_102 = tpu.concatenate %broadcast_in_dim3A_89, %broadcast_in_dim3A_95, %broadcast_in_dim3A_101 in 1 : vector<16x1xf32>, vector<16x1xf32>, vector<16x1xf32> -> vector<16x3xf32>
    %sub3A_103 = vector.broadcast %broadcast_in_dim3A_89 : vector<16x1xf32> to vector<16x1024xf32>
    %sub3A_104 = arith.subf %get3A_5, %sub3A_103 : vector<16x1024xf32>
    %sub3A_105 = vector.broadcast %broadcast_in_dim3A_95 : vector<16x1xf32> to vector<16x1024xf32>
    %sub3A_106 = arith.subf %get3A_10, %sub3A_105 : vector<16x1024xf32>
    %sub3A_107 = vector.broadcast %broadcast_in_dim3A_101 : vector<16x1xf32> to vector<16x1024xf32>
    %sub3A_108 = arith.subf %get3A_15, %sub3A_107 : vector<16x1024xf32>
    %mul3A_109 = arith.mulf %sub3A_104, %sub3A_104 : vector<16x1024xf32>
    %mul3A_110 = arith.mulf %sub3A_106, %sub3A_106 : vector<16x1024xf32>
    %add3A_111 = arith.addf %mul3A_109, %mul3A_110 : vector<16x1024xf32>
    %mul3A_112 = arith.mulf %sub3A_108, %sub3A_108 : vector<16x1024xf32>
    %add3A_113 = arith.addf %add3A_111, %mul3A_112 : vector<16x1024xf32>
    %min3A_114 = arith.minimumf %min3A_79, %add3A_113 : vector<16x1024xf32>
    %argmax3A_115 = tpu.reduce_index %min3A_114 {axis = 1 : i32, kind = #tpu.reduction_kind<arg_max>} : vector<16x1024xf32> -> vector<16xi32>
    %broadcast_in_dim3A_116 = vector.shape_cast %argmax3A_115 : vector<16xi32> to vector<16x1xi32>
    %eq3A_117 = vector.broadcast %broadcast_in_dim3A_116 : vector<16x1xi32> to vector<16x1024xi32>
    %eq3A_118 = arith.cmpi eq, %iota3A, %eq3A_117 : vector<16x1024xi32>
    %jit3A_119 = arith.constant 0.000000e+00 : f32
    %broadcast_in_dim3A_120 = vector.broadcast %jit3A_119 : f32 to vector<16x1024xf32>
    %select_n3A_121 = arith.select %eq3A_118, %get3A_5, %broadcast_in_dim3A_120 : vector<16x1024xi1>, vector<16x1024xf32>
    %reduce_sum3A_122 = arith.constant dense<0.000000e+00> : vector<16xf32>
    %reduce_sum3A_123 = vector.multi_reduction <add>, %select_n3A_121, %reduce_sum3A_122 [1] : vector<16x1024xf32> to vector<16xf32>
    %broadcast_in_dim3A_124 = vector.shape_cast %reduce_sum3A_123 : vector<16xf32> to vector<16x1xf32>
    %jit3A_125 = arith.constant 0.000000e+00 : f32
    %broadcast_in_dim3A_126 = vector.broadcast %jit3A_125 : f32 to vector<16x1024xf32>
    %select_n3A_127 = arith.select %eq3A_118, %get3A_10, %broadcast_in_dim3A_126 : vector<16x1024xi1>, vector<16x1024xf32>
    %reduce_sum3A_128 = arith.constant dense<0.000000e+00> : vector<16xf32>
    %reduce_sum3A_129 = vector.multi_reduction <add>, %select_n3A_127, %reduce_sum3A_128 [1] : vector<16x1024xf32> to vector<16xf32>
    %broadcast_in_dim3A_130 = vector.shape_cast %reduce_sum3A_129 : vector<16xf32> to vector<16x1xf32>
    %jit3A_131 = arith.constant 0.000000e+00 : f32
    %broadcast_in_dim3A_132 = vector.broadcast %jit3A_131 : f32 to vector<16x1024xf32>
    %select_n3A_133 = arith.select %eq3A_118, %get3A_15, %broadcast_in_dim3A_132 : vector<16x1024xi1>, vector<16x1024xf32>
    %reduce_sum3A_134 = arith.constant dense<0.000000e+00> : vector<16xf32>
    %reduce_sum3A_135 = vector.multi_reduction <add>, %select_n3A_133, %reduce_sum3A_134 [1] : vector<16x1024xf32> to vector<16xf32>
    %broadcast_in_dim3A_136 = vector.shape_cast %reduce_sum3A_135 : vector<16xf32> to vector<16x1xf32>
    %concatenate3A_137 = tpu.concatenate %broadcast_in_dim3A_124, %broadcast_in_dim3A_130, %broadcast_in_dim3A_136 in 1 : vector<16x1xf32>, vector<16x1xf32>, vector<16x1xf32> -> vector<16x3xf32>
    %sub3A_138 = vector.broadcast %broadcast_in_dim3A_124 : vector<16x1xf32> to vector<16x1024xf32>
    %sub3A_139 = arith.subf %get3A_5, %sub3A_138 : vector<16x1024xf32>
    %sub3A_140 = vector.broadcast %broadcast_in_dim3A_130 : vector<16x1xf32> to vector<16x1024xf32>
    %sub3A_141 = arith.subf %get3A_10, %sub3A_140 : vector<16x1024xf32>
    %sub3A_142 = vector.broadcast %broadcast_in_dim3A_136 : vector<16x1xf32> to vector<16x1024xf32>
    %sub3A_143 = arith.subf %get3A_15, %sub3A_142 : vector<16x1024xf32>
    %mul3A_144 = arith.mulf %sub3A_139, %sub3A_139 : vector<16x1024xf32>
    %mul3A_145 = arith.mulf %sub3A_141, %sub3A_141 : vector<16x1024xf32>
    %add3A_146 = arith.addf %mul3A_144, %mul3A_145 : vector<16x1024xf32>
    %mul3A_147 = arith.mulf %sub3A_143, %sub3A_143 : vector<16x1024xf32>
    %add3A_148 = arith.addf %add3A_146, %mul3A_147 : vector<16x1024xf32>
    %min3A_149 = arith.minimumf %min3A_114, %add3A_148 : vector<16x1024xf32>
    %argmax3A_150 = tpu.reduce_index %min3A_149 {axis = 1 : i32, kind = #tpu.reduction_kind<arg_max>} : vector<16x1024xf32> -> vector<16xi32>
    %broadcast_in_dim3A_151 = vector.shape_cast %argmax3A_150 : vector<16xi32> to vector<16x1xi32>
    %swap3A = arith.constant 0 : index
    %swap3A_152 = arith.constant 0 : index
    %swap3A_153 = vector.load %arg3[%swap3A, %swap3A_152] : memref<16x1024xf32, #tpu.memory_space<vmem>>, vector<16x1024xf32>
    tpu.vector_store %arg3[%swap3A, %swap3A_152], %min3A_149 {strides = array<i32>} : memref<16x1024xf32, #tpu.memory_space<vmem>>, vector<16x1024xf32>,
    %swap3A_154 = arith.constant 0 : index
    %swap3A_155 = arith.constant 0 : index
    %swap3A_156 = vector.load %arg4[%swap3A_154, %swap3A_155] : memref<16x1xi32, #tpu.memory_space<vmem>>, vector<16x1xi32>
    tpu.vector_store %arg4[%swap3A_154, %swap3A_155], %broadcast_in_dim3A_151 {strides = array<i32>} : memref<16x1xi32, #tpu.memory_space<vmem>>, vector<16x1xi32>,
    %stack3A = vector.shape_cast %concatenate3A : vector<16x3xf32> to vector<1x16x3xf32>
    %stack3A_157 = vector.shape_cast %concatenate3A_67 : vector<16x3xf32> to vector<1x16x3xf32>
    %stack3A_158 = vector.shape_cast %concatenate3A_102 : vector<16x3xf32> to vector<1x16x3xf32>
    %stack3A_159 = vector.shape_cast %concatenate3A_137 : vector<16x3xf32> to vector<1x16x3xf32>
    %stack3A_160 = tpu.concatenate %stack3A, %stack3A_157, %stack3A_158, %stack3A_159 in 0 : vector<1x16x3xf32>, vector<1x16x3xf32>, vector<1x16x3xf32>, vector<1x16x3xf32> -> vector<4x16x3xf32>
    %reshape3A = vector.shape_cast %stack3A_160 : vector<4x16x3xf32> to vector<4x16x3x1xf32>
    %swap3A_161 = arith.constant 0 : index
    %swap3A_162 = arith.constant 0 : index
    %swap3A_163 = arith.constant 0 : index
    %swap3A_164 = arith.constant 0 : index
    %swap3A_165 = vector.load %arg2[%swap3A_161, %swap3A_162, %swap3A_163, %swap3A_164] : memref<4x16x3x1xf32, #tpu.memory_space<vmem>>, vector<4x16x3x1xf32>
    tpu.vector_store %arg2[%swap3A_161, %swap3A_162, %swap3A_163, %swap3A_164], %reshape3A {strides = array<i32>} : memref<4x16x3x1xf32, #tpu.memory_space<vmem>>, vector<4x16x3x1xf32>,
    return
  }
  func.func @transform_0(%arg0: i32) -> (i32, i32, i32) {
    %c0_i32 = arith.constant 0 : i32
    %c0_i32_0 = arith.constant 0 : i32
    %c0_i32_1 = arith.constant 0 : i32
    %c0_i32_2 = arith.constant 0 : i32
    return %c0_i32, %c0_i32_0, %c0_i32_1 : i32, i32, i32
  }
  func.func @transform_1(%arg0: i32) -> (i32, i32, i32, i32) {
    %c0_i32 = arith.constant 0 : i32
    %c0_i32_0 = arith.constant 0 : i32
    %c0_i32_1 = arith.constant 0 : i32
    %c0_i32_2 = arith.constant 0 : i32
    return %arg0, %c0_i32, %c0_i32_0, %c0_i32_1 : i32, i32, i32, i32
  }
}

module attributes {stable_mosaic.version = 14 : i64} {
  func.func @kern(%arg0: i32, %arg1: memref<16x3x512xf32, #tpu.memory_space<vmem>>, %arg2: memref<4x16x3x1xf32, #tpu.memory_space<vmem>>, %arg3: memref<16x512xf32, #tpu.memory_space<vmem>>, %arg4: memref<16x1xi32, #tpu.memory_space<vmem>>) attributes {dimension_semantics = [#tpu.dimension_semantics<arbitrary>], iteration_bounds = array<i64: 32>, scalar_prefetch = 0 : i64, scratch_operands = 2 : i64, tpu.core_type = #tpu.core_type<tc>, window_params = [{pipeline_mode = #tpu.pipeline_mode<synchronous>, transform_indices = @transform_0, window_bounds = array<i64: 16, 3, 512>}, {transform_indices = @transform_1, window_bounds = array<i64: 4, 16, 3, 1>}]} {
    %eq3A = arith.constant 0 : i32
    %eq3A_0 = arith.cmpi eq, %arg0, %eq3A : i32
    %convert_element_type3A = arith.extui %eq3A_0 : i1 to i32
    %cond3A = arith.constant 0 : i32
    %cond3A_1 = arith.cmpi ne, %convert_element_type3A, %cond3A : i32
    scf.if %cond3A_1 {
      %broadcast_in_dim3A_166 = arith.constant 1.000000e+10 : f32
      %broadcast_in_dim3A_167 = vector.broadcast %broadcast_in_dim3A_166 : f32 to vector<16x512xf32>
      %swap3A_168 = arith.constant 0 : index
      %swap3A_169 = arith.constant 0 : index
      %swap3A_170 = vector.load %arg3[%swap3A_168, %swap3A_169] : memref<16x512xf32, #tpu.memory_space<vmem>>, vector<16x512xf32>
      tpu.vector_store %arg3[%swap3A_168, %swap3A_169], %broadcast_in_dim3A_167 {strides = array<i32>} : memref<16x512xf32, #tpu.memory_space<vmem>>, vector<16x512xf32>,
      %broadcast_in_dim3A_171 = arith.constant 0 : i32
      %broadcast_in_dim3A_172 = vector.broadcast %broadcast_in_dim3A_171 : i32 to vector<16x1xi32>
      %swap3A_173 = arith.constant 0 : index
      %swap3A_174 = arith.constant 0 : index
      %swap3A_175 = vector.load %arg4[%swap3A_173, %swap3A_174] : memref<16x1xi32, #tpu.memory_space<vmem>>, vector<16x1xi32>
      tpu.vector_store %arg4[%swap3A_173, %swap3A_174], %broadcast_in_dim3A_172 {strides = array<i32>} : memref<16x1xi32, #tpu.memory_space<vmem>>, vector<16x1xi32>,
    } else {
    }
    %get3A = arith.constant 0 : index
    %get3A_2 = arith.constant 0 : index
    %get3A_3 = arith.constant 0 : index
    %get3A_4 = vector.load %arg1[%get3A, %get3A_2, %get3A_3] : memref<16x3x512xf32, #tpu.memory_space<vmem>>, vector<16x1x512xf32>
    %get3A_5 = vector.shape_cast %get3A_4 : vector<16x1x512xf32> to vector<16x512xf32>
    %get3A_6 = arith.constant 0 : index
    %get3A_7 = arith.constant 1 : index
    %get3A_8 = arith.constant 0 : index
    %get3A_9 = vector.load %arg1[%get3A_6, %get3A_7, %get3A_8] : memref<16x3x512xf32, #tpu.memory_space<vmem>>, vector<16x1x512xf32>
    %get3A_10 = vector.shape_cast %get3A_9 : vector<16x1x512xf32> to vector<16x512xf32>
    %get3A_11 = arith.constant 0 : index
    %get3A_12 = arith.constant 2 : index
    %get3A_13 = arith.constant 0 : index
    %get3A_14 = vector.load %arg1[%get3A_11, %get3A_12, %get3A_13] : memref<16x3x512xf32, #tpu.memory_space<vmem>>, vector<16x1x512xf32>
    %get3A_15 = vector.shape_cast %get3A_14 : vector<16x1x512xf32> to vector<16x512xf32>
    %iota3A = tpu.iota {dimensions = array<i32: 1>} : vector<16x512xi32>
    %get3A_16 = arith.constant 0 : index
    %get3A_17 = arith.constant 0 : index
    %get3A_18 = vector.load %arg4[%get3A_16, %get3A_17] : memref<16x1xi32, #tpu.memory_space<vmem>>, vector<16x1xi32>
    %get3A_19 = arith.constant 0 : index
    %get3A_20 = arith.constant 0 : index
    %get3A_21 = vector.load %arg3[%get3A_19, %get3A_20] : memref<16x512xf32, #tpu.memory_space<vmem>>, vector<16x512xf32>
    %eq3A_22 = vector.broadcast %get3A_18 : vector<16x1xi32> to vector<16x512xi32>
    %eq3A_23 = arith.cmpi eq, %iota3A, %eq3A_22 : vector<16x512xi32>
    %jit3A = arith.constant 0.000000e+00 : f32
    %broadcast_in_dim3A = vector.broadcast %jit3A : f32 to vector<16x512xf32>
    %select_n3A = arith.select %eq3A_23, %get3A_5, %broadcast_in_dim3A : vector<16x512xi1>, vector<16x512xf32>
    %reduce_sum3A = arith.constant dense<0.000000e+00> : vector<16xf32>
    %reduce_sum3A_24 = vector.multi_reduction <add>, %select_n3A, %reduce_sum3A [1] : vector<16x512xf32> to vector<16xf32>
    %broadcast_in_dim3A_25 = vector.shape_cast %reduce_sum3A_24 : vector<16xf32> to vector<16x1xf32>
    %jit3A_26 = arith.constant 0.000000e+00 : f32
    %broadcast_in_dim3A_27 = vector.broadcast %jit3A_26 : f32 to vector<16x512xf32>
    %select_n3A_28 = arith.select %eq3A_23, %get3A_10, %broadcast_in_dim3A_27 : vector<16x512xi1>, vector<16x512xf32>
    %reduce_sum3A_29 = arith.constant dense<0.000000e+00> : vector<16xf32>
    %reduce_sum3A_30 = vector.multi_reduction <add>, %select_n3A_28, %reduce_sum3A_29 [1] : vector<16x512xf32> to vector<16xf32>
    %broadcast_in_dim3A_31 = vector.shape_cast %reduce_sum3A_30 : vector<16xf32> to vector<16x1xf32>
    %jit3A_32 = arith.constant 0.000000e+00 : f32
    %broadcast_in_dim3A_33 = vector.broadcast %jit3A_32 : f32 to vector<16x512xf32>
    %select_n3A_34 = arith.select %eq3A_23, %get3A_15, %broadcast_in_dim3A_33 : vector<16x512xi1>, vector<16x512xf32>
    %reduce_sum3A_35 = arith.constant dense<0.000000e+00> : vector<16xf32>
    %reduce_sum3A_36 = vector.multi_reduction <add>, %select_n3A_34, %reduce_sum3A_35 [1] : vector<16x512xf32> to vector<16xf32>
    %broadcast_in_dim3A_37 = vector.shape_cast %reduce_sum3A_36 : vector<16xf32> to vector<16x1xf32>
    %concatenate3A = tpu.concatenate %broadcast_in_dim3A_25, %broadcast_in_dim3A_31, %broadcast_in_dim3A_37 in 1 : vector<16x1xf32>, vector<16x1xf32>, vector<16x1xf32> -> vector<16x3xf32>
    %sub3A = vector.broadcast %broadcast_in_dim3A_25 : vector<16x1xf32> to vector<16x512xf32>
    %sub3A_38 = arith.subf %get3A_5, %sub3A : vector<16x512xf32>
    %sub3A_39 = vector.broadcast %broadcast_in_dim3A_31 : vector<16x1xf32> to vector<16x512xf32>
    %sub3A_40 = arith.subf %get3A_10, %sub3A_39 : vector<16x512xf32>
    %sub3A_41 = vector.broadcast %broadcast_in_dim3A_37 : vector<16x1xf32> to vector<16x512xf32>
    %sub3A_42 = arith.subf %get3A_15, %sub3A_41 : vector<16x512xf32>
    %mul3A = arith.mulf %sub3A_38, %sub3A_38 : vector<16x512xf32>
    %mul3A_43 = arith.mulf %sub3A_40, %sub3A_40 : vector<16x512xf32>
    %add3A = arith.addf %mul3A, %mul3A_43 : vector<16x512xf32>
    %mul3A_44 = arith.mulf %sub3A_42, %sub3A_42 : vector<16x512xf32>
    %add3A_45 = arith.addf %add3A, %mul3A_44 : vector<16x512xf32>
    %min3A = arith.minimumf %get3A_21, %add3A_45 : vector<16x512xf32>
    %argmax3A = tpu.reduce_index %min3A {axis = 1 : i32, kind = #tpu.reduction_kind<arg_max>} : vector<16x512xf32> -> vector<16xi32>
    %broadcast_in_dim3A_46 = vector.shape_cast %argmax3A : vector<16xi32> to vector<16x1xi32>
    %eq3A_47 = vector.broadcast %broadcast_in_dim3A_46 : vector<16x1xi32> to vector<16x512xi32>
    %eq3A_48 = arith.cmpi eq, %iota3A, %eq3A_47 : vector<16x512xi32>
    %jit3A_49 = arith.constant 0.000000e+00 : f32
    %broadcast_in_dim3A_50 = vector.broadcast %jit3A_49 : f32 to vector<16x512xf32>
    %select_n3A_51 = arith.select %eq3A_48, %get3A_5, %broadcast_in_dim3A_50 : vector<16x512xi1>, vector<16x512xf32>
    %reduce_sum3A_52 = arith.constant dense<0.000000e+00> : vector<16xf32>
    %reduce_sum3A_53 = vector.multi_reduction <add>, %select_n3A_51, %reduce_sum3A_52 [1] : vector<16x512xf32> to vector<16xf32>
    %broadcast_in_dim3A_54 = vector.shape_cast %reduce_sum3A_53 : vector<16xf32> to vector<16x1xf32>
    %jit3A_55 = arith.constant 0.000000e+00 : f32
    %broadcast_in_dim3A_56 = vector.broadcast %jit3A_55 : f32 to vector<16x512xf32>
    %select_n3A_57 = arith.select %eq3A_48, %get3A_10, %broadcast_in_dim3A_56 : vector<16x512xi1>, vector<16x512xf32>
    %reduce_sum3A_58 = arith.constant dense<0.000000e+00> : vector<16xf32>
    %reduce_sum3A_59 = vector.multi_reduction <add>, %select_n3A_57, %reduce_sum3A_58 [1] : vector<16x512xf32> to vector<16xf32>
    %broadcast_in_dim3A_60 = vector.shape_cast %reduce_sum3A_59 : vector<16xf32> to vector<16x1xf32>
    %jit3A_61 = arith.constant 0.000000e+00 : f32
    %broadcast_in_dim3A_62 = vector.broadcast %jit3A_61 : f32 to vector<16x512xf32>
    %select_n3A_63 = arith.select %eq3A_48, %get3A_15, %broadcast_in_dim3A_62 : vector<16x512xi1>, vector<16x512xf32>
    %reduce_sum3A_64 = arith.constant dense<0.000000e+00> : vector<16xf32>
    %reduce_sum3A_65 = vector.multi_reduction <add>, %select_n3A_63, %reduce_sum3A_64 [1] : vector<16x512xf32> to vector<16xf32>
    %broadcast_in_dim3A_66 = vector.shape_cast %reduce_sum3A_65 : vector<16xf32> to vector<16x1xf32>
    %concatenate3A_67 = tpu.concatenate %broadcast_in_dim3A_54, %broadcast_in_dim3A_60, %broadcast_in_dim3A_66 in 1 : vector<16x1xf32>, vector<16x1xf32>, vector<16x1xf32> -> vector<16x3xf32>
    %sub3A_68 = vector.broadcast %broadcast_in_dim3A_54 : vector<16x1xf32> to vector<16x512xf32>
    %sub3A_69 = arith.subf %get3A_5, %sub3A_68 : vector<16x512xf32>
    %sub3A_70 = vector.broadcast %broadcast_in_dim3A_60 : vector<16x1xf32> to vector<16x512xf32>
    %sub3A_71 = arith.subf %get3A_10, %sub3A_70 : vector<16x512xf32>
    %sub3A_72 = vector.broadcast %broadcast_in_dim3A_66 : vector<16x1xf32> to vector<16x512xf32>
    %sub3A_73 = arith.subf %get3A_15, %sub3A_72 : vector<16x512xf32>
    %mul3A_74 = arith.mulf %sub3A_69, %sub3A_69 : vector<16x512xf32>
    %mul3A_75 = arith.mulf %sub3A_71, %sub3A_71 : vector<16x512xf32>
    %add3A_76 = arith.addf %mul3A_74, %mul3A_75 : vector<16x512xf32>
    %mul3A_77 = arith.mulf %sub3A_73, %sub3A_73 : vector<16x512xf32>
    %add3A_78 = arith.addf %add3A_76, %mul3A_77 : vector<16x512xf32>
    %min3A_79 = arith.minimumf %min3A, %add3A_78 : vector<16x512xf32>
    %argmax3A_80 = tpu.reduce_index %min3A_79 {axis = 1 : i32, kind = #tpu.reduction_kind<arg_max>} : vector<16x512xf32> -> vector<16xi32>
    %broadcast_in_dim3A_81 = vector.shape_cast %argmax3A_80 : vector<16xi32> to vector<16x1xi32>
    %eq3A_82 = vector.broadcast %broadcast_in_dim3A_81 : vector<16x1xi32> to vector<16x512xi32>
    %eq3A_83 = arith.cmpi eq, %iota3A, %eq3A_82 : vector<16x512xi32>
    %jit3A_84 = arith.constant 0.000000e+00 : f32
    %broadcast_in_dim3A_85 = vector.broadcast %jit3A_84 : f32 to vector<16x512xf32>
    %select_n3A_86 = arith.select %eq3A_83, %get3A_5, %broadcast_in_dim3A_85 : vector<16x512xi1>, vector<16x512xf32>
    %reduce_sum3A_87 = arith.constant dense<0.000000e+00> : vector<16xf32>
    %reduce_sum3A_88 = vector.multi_reduction <add>, %select_n3A_86, %reduce_sum3A_87 [1] : vector<16x512xf32> to vector<16xf32>
    %broadcast_in_dim3A_89 = vector.shape_cast %reduce_sum3A_88 : vector<16xf32> to vector<16x1xf32>
    %jit3A_90 = arith.constant 0.000000e+00 : f32
    %broadcast_in_dim3A_91 = vector.broadcast %jit3A_90 : f32 to vector<16x512xf32>
    %select_n3A_92 = arith.select %eq3A_83, %get3A_10, %broadcast_in_dim3A_91 : vector<16x512xi1>, vector<16x512xf32>
    %reduce_sum3A_93 = arith.constant dense<0.000000e+00> : vector<16xf32>
    %reduce_sum3A_94 = vector.multi_reduction <add>, %select_n3A_92, %reduce_sum3A_93 [1] : vector<16x512xf32> to vector<16xf32>
    %broadcast_in_dim3A_95 = vector.shape_cast %reduce_sum3A_94 : vector<16xf32> to vector<16x1xf32>
    %jit3A_96 = arith.constant 0.000000e+00 : f32
    %broadcast_in_dim3A_97 = vector.broadcast %jit3A_96 : f32 to vector<16x512xf32>
    %select_n3A_98 = arith.select %eq3A_83, %get3A_15, %broadcast_in_dim3A_97 : vector<16x512xi1>, vector<16x512xf32>
    %reduce_sum3A_99 = arith.constant dense<0.000000e+00> : vector<16xf32>
    %reduce_sum3A_100 = vector.multi_reduction <add>, %select_n3A_98, %reduce_sum3A_99 [1] : vector<16x512xf32> to vector<16xf32>
    %broadcast_in_dim3A_101 = vector.shape_cast %reduce_sum3A_100 : vector<16xf32> to vector<16x1xf32>
    %concatenate3A_102 = tpu.concatenate %broadcast_in_dim3A_89, %broadcast_in_dim3A_95, %broadcast_in_dim3A_101 in 1 : vector<16x1xf32>, vector<16x1xf32>, vector<16x1xf32> -> vector<16x3xf32>
    %sub3A_103 = vector.broadcast %broadcast_in_dim3A_89 : vector<16x1xf32> to vector<16x512xf32>
    %sub3A_104 = arith.subf %get3A_5, %sub3A_103 : vector<16x512xf32>
    %sub3A_105 = vector.broadcast %broadcast_in_dim3A_95 : vector<16x1xf32> to vector<16x512xf32>
    %sub3A_106 = arith.subf %get3A_10, %sub3A_105 : vector<16x512xf32>
    %sub3A_107 = vector.broadcast %broadcast_in_dim3A_101 : vector<16x1xf32> to vector<16x512xf32>
    %sub3A_108 = arith.subf %get3A_15, %sub3A_107 : vector<16x512xf32>
    %mul3A_109 = arith.mulf %sub3A_104, %sub3A_104 : vector<16x512xf32>
    %mul3A_110 = arith.mulf %sub3A_106, %sub3A_106 : vector<16x512xf32>
    %add3A_111 = arith.addf %mul3A_109, %mul3A_110 : vector<16x512xf32>
    %mul3A_112 = arith.mulf %sub3A_108, %sub3A_108 : vector<16x512xf32>
    %add3A_113 = arith.addf %add3A_111, %mul3A_112 : vector<16x512xf32>
    %min3A_114 = arith.minimumf %min3A_79, %add3A_113 : vector<16x512xf32>
    %argmax3A_115 = tpu.reduce_index %min3A_114 {axis = 1 : i32, kind = #tpu.reduction_kind<arg_max>} : vector<16x512xf32> -> vector<16xi32>
    %broadcast_in_dim3A_116 = vector.shape_cast %argmax3A_115 : vector<16xi32> to vector<16x1xi32>
    %eq3A_117 = vector.broadcast %broadcast_in_dim3A_116 : vector<16x1xi32> to vector<16x512xi32>
    %eq3A_118 = arith.cmpi eq, %iota3A, %eq3A_117 : vector<16x512xi32>
    %jit3A_119 = arith.constant 0.000000e+00 : f32
    %broadcast_in_dim3A_120 = vector.broadcast %jit3A_119 : f32 to vector<16x512xf32>
    %select_n3A_121 = arith.select %eq3A_118, %get3A_5, %broadcast_in_dim3A_120 : vector<16x512xi1>, vector<16x512xf32>
    %reduce_sum3A_122 = arith.constant dense<0.000000e+00> : vector<16xf32>
    %reduce_sum3A_123 = vector.multi_reduction <add>, %select_n3A_121, %reduce_sum3A_122 [1] : vector<16x512xf32> to vector<16xf32>
    %broadcast_in_dim3A_124 = vector.shape_cast %reduce_sum3A_123 : vector<16xf32> to vector<16x1xf32>
    %jit3A_125 = arith.constant 0.000000e+00 : f32
    %broadcast_in_dim3A_126 = vector.broadcast %jit3A_125 : f32 to vector<16x512xf32>
    %select_n3A_127 = arith.select %eq3A_118, %get3A_10, %broadcast_in_dim3A_126 : vector<16x512xi1>, vector<16x512xf32>
    %reduce_sum3A_128 = arith.constant dense<0.000000e+00> : vector<16xf32>
    %reduce_sum3A_129 = vector.multi_reduction <add>, %select_n3A_127, %reduce_sum3A_128 [1] : vector<16x512xf32> to vector<16xf32>
    %broadcast_in_dim3A_130 = vector.shape_cast %reduce_sum3A_129 : vector<16xf32> to vector<16x1xf32>
    %jit3A_131 = arith.constant 0.000000e+00 : f32
    %broadcast_in_dim3A_132 = vector.broadcast %jit3A_131 : f32 to vector<16x512xf32>
    %select_n3A_133 = arith.select %eq3A_118, %get3A_15, %broadcast_in_dim3A_132 : vector<16x512xi1>, vector<16x512xf32>
    %reduce_sum3A_134 = arith.constant dense<0.000000e+00> : vector<16xf32>
    %reduce_sum3A_135 = vector.multi_reduction <add>, %select_n3A_133, %reduce_sum3A_134 [1] : vector<16x512xf32> to vector<16xf32>
    %broadcast_in_dim3A_136 = vector.shape_cast %reduce_sum3A_135 : vector<16xf32> to vector<16x1xf32>
    %concatenate3A_137 = tpu.concatenate %broadcast_in_dim3A_124, %broadcast_in_dim3A_130, %broadcast_in_dim3A_136 in 1 : vector<16x1xf32>, vector<16x1xf32>, vector<16x1xf32> -> vector<16x3xf32>
    %sub3A_138 = vector.broadcast %broadcast_in_dim3A_124 : vector<16x1xf32> to vector<16x512xf32>
    %sub3A_139 = arith.subf %get3A_5, %sub3A_138 : vector<16x512xf32>
    %sub3A_140 = vector.broadcast %broadcast_in_dim3A_130 : vector<16x1xf32> to vector<16x512xf32>
    %sub3A_141 = arith.subf %get3A_10, %sub3A_140 : vector<16x512xf32>
    %sub3A_142 = vector.broadcast %broadcast_in_dim3A_136 : vector<16x1xf32> to vector<16x512xf32>
    %sub3A_143 = arith.subf %get3A_15, %sub3A_142 : vector<16x512xf32>
    %mul3A_144 = arith.mulf %sub3A_139, %sub3A_139 : vector<16x512xf32>
    %mul3A_145 = arith.mulf %sub3A_141, %sub3A_141 : vector<16x512xf32>
    %add3A_146 = arith.addf %mul3A_144, %mul3A_145 : vector<16x512xf32>
    %mul3A_147 = arith.mulf %sub3A_143, %sub3A_143 : vector<16x512xf32>
    %add3A_148 = arith.addf %add3A_146, %mul3A_147 : vector<16x512xf32>
    %min3A_149 = arith.minimumf %min3A_114, %add3A_148 : vector<16x512xf32>
    %argmax3A_150 = tpu.reduce_index %min3A_149 {axis = 1 : i32, kind = #tpu.reduction_kind<arg_max>} : vector<16x512xf32> -> vector<16xi32>
    %broadcast_in_dim3A_151 = vector.shape_cast %argmax3A_150 : vector<16xi32> to vector<16x1xi32>
    %swap3A = arith.constant 0 : index
    %swap3A_152 = arith.constant 0 : index
    %swap3A_153 = vector.load %arg3[%swap3A, %swap3A_152] : memref<16x512xf32, #tpu.memory_space<vmem>>, vector<16x512xf32>
    tpu.vector_store %arg3[%swap3A, %swap3A_152], %min3A_149 {strides = array<i32>} : memref<16x512xf32, #tpu.memory_space<vmem>>, vector<16x512xf32>,
    %swap3A_154 = arith.constant 0 : index
    %swap3A_155 = arith.constant 0 : index
    %swap3A_156 = vector.load %arg4[%swap3A_154, %swap3A_155] : memref<16x1xi32, #tpu.memory_space<vmem>>, vector<16x1xi32>
    tpu.vector_store %arg4[%swap3A_154, %swap3A_155], %broadcast_in_dim3A_151 {strides = array<i32>} : memref<16x1xi32, #tpu.memory_space<vmem>>, vector<16x1xi32>,
    %stack3A = vector.shape_cast %concatenate3A : vector<16x3xf32> to vector<1x16x3xf32>
    %stack3A_157 = vector.shape_cast %concatenate3A_67 : vector<16x3xf32> to vector<1x16x3xf32>
    %stack3A_158 = vector.shape_cast %concatenate3A_102 : vector<16x3xf32> to vector<1x16x3xf32>
    %stack3A_159 = vector.shape_cast %concatenate3A_137 : vector<16x3xf32> to vector<1x16x3xf32>
    %stack3A_160 = tpu.concatenate %stack3A, %stack3A_157, %stack3A_158, %stack3A_159 in 0 : vector<1x16x3xf32>, vector<1x16x3xf32>, vector<1x16x3xf32>, vector<1x16x3xf32> -> vector<4x16x3xf32>
    %reshape3A = vector.shape_cast %stack3A_160 : vector<4x16x3xf32> to vector<4x16x3x1xf32>
    %swap3A_161 = arith.constant 0 : index
    %swap3A_162 = arith.constant 0 : index
    %swap3A_163 = arith.constant 0 : index
    %swap3A_164 = arith.constant 0 : index
    %swap3A_165 = vector.load %arg2[%swap3A_161, %swap3A_162, %swap3A_163, %swap3A_164] : memref<4x16x3x1xf32, #tpu.memory_space<vmem>>, vector<4x16x3x1xf32>
    tpu.vector_store %arg2[%swap3A_161, %swap3A_162, %swap3A_163, %swap3A_164], %reshape3A {strides = array<i32>} : memref<4x16x3x1xf32, #tpu.memory_space<vmem>>, vector<4x16x3x1xf32>,
    return
  }
  func.func @transform_0(%arg0: i32) -> (i32, i32, i32) {
    %c0_i32 = arith.constant 0 : i32
    %c0_i32_0 = arith.constant 0 : i32
    %c0_i32_1 = arith.constant 0 : i32
    %c0_i32_2 = arith.constant 0 : i32
    return %c0_i32, %c0_i32_0, %c0_i32_1 : i32, i32, i32
  }
  func.func @transform_1(%arg0: i32) -> (i32, i32, i32, i32) {
    %c0_i32 = arith.constant 0 : i32
    %c0_i32_0 = arith.constant 0 : i32
    %c0_i32_1 = arith.constant 0 : i32
    %c0_i32_2 = arith.constant 0 : i32
    return %arg0, %c0_i32, %c0_i32_0, %c0_i32_1 : i32, i32, i32, i32
  }
}

module attributes {stable_mosaic.version = 14 : i64} {
  func.func @kern(%arg0: i32, %arg1: memref<3x8192xf32, #tpu.memory_space<vmem>>, %arg2: memref<64x3xf32, #tpu.memory_space<vmem>>, %arg3: memref<64x1xf32, #tpu.memory_space<vmem>>, %arg4: memref<64x64xf32, #tpu.memory_space<vmem>>, %arg5: memref<64x1xf32, #tpu.memory_space<vmem>>, %arg6: memref<128x64xf32, #tpu.memory_space<vmem>>, %arg7: memref<128x1xf32, #tpu.memory_space<vmem>>, %arg8: memref<128x128xf32, #tpu.memory_space<vmem>>) attributes {dimension_semantics = [#tpu.dimension_semantics<arbitrary>], iteration_bounds = array<i64: 64>, scalar_prefetch = 0 : i64, scratch_operands = 0 : i64, tpu.core_type = #tpu.core_type<tc>, window_params = [{transform_indices = @transform_0, window_bounds = array<i64: 3, 8192>}, {pipeline_mode = #tpu.pipeline_mode<synchronous>, transform_indices = @transform_1, window_bounds = array<i64: 64, 3>}, {pipeline_mode = #tpu.pipeline_mode<synchronous>, transform_indices = @transform_2, window_bounds = array<i64: 64, 1>}, {pipeline_mode = #tpu.pipeline_mode<synchronous>, transform_indices = @transform_3, window_bounds = array<i64: 64, 64>}, {pipeline_mode = #tpu.pipeline_mode<synchronous>, transform_indices = @transform_4, window_bounds = array<i64: 64, 1>}, {pipeline_mode = #tpu.pipeline_mode<synchronous>, transform_indices = @transform_5, window_bounds = array<i64: 128, 64>}, {pipeline_mode = #tpu.pipeline_mode<synchronous>, transform_indices = @transform_6, window_bounds = array<i64: 128, 1>}, {transform_indices = @transform_7, window_bounds = array<i64: 128, 128>}]} {
    %get3A = arith.constant 0 : index
    %get3A_0 = arith.constant 0 : index
    %get3A_1 = vector.load %arg1[%get3A, %get3A_0] : memref<3x8192xf32, #tpu.memory_space<vmem>>, vector<3x8192xf32>
    %get3A_2 = arith.constant 0 : index
    %get3A_3 = arith.constant 0 : index
    %get3A_4 = vector.load %arg2[%get3A_2, %get3A_3] : memref<64x3xf32, #tpu.memory_space<vmem>>, vector<64x3xf32>
    %get3A_5 = arith.constant 0 : index
    %get3A_6 = arith.constant 0 : index
    %get3A_7 = vector.load %arg3[%get3A_5, %get3A_6] : memref<64x1xf32, #tpu.memory_space<vmem>>, vector<64x1xf32>
    %dot_general3A = arith.constant dense<0.000000e+00> : vector<64x8192xf32>
    %dot_general3A_8 = tpu.matmul %get3A_4, %get3A_1, %dot_general3A {dimension_numbers = #tpu.dot_dimension_numbers<[1], [0], [0], [1], [0, 0, 1, 1], [], []>, transpose_lhs_hint = false} : vector<64x3xf32>, vector<3x8192xf32>, vector<64x8192xf32> -> vector<64x8192xf32>
    %add3A = vector.broadcast %get3A_7 : vector<64x1xf32> to vector<64x8192xf32>
    %add3A_9 = arith.addf %dot_general3A_8, %add3A : vector<64x8192xf32>
    %max3A = arith.constant 0.000000e+00 : f32
    %max3A_10 = vector.broadcast %max3A : f32 to vector<64x8192xf32>
    %max3A_11 = arith.maximumf %add3A_9, %max3A_10 : vector<64x8192xf32>
    %get3A_12 = arith.constant 0 : index
    %get3A_13 = arith.constant 0 : index
    %get3A_14 = vector.load %arg4[%get3A_12, %get3A_13] : memref<64x64xf32, #tpu.memory_space<vmem>>, vector<64x64xf32>
    %get3A_15 = arith.constant 0 : index
    %get3A_16 = arith.constant 0 : index
    %get3A_17 = vector.load %arg5[%get3A_15, %get3A_16] : memref<64x1xf32, #tpu.memory_space<vmem>>, vector<64x1xf32>
    %dot_general3A_18 = arith.constant dense<0.000000e+00> : vector<64x8192xf32>
    %dot_general3A_19 = tpu.matmul %get3A_14, %max3A_11, %dot_general3A_18 {dimension_numbers = #tpu.dot_dimension_numbers<[1], [0], [0], [1], [0, 0, 1, 1], [], []>, transpose_lhs_hint = false} : vector<64x64xf32>, vector<64x8192xf32>, vector<64x8192xf32> -> vector<64x8192xf32>
    %add3A_20 = vector.broadcast %get3A_17 : vector<64x1xf32> to vector<64x8192xf32>
    %add3A_21 = arith.addf %dot_general3A_19, %add3A_20 : vector<64x8192xf32>
    %max3A_22 = arith.constant 0.000000e+00 : f32
    %max3A_23 = vector.broadcast %max3A_22 : f32 to vector<64x8192xf32>
    %max3A_24 = arith.maximumf %add3A_21, %max3A_23 : vector<64x8192xf32>
    %get3A_25 = arith.constant 0 : index
    %get3A_26 = arith.constant 0 : index
    %get3A_27 = vector.load %arg6[%get3A_25, %get3A_26] : memref<128x64xf32, #tpu.memory_space<vmem>>, vector<128x64xf32>
    %get3A_28 = arith.constant 0 : index
    %get3A_29 = arith.constant 0 : index
    %get3A_30 = vector.load %arg7[%get3A_28, %get3A_29] : memref<128x1xf32, #tpu.memory_space<vmem>>, vector<128x1xf32>
    %dot_general3A_31 = arith.constant dense<0.000000e+00> : vector<128x8192xf32>
    %dot_general3A_32 = tpu.matmul %get3A_27, %max3A_24, %dot_general3A_31 {dimension_numbers = #tpu.dot_dimension_numbers<[1], [0], [0], [1], [0, 0, 1, 1], [], []>, transpose_lhs_hint = false} : vector<128x64xf32>, vector<64x8192xf32>, vector<128x8192xf32> -> vector<128x8192xf32>
    %add3A_33 = vector.broadcast %get3A_30 : vector<128x1xf32> to vector<128x8192xf32>
    %add3A_34 = arith.addf %dot_general3A_32, %add3A_33 : vector<128x8192xf32>
    %max3A_35 = arith.constant 0.000000e+00 : f32
    %max3A_36 = vector.broadcast %max3A_35 : f32 to vector<128x8192xf32>
    %max3A_37 = arith.maximumf %add3A_34, %max3A_36 : vector<128x8192xf32>
    %transpose3A = tpu.transpose %max3A_37, [1, 0] : vector<128x8192xf32> -> vector<8192x128xf32>
    %reshape3A = vector.shape_cast %transpose3A : vector<8192x128xf32> to vector<128x64x128xf32>
    %reduce_max3A = arith.constant dense<0xFF800000> : vector<128x128xf32>
    %reduce_max3A_38 = vector.multi_reduction <maximumf>, %reshape3A, %reduce_max3A [1] : vector<128x64x128xf32> to vector<128x128xf32>
    %swap3A = arith.constant 0 : index
    %swap3A_39 = arith.constant 0 : index
    %swap3A_40 = vector.load %arg8[%swap3A, %swap3A_39] : memref<128x128xf32, #tpu.memory_space<vmem>>, vector<128x128xf32>
    tpu.vector_store %arg8[%swap3A, %swap3A_39], %reduce_max3A_38 {strides = array<i32>} : memref<128x128xf32, #tpu.memory_space<vmem>>, vector<128x128xf32>,
    return
  }
  func.func @transform_0(%arg0: i32) -> (i32, i32) {
    %c0_i32 = arith.constant 0 : i32
    %c0_i32_0 = arith.constant 0 : i32
    return %c0_i32, %arg0 : i32, i32
  }
  func.func @transform_1(%arg0: i32) -> (i32, i32) {
    %c0_i32 = arith.constant 0 : i32
    %c0_i32_0 = arith.constant 0 : i32
    %c0_i32_1 = arith.constant 0 : i32
    return %c0_i32, %c0_i32_0 : i32, i32
  }
  func.func @transform_2(%arg0: i32) -> (i32, i32) {
    %c0_i32 = arith.constant 0 : i32
    %c0_i32_0 = arith.constant 0 : i32
    %c0_i32_1 = arith.constant 0 : i32
    return %c0_i32, %c0_i32_0 : i32, i32
  }
  func.func @transform_3(%arg0: i32) -> (i32, i32) {
    %c0_i32 = arith.constant 0 : i32
    %c0_i32_0 = arith.constant 0 : i32
    %c0_i32_1 = arith.constant 0 : i32
    return %c0_i32, %c0_i32_0 : i32, i32
  }
  func.func @transform_4(%arg0: i32) -> (i32, i32) {
    %c0_i32 = arith.constant 0 : i32
    %c0_i32_0 = arith.constant 0 : i32
    %c0_i32_1 = arith.constant 0 : i32
    return %c0_i32, %c0_i32_0 : i32, i32
  }
  func.func @transform_5(%arg0: i32) -> (i32, i32) {
    %c0_i32 = arith.constant 0 : i32
    %c0_i32_0 = arith.constant 0 : i32
    %c0_i32_1 = arith.constant 0 : i32
    return %c0_i32, %c0_i32_0 : i32, i32
  }
  func.func @transform_6(%arg0: i32) -> (i32, i32) {
    %c0_i32 = arith.constant 0 : i32
    %c0_i32_0 = arith.constant 0 : i32
    %c0_i32_1 = arith.constant 0 : i32
    return %c0_i32, %c0_i32_0 : i32, i32
  }
  func.func @transform_7(%arg0: i32) -> (i32, i32) {
    %c0_i32 = arith.constant 0 : i32
    %c0_i32_0 = arith.constant 0 : i32
    return %arg0, %c0_i32 : i32, i32
  }
}

module attributes {stable_mosaic.version = 14 : i64} {
  func.func @kern(%arg0: i32, %arg1: memref<8192x128xf32, #tpu.memory_space<vmem>>, %arg2: memref<3x8192xf32, #tpu.memory_space<vmem>>, %arg3: memref<128x3xf32, #tpu.memory_space<vmem>>, %arg4: memref<128x128xf32, #tpu.memory_space<vmem>>, %arg5: memref<1x128xf32, #tpu.memory_space<vmem>>, %arg6: memref<128x128xf32, #tpu.memory_space<vmem>>, %arg7: memref<1x128xf32, #tpu.memory_space<vmem>>, %arg8: memref<128x256xf32, #tpu.memory_space<vmem>>, %arg9: memref<1x256xf32, #tpu.memory_space<vmem>>, %arg10: memref<128x256xf32, #tpu.memory_space<vmem>>) attributes {dimension_semantics = [#tpu.dimension_semantics<arbitrary>], iteration_bounds = array<i64: 16>, scalar_prefetch = 0 : i64, scratch_operands = 0 : i64, tpu.core_type = #tpu.core_type<tc>, window_params = [{transform_indices = @transform_0, window_bounds = array<i64: 8192, 128>}, {transform_indices = @transform_1, window_bounds = array<i64: 3, 8192>}, {pipeline_mode = #tpu.pipeline_mode<synchronous>, transform_indices = @transform_2, window_bounds = array<i64: 128, 3>}, {pipeline_mode = #tpu.pipeline_mode<synchronous>, transform_indices = @transform_3, window_bounds = array<i64: 128, 128>}, {pipeline_mode = #tpu.pipeline_mode<synchronous>, transform_indices = @transform_4, window_bounds = array<i64: 1, 128>}, {pipeline_mode = #tpu.pipeline_mode<synchronous>, transform_indices = @transform_5, window_bounds = array<i64: 128, 128>}, {pipeline_mode = #tpu.pipeline_mode<synchronous>, transform_indices = @transform_6, window_bounds = array<i64: 1, 128>}, {pipeline_mode = #tpu.pipeline_mode<synchronous>, transform_indices = @transform_7, window_bounds = array<i64: 128, 256>}, {pipeline_mode = #tpu.pipeline_mode<synchronous>, transform_indices = @transform_8, window_bounds = array<i64: 1, 256>}, {transform_indices = @transform_9, window_bounds = array<i64: 128, 256>}]} {
    %get3A = arith.constant 0 : index
    %get3A_0 = arith.constant 0 : index
    %get3A_1 = vector.load %arg3[%get3A, %get3A_0] : memref<128x3xf32, #tpu.memory_space<vmem>>, vector<128x3xf32>
    %get3A_2 = arith.constant 0 : index
    %get3A_3 = arith.constant 0 : index
    %get3A_4 = vector.load %arg2[%get3A_2, %get3A_3] : memref<3x8192xf32, #tpu.memory_space<vmem>>, vector<3x8192xf32>
    %dot_general3A = arith.constant dense<0.000000e+00> : vector<128x8192xf32>
    %dot_general3A_5 = tpu.matmul %get3A_1, %get3A_4, %dot_general3A {dimension_numbers = #tpu.dot_dimension_numbers<[1], [0], [0], [1], [0, 0, 1, 1], [], []>, transpose_lhs_hint = false} : vector<128x3xf32>, vector<3x8192xf32>, vector<128x8192xf32> -> vector<128x8192xf32>
    %transpose3A = tpu.transpose %dot_general3A_5, [1, 0] : vector<128x8192xf32> -> vector<8192x128xf32>
    %get3A_6 = arith.constant 0 : index
    %get3A_7 = arith.constant 0 : index
    %get3A_8 = vector.load %arg1[%get3A_6, %get3A_7] : memref<8192x128xf32, #tpu.memory_space<vmem>>, vector<8192x128xf32>
    %get3A_9 = arith.constant 0 : index
    %get3A_10 = arith.constant 0 : index
    %get3A_11 = vector.load %arg4[%get3A_9, %get3A_10] : memref<128x128xf32, #tpu.memory_space<vmem>>, vector<128x128xf32>
    %dot_general3A_12 = arith.constant dense<0.000000e+00> : vector<8192x128xf32>
    %dot_general3A_13 = tpu.matmul %get3A_8, %get3A_11, %dot_general3A_12 {dimension_numbers = #tpu.dot_dimension_numbers<[1], [0], [0], [1], [0, 0, 1, 1], [], []>, transpose_lhs_hint = false} : vector<8192x128xf32>, vector<128x128xf32>, vector<8192x128xf32> -> vector<8192x128xf32>
    %add3A = arith.addf %transpose3A, %dot_general3A_13 : vector<8192x128xf32>
    %get3A_14 = arith.constant 0 : index
    %get3A_15 = arith.constant 0 : index
    %get3A_16 = vector.load %arg5[%get3A_14, %get3A_15] : memref<1x128xf32, #tpu.memory_space<vmem>>, vector<1x128xf32>
    %add3A_17 = vector.broadcast %get3A_16 : vector<1x128xf32> to vector<8192x128xf32>
    %add3A_18 = arith.addf %add3A, %add3A_17 : vector<8192x128xf32>
    %max3A = arith.constant 0.000000e+00 : f32
    %max3A_19 = vector.broadcast %max3A : f32 to vector<8192x128xf32>
    %max3A_20 = arith.maximumf %add3A_18, %max3A_19 : vector<8192x128xf32>
    %get3A_21 = arith.constant 0 : index
    %get3A_22 = arith.constant 0 : index
    %get3A_23 = vector.load %arg6[%get3A_21, %get3A_22] : memref<128x128xf32, #tpu.memory_space<vmem>>, vector<128x128xf32>
    %get3A_24 = arith.constant 0 : index
    %get3A_25 = arith.constant 0 : index
    %get3A_26 = vector.load %arg7[%get3A_24, %get3A_25] : memref<1x128xf32, #tpu.memory_space<vmem>>, vector<1x128xf32>
    %dot_general3A_27 = arith.constant dense<0.000000e+00> : vector<8192x128xf32>
    %dot_general3A_28 = tpu.matmul %max3A_20, %get3A_23, %dot_general3A_27 {dimension_numbers = #tpu.dot_dimension_numbers<[1], [0], [0], [1], [0, 0, 1, 1], [], []>, transpose_lhs_hint = false} : vector<8192x128xf32>, vector<128x128xf32>, vector<8192x128xf32> -> vector<8192x128xf32>
    %add3A_29 = vector.broadcast %get3A_26 : vector<1x128xf32> to vector<8192x128xf32>
    %add3A_30 = arith.addf %dot_general3A_28, %add3A_29 : vector<8192x128xf32>
    %max3A_31 = arith.constant 0.000000e+00 : f32
    %max3A_32 = vector.broadcast %max3A_31 : f32 to vector<8192x128xf32>
    %max3A_33 = arith.maximumf %add3A_30, %max3A_32 : vector<8192x128xf32>
    %get3A_34 = arith.constant 0 : index
    %get3A_35 = arith.constant 0 : index
    %get3A_36 = vector.load %arg8[%get3A_34, %get3A_35] : memref<128x256xf32, #tpu.memory_space<vmem>>, vector<128x256xf32>
    %get3A_37 = arith.constant 0 : index
    %get3A_38 = arith.constant 0 : index
    %get3A_39 = vector.load %arg9[%get3A_37, %get3A_38] : memref<1x256xf32, #tpu.memory_space<vmem>>, vector<1x256xf32>
    %dot_general3A_40 = arith.constant dense<0.000000e+00> : vector<8192x256xf32>
    %dot_general3A_41 = tpu.matmul %max3A_33, %get3A_36, %dot_general3A_40 {dimension_numbers = #tpu.dot_dimension_numbers<[1], [0], [0], [1], [0, 0, 1, 1], [], []>, transpose_lhs_hint = false} : vector<8192x128xf32>, vector<128x256xf32>, vector<8192x256xf32> -> vector<8192x256xf32>
    %add3A_42 = vector.broadcast %get3A_39 : vector<1x256xf32> to vector<8192x256xf32>
    %add3A_43 = arith.addf %dot_general3A_41, %add3A_42 : vector<8192x256xf32>
    %max3A_44 = arith.constant 0.000000e+00 : f32
    %max3A_45 = vector.broadcast %max3A_44 : f32 to vector<8192x256xf32>
    %max3A_46 = arith.maximumf %add3A_43, %max3A_45 : vector<8192x256xf32>
    %reshape3A = vector.shape_cast %max3A_46 : vector<8192x256xf32> to vector<128x64x256xf32>
    %reduce_max3A = arith.constant dense<0xFF800000> : vector<128x256xf32>
    %reduce_max3A_47 = vector.multi_reduction <maximumf>, %reshape3A, %reduce_max3A [1] : vector<128x64x256xf32> to vector<128x256xf32>
    %swap3A = arith.constant 0 : index
    %swap3A_48 = arith.constant 0 : index
    %swap3A_49 = vector.load %arg10[%swap3A, %swap3A_48] : memref<128x256xf32, #tpu.memory_space<vmem>>, vector<128x256xf32>
    tpu.vector_store %arg10[%swap3A, %swap3A_48], %reduce_max3A_47 {strides = array<i32>} : memref<128x256xf32, #tpu.memory_space<vmem>>, vector<128x256xf32>,
    return
  }
  func.func @transform_0(%arg0: i32) -> (i32, i32) {
    %c0_i32 = arith.constant 0 : i32
    %c0_i32_0 = arith.constant 0 : i32
    return %arg0, %c0_i32 : i32, i32
  }
  func.func @transform_1(%arg0: i32) -> (i32, i32) {
    %c0_i32 = arith.constant 0 : i32
    %c0_i32_0 = arith.constant 0 : i32
    return %c0_i32, %arg0 : i32, i32
  }
  func.func @transform_2(%arg0: i32) -> (i32, i32) {
    %c0_i32 = arith.constant 0 : i32
    %c0_i32_0 = arith.constant 0 : i32
    %c0_i32_1 = arith.constant 0 : i32
    return %c0_i32, %c0_i32_0 : i32, i32
  }
  func.func @transform_3(%arg0: i32) -> (i32, i32) {
    %c0_i32 = arith.constant 0 : i32
    %c0_i32_0 = arith.constant 0 : i32
    %c0_i32_1 = arith.constant 0 : i32
    return %c0_i32, %c0_i32_0 : i32, i32
  }
  func.func @transform_4(%arg0: i32) -> (i32, i32) {
    %c0_i32 = arith.constant 0 : i32
    %c0_i32_0 = arith.constant 0 : i32
    %c0_i32_1 = arith.constant 0 : i32
    return %c0_i32, %c0_i32_0 : i32, i32
  }
  func.func @transform_5(%arg0: i32) -> (i32, i32) {
    %c0_i32 = arith.constant 0 : i32
    %c0_i32_0 = arith.constant 0 : i32
    %c0_i32_1 = arith.constant 0 : i32
    return %c0_i32, %c0_i32_0 : i32, i32
  }
  func.func @transform_6(%arg0: i32) -> (i32, i32) {
    %c0_i32 = arith.constant 0 : i32
    %c0_i32_0 = arith.constant 0 : i32
    %c0_i32_1 = arith.constant 0 : i32
    return %c0_i32, %c0_i32_0 : i32, i32
  }
  func.func @transform_7(%arg0: i32) -> (i32, i32) {
    %c0_i32 = arith.constant 0 : i32
    %c0_i32_0 = arith.constant 0 : i32
    %c0_i32_1 = arith.constant 0 : i32
    return %c0_i32, %c0_i32_0 : i32, i32
  }
  func.func @transform_8(%arg0: i32) -> (i32, i32) {
    %c0_i32 = arith.constant 0 : i32
    %c0_i32_0 = arith.constant 0 : i32
    %c0_i32_1 = arith.constant 0 : i32
    return %c0_i32, %c0_i32_0 : i32, i32
  }
  func.func @transform_9(%arg0: i32) -> (i32, i32) {
    %c0_i32 = arith.constant 0 : i32
    %c0_i32_0 = arith.constant 0 : i32
    return %arg0, %c0_i32 : i32, i32
  }
}

module attributes {stable_mosaic.version = 14 : i64} {
  func.func @kern(%arg0: memref<2048x259xf32, #tpu.memory_space<vmem>>, %arg1: memref<259x256xf32, #tpu.memory_space<vmem>>, %arg2: memref<1x256xf32, #tpu.memory_space<vmem>>, %arg3: memref<256x512xf32, #tpu.memory_space<vmem>>, %arg4: memref<1x512xf32, #tpu.memory_space<vmem>>, %arg5: memref<512x1024xf32, #tpu.memory_space<vmem>>, %arg6: memref<1x1024xf32, #tpu.memory_space<vmem>>, %arg7: memref<1024x512xf32, #tpu.memory_space<vmem>>, %arg8: memref<1x512xf32, #tpu.memory_space<vmem>>, %arg9: memref<512x256xf32, #tpu.memory_space<vmem>>, %arg10: memref<1x256xf32, #tpu.memory_space<vmem>>, %arg11: memref<256x40xf32, #tpu.memory_space<vmem>>, %arg12: memref<1x40xf32, #tpu.memory_space<vmem>>, %arg13: memref<16x40xf32, #tpu.memory_space<vmem>>) attributes {dimension_semantics = [], scalar_prefetch = 0 : i64, scratch_operands = 0 : i64, tpu.core_type = #tpu.core_type<tc>} {
    %get3A = arith.constant 0 : index
    %get3A_0 = arith.constant 0 : index
    %get3A_1 = vector.load %arg0[%get3A, %get3A_0] : memref<2048x259xf32, #tpu.memory_space<vmem>>, vector<2048x259xf32>
    %get3A_2 = arith.constant 0 : index
    %get3A_3 = arith.constant 0 : index
    %get3A_4 = vector.load %arg1[%get3A_2, %get3A_3] : memref<259x256xf32, #tpu.memory_space<vmem>>, vector<259x256xf32>
    %get3A_5 = arith.constant 0 : index
    %get3A_6 = arith.constant 0 : index
    %get3A_7 = vector.load %arg2[%get3A_5, %get3A_6] : memref<1x256xf32, #tpu.memory_space<vmem>>, vector<1x256xf32>
    %dot_general3A = arith.constant dense<0.000000e+00> : vector<2048x256xf32>
    %dot_general3A_8 = tpu.matmul %get3A_1, %get3A_4, %dot_general3A {dimension_numbers = #tpu.dot_dimension_numbers<[1], [0], [0], [1], [0, 0, 1, 1], [], []>, transpose_lhs_hint = false} : vector<2048x259xf32>, vector<259x256xf32>, vector<2048x256xf32> -> vector<2048x256xf32>
    %add3A = vector.broadcast %get3A_7 : vector<1x256xf32> to vector<2048x256xf32>
    %add3A_9 = arith.addf %dot_general3A_8, %add3A : vector<2048x256xf32>
    %max3A = arith.constant 0.000000e+00 : f32
    %max3A_10 = vector.broadcast %max3A : f32 to vector<2048x256xf32>
    %max3A_11 = arith.maximumf %add3A_9, %max3A_10 : vector<2048x256xf32>
    %get3A_12 = arith.constant 0 : index
    %get3A_13 = arith.constant 0 : index
    %get3A_14 = vector.load %arg3[%get3A_12, %get3A_13] : memref<256x512xf32, #tpu.memory_space<vmem>>, vector<256x512xf32>
    %get3A_15 = arith.constant 0 : index
    %get3A_16 = arith.constant 0 : index
    %get3A_17 = vector.load %arg4[%get3A_15, %get3A_16] : memref<1x512xf32, #tpu.memory_space<vmem>>, vector<1x512xf32>
    %dot_general3A_18 = arith.constant dense<0.000000e+00> : vector<2048x512xf32>
    %dot_general3A_19 = tpu.matmul %max3A_11, %get3A_14, %dot_general3A_18 {dimension_numbers = #tpu.dot_dimension_numbers<[1], [0], [0], [1], [0, 0, 1, 1], [], []>, transpose_lhs_hint = false} : vector<2048x256xf32>, vector<256x512xf32>, vector<2048x512xf32> -> vector<2048x512xf32>
    %add3A_20 = vector.broadcast %get3A_17 : vector<1x512xf32> to vector<2048x512xf32>
    %add3A_21 = arith.addf %dot_general3A_19, %add3A_20 : vector<2048x512xf32>
    %max3A_22 = arith.constant 0.000000e+00 : f32
    %max3A_23 = vector.broadcast %max3A_22 : f32 to vector<2048x512xf32>
    %max3A_24 = arith.maximumf %add3A_21, %max3A_23 : vector<2048x512xf32>
    %get3A_25 = arith.constant 0 : index
    %get3A_26 = arith.constant 0 : index
    %get3A_27 = vector.load %arg5[%get3A_25, %get3A_26] : memref<512x1024xf32, #tpu.memory_space<vmem>>, vector<512x1024xf32>
    %get3A_28 = arith.constant 0 : index
    %get3A_29 = arith.constant 0 : index
    %get3A_30 = vector.load %arg6[%get3A_28, %get3A_29] : memref<1x1024xf32, #tpu.memory_space<vmem>>, vector<1x1024xf32>
    %dot_general3A_31 = arith.constant dense<0.000000e+00> : vector<2048x1024xf32>
    %dot_general3A_32 = tpu.matmul %max3A_24, %get3A_27, %dot_general3A_31 {dimension_numbers = #tpu.dot_dimension_numbers<[1], [0], [0], [1], [0, 0, 1, 1], [], []>, transpose_lhs_hint = false} : vector<2048x512xf32>, vector<512x1024xf32>, vector<2048x1024xf32> -> vector<2048x1024xf32>
    %add3A_33 = vector.broadcast %get3A_30 : vector<1x1024xf32> to vector<2048x1024xf32>
    %add3A_34 = arith.addf %dot_general3A_32, %add3A_33 : vector<2048x1024xf32>
    %max3A_35 = arith.constant 0.000000e+00 : f32
    %max3A_36 = vector.broadcast %max3A_35 : f32 to vector<2048x1024xf32>
    %max3A_37 = arith.maximumf %add3A_34, %max3A_36 : vector<2048x1024xf32>
    %reshape3A = vector.shape_cast %max3A_37 : vector<2048x1024xf32> to vector<16x128x1024xf32>
    %reduce_max3A = arith.constant dense<0xFF800000> : vector<16x1024xf32>
    %reduce_max3A_38 = vector.multi_reduction <maximumf>, %reshape3A, %reduce_max3A [1] : vector<16x128x1024xf32> to vector<16x1024xf32>
    %get3A_39 = arith.constant 0 : index
    %get3A_40 = arith.constant 0 : index
    %get3A_41 = vector.load %arg7[%get3A_39, %get3A_40] : memref<1024x512xf32, #tpu.memory_space<vmem>>, vector<1024x512xf32>
    %get3A_42 = arith.constant 0 : index
    %get3A_43 = arith.constant 0 : index
    %get3A_44 = vector.load %arg8[%get3A_42, %get3A_43] : memref<1x512xf32, #tpu.memory_space<vmem>>, vector<1x512xf32>
    %dot_general3A_45 = arith.constant dense<0.000000e+00> : vector<16x512xf32>
    %dot_general3A_46 = tpu.matmul %reduce_max3A_38, %get3A_41, %dot_general3A_45 {dimension_numbers = #tpu.dot_dimension_numbers<[1], [0], [0], [1], [0, 0, 1, 1], [], []>, transpose_lhs_hint = false} : vector<16x1024xf32>, vector<1024x512xf32>, vector<16x512xf32> -> vector<16x512xf32>
    %add3A_47 = vector.broadcast %get3A_44 : vector<1x512xf32> to vector<16x512xf32>
    %add3A_48 = arith.addf %dot_general3A_46, %add3A_47 : vector<16x512xf32>
    %max3A_49 = arith.constant 0.000000e+00 : f32
    %max3A_50 = vector.broadcast %max3A_49 : f32 to vector<16x512xf32>
    %max3A_51 = arith.maximumf %add3A_48, %max3A_50 : vector<16x512xf32>
    %get3A_52 = arith.constant 0 : index
    %get3A_53 = arith.constant 0 : index
    %get3A_54 = vector.load %arg9[%get3A_52, %get3A_53] : memref<512x256xf32, #tpu.memory_space<vmem>>, vector<512x256xf32>
    %get3A_55 = arith.constant 0 : index
    %get3A_56 = arith.constant 0 : index
    %get3A_57 = vector.load %arg10[%get3A_55, %get3A_56] : memref<1x256xf32, #tpu.memory_space<vmem>>, vector<1x256xf32>
    %dot_general3A_58 = arith.constant dense<0.000000e+00> : vector<16x256xf32>
    %dot_general3A_59 = tpu.matmul %max3A_51, %get3A_54, %dot_general3A_58 {dimension_numbers = #tpu.dot_dimension_numbers<[1], [0], [0], [1], [0, 0, 1, 1], [], []>, transpose_lhs_hint = false} : vector<16x512xf32>, vector<512x256xf32>, vector<16x256xf32> -> vector<16x256xf32>
    %add3A_60 = vector.broadcast %get3A_57 : vector<1x256xf32> to vector<16x256xf32>
    %add3A_61 = arith.addf %dot_general3A_59, %add3A_60 : vector<16x256xf32>
    %max3A_62 = arith.constant 0.000000e+00 : f32
    %max3A_63 = vector.broadcast %max3A_62 : f32 to vector<16x256xf32>
    %max3A_64 = arith.maximumf %add3A_61, %max3A_63 : vector<16x256xf32>
    %get3A_65 = arith.constant 0 : index
    %get3A_66 = arith.constant 0 : index
    %get3A_67 = vector.load %arg11[%get3A_65, %get3A_66] : memref<256x40xf32, #tpu.memory_space<vmem>>, vector<256x40xf32>
    %get3A_68 = arith.constant 0 : index
    %get3A_69 = arith.constant 0 : index
    %get3A_70 = vector.load %arg12[%get3A_68, %get3A_69] : memref<1x40xf32, #tpu.memory_space<vmem>>, vector<1x40xf32>
    %dot_general3A_71 = arith.constant dense<0.000000e+00> : vector<16x40xf32>
    %dot_general3A_72 = tpu.matmul %max3A_64, %get3A_67, %dot_general3A_71 {dimension_numbers = #tpu.dot_dimension_numbers<[1], [0], [0], [1], [0, 0, 1, 1], [], []>, transpose_lhs_hint = false} : vector<16x256xf32>, vector<256x40xf32>, vector<16x40xf32> -> vector<16x40xf32>
    %add3A_73 = vector.broadcast %get3A_70 : vector<1x40xf32> to vector<16x40xf32>
    %add3A_74 = arith.addf %dot_general3A_72, %add3A_73 : vector<16x40xf32>
    %swap3A = arith.constant 0 : index
    %swap3A_75 = arith.constant 0 : index
    %swap3A_76 = vector.load %arg13[%swap3A, %swap3A_75] : memref<16x40xf32, #tpu.memory_space<vmem>>, vector<16x40xf32>
    tpu.vector_store %arg13[%swap3A, %swap3A_75], %add3A_74 {strides = array<i32>} : memref<16x40xf32, #tpu.memory_space<vmem>>, vector<16x40xf32>,
    return
  }
}

</mosaic_0001>

<sc_bundles>
// kernel: kernel.12.cloned.1.call-start
scs
__scs_entry_jumppad:
0x0: {  	(pc) =	sbr.rel $0x88, $3  }
0x1: {  	(tag) =	ssettag $0x0;
	lr =	simm.s32 $0x1  }
0x2: {  	[smem:$0x3F88] =	sst lr;
	_ =	strace $0xD0000000  }
0x3: {  	_ = 	snop  }
0x4: {  	_ = 	snop  }
0x5: {  	_ = 	snop  }
0x6: {  	_ = 	snop  }
0x7: {  	_ = 	snop  }
__scs_overlays_trampoline_lowered:
0x8: {  	[smem:$0x3F97] =	sst s0  }
0x9: {  	[smem:$0x3F98] =	sst s1  }
0xa: {  	[smem:$0x3F99] =	sst s2  }
0xb: {  	[smem:$0x3F9A] =	sst s3  }
0xc: {  	[smem:$0x3F9B] =	sst s4  }
0xd: {  	[smem:$0x3F9C] =	sst s5  }
0xe: {  	[smem:$0x3F9D] =	sst s6  }
0xf: {  	[smem:$0x3F9E] =	sst s7  }
0x10: {  	[smem:$0x3F9F] =	sst s8  }
0x11: {  	[smem:$0x3FA0] =	sst s9;
	s0 =	simm.s32 @!p0 $0x0  }
0x12: {  	s1 =	sld [smem:$0x3F86];
	s0 =	simm.s32 @p0 $0x1  }
0x13: {  	[smem:$0x3FA1] =	sst s0;
	s0 =	simm.s32 @!p1 $0x0  }
0x14: {  	s2 =	sld [smem:$0x3F85];
	s0 =	simm.s32 @p1 $0x1  }
0x15: {  	[smem:$0x3FA2] =	sst s0;
	s0 =	simm.s32 @!p2 $0x0  }
0x16: {  	s3 =	sld [smem:$0x3FDB];
	s0 =	simm.s32 @p2 $0x1  }
0x17: {  	s4 =	simm.s32 $0x1BF5;
	[smem:$0x3FA4] =	sst s0  }
0x18: {  	s0 =	sld [smem:$0x3F87];
	_ =	swait.ge [sflag:s4], $0x0  }
0x19: {  	s7 =	sld [smem:$0x3F88]  }
0x1a: {  	s8 =	sadd.s32 $0xFFFFE003, lr  }
0x1b: {  	s9 =	sadd.s32 $0xFFFFFEF7, lr;
	s5 =	simm.s32 $0xFFFFFFFF;
	p2 =	slt.u32 s8, $0xFFFFF086  }
0x1c: {  	p1 =	slt.u32 s9, $0xF7A;
	s5 =	simm.s32 @!p2 $0x0  }
0x1d: {  	s5 =	simm.s32 @p1 $0x1;
	p0 =	seq.s32 s7, s2  }
0x1e: {  	s7 =	smul.u32 @!p0 $0xF7A, s2;
	p2 =	seq.s32 @!p0 s5, $0x0  }
0x1f: {  	s9 =	smul.u32 $0xF7A, s1;
	s8 =	simm.s32 @!p0 $0x1BF5;
	p2 =	por !p2, p0  }
0x20: {  	[sflag:s8] =	ssyncset.s32 @!p0 $0xFFFFF086;
	s6 =	sadd.s32 @!p0 s3, s7;
	s7 =	simm.s32 @!p0 $0x108  }
0x21: {  	s3 =	sadd.s32 s3, s9;
	s6 =	sadd.s32 @!p0 $0x88, s6;
	s7 =	simm.s32 @p2 $0x1082  }
0x22: {  	[simem:s7], [sflag:s8] =	dma.local @!p0 [hbm:s6], $0xF7A  }
0x23: {  	s9 =	sor.u32 $0xD0000000, s2;
	s6 =	simm.s32 $0x108;
	_ =	swait.ge @!p0 [sflag:s8], $0x0  }
0x24: {  	s3 =	sadd.s32 $0x88, s3;
	s6 =	simm.s32 @!p1 $0x1082;
	[sflag:s4] =	ssyncset.s32 $0xFFFFF086  }
0x25: {  	[simem:s6], [sflag:s4] =	dma.local [hbm:s3], $0xF7A  }
0x26: {  	[smem:$0x3F88] =	sst s1;
	(tag) =	ssettag s2;
	_ =	strace s9  }
0x27: {  	s1 =	sld [smem:$0x3F98]  }
0x28: {  	s2 =	sld [smem:$0x3F99]  }
0x29: {  	s4 =	sld [smem:$0x3F9B]  }
0x2a: {  	p0 =	seq.s32 s5, $0x0;
	s5 =	sld [smem:$0x3F9C]  }
0x2b: {  	s6 =	sld [smem:$0x3F9D]  }
0x2c: {  	s7 =	sld [smem:$0x3F9E]  }
0x2d: {  	s3 =	simm.s32 $0x108;
	s8 =	sld [smem:$0x3F9F]  }
0x2e: {  	s3 =	simm.s32 @!p0 $0x1082;
	s9 =	sld [smem:$0x3FA0]  }
0x2f: {  	lr =	sadd.s32 s0, s3;
	s0 =	sld [smem:$0x3F97]  }
0x30: {  	s3 =	sld [smem:$0x3F9A]  }
0x31: {  	[smem:$0x3FA3] =	sst s10  }
0x32: {  	s10 =	sld [smem:$0x3FA1];
	_ =	sdelay $0x3  }
0x33: {  	p0 =	seq.s32 s10, $0x1;
	s10 =	sld [smem:$0x3FA3];
	_ =	sdelay $0x3  }
0x34: {  	[smem:$0x3FA3] =	sst s10  }
0x35: {  	s10 =	sld [smem:$0x3FA2];
	_ =	sdelay $0x3  }
0x36: {  	p1 =	seq.s32 s10, $0x1;
	s10 =	sld [smem:$0x3FA3];
	_ =	sdelay $0x3  }
0x37: {  	[smem:$0x3FA3] =	sst s10  }
0x38: {  	s10 =	sld [smem:$0x3FA4]  }
0x39: {  	_ = 	snop;
	(pc) =	sbr.ind lr, $3  }
0x3a: {  	_ = 	snop  }
0x3b: {  	_ = 	snop  }
0x3c: {  	p2 =	seq.s32 s10, $0x1;
	s10 =	sld [smem:$0x3FA3]  }
0x3d: {  	_ =	shalt  }
0x3e: {  	_ =	shalt  }
0x3f: {  	_ =	shalt  }
0x40: {  	_ =	shalt  }
0x41: {  	_ =	shalt  }
0x42: {  	_ =	shalt  }
0x43: {  	_ =	shalt  }
0x44: {  	_ =	shalt  }
0x45: {  	_ =	shalt  }
0x46: {  	_ =	shalt  }
0x47: {  	_ =	shalt  }
0x48: {  	_ =	shalt  }
0x49: {  	_ =	shalt  }
0x4a: {  	_ =	shalt  }
0x4b: {  	_ =	shalt  }
0x4c: {  	_ =	shalt  }
0x4d: {  	_ =	shalt  }
0x4e: {  	_ =	shalt  }
0x4f: {  	_ =	shalt  }
0x50: {  	_ =	shalt  }
0x51: {  	_ =	shalt  }
0x52: {  	_ =	shalt  }
0x53: {  	_ =	shalt  }
0x54: {  	_ =	shalt  }
0x55: {  	_ =	shalt  }
0x56: {  	_ =	shalt  }
0x57: {  	_ =	shalt  }
0x58: {  	_ =	shalt  }
0x59: {  	_ =	shalt  }
0x5a: {  	_ =	shalt  }
0x5b: {  	_ =	shalt  }
0x5c: {  	_ =	shalt  }
0x5d: {  	_ =	shalt  }
0x5e: {  	_ =	shalt  }
0x5f: {  	_ =	shalt  }
0x60: {  	_ =	shalt  }
0x61: {  	_ =	shalt  }
0x62: {  	_ =	shalt  }
0x63: {  	_ =	shalt  }
0x64: {  	_ =	shalt  }
0x65: {  	_ =	shalt  }
0x66: {  	_ =	shalt  }
0x67: {  	_ =	shalt  }
0x68: {  	_ =	shalt  }
0x69: {  	_ =	shalt  }
0x6a: {  	_ =	shalt  }
0x6b: {  	_ =	shalt  }
0x6c: {  	_ =	shalt  }
0x6d: {  	_ =	shalt  }
0x6e: {  	_ =	shalt  }
0x6f: {  	_ =	shalt  }
0x70: {  	_ =	shalt  }
0x71: {  	_ =	shalt  }
0x72: {  	_ =	shalt  }
0x73: {  	_ =	shalt  }
0x74: {  	_ =	shalt  }
0x75: {  	_ =	shalt  }
0x76: {  	_ =	shalt  }
0x77: {  	_ =	shalt  }
0x78: {  	_ =	shalt  }
0x79: {  	_ =	shalt  }
0x7a: {  	_ =	shalt  }
0x7b: {  	_ =	shalt  }
0x7c: {  	_ =	shalt  }
0x7d: {  	_ =	shalt  }
0x7e: {  	_ =	shalt  }
0x7f: {  	_ =	shalt  }
0x80: {  	_ =	shalt  }
0x81: {  	_ =	shalt  }
0x82: {  	_ =	shalt  }
0x83: {  	_ =	shalt  }
0x84: {  	_ =	shalt  }
0x85: {  	_ =	shalt  }
0x86: {  	_ =	shalt  }
0x87: {  	_ =	shalt  }
.Lfunc_end0:
.L_simem_size_0:
called_computation.1_lowered:
.L_overlay_start_0:
0x88: {  	s2 =	sld [smem:$0x3FD9]  }
0x89: {  	s3 =	sld [smem:$0x3FFE];
	_ =	sdelay $0x1  }
0x8a: {  	s1 =	srdreg.scid  }
0x8b: {  	s0 =	sand.u32 $0x1, s1  }
0x8c: {  	s16 =	sshll.u32 s0, $0xA;
	s2 =	sadd.s32 s3, s2  }
0x8d: {  	s2 =	sadd.s32 s2, s16  }
0x8e: {  	[smem:$0x3FAF] =	sst s2  }
0x8f: {  	_ = 	snop  }
0x90: {  	(tm) =	ssettm $0x1  }
0x91: {  	s17 =	sld [smem:$0x3FFB];
	_ =	sdelay $0x3  }
0x92: {  	_ =	strace s17  }
0x93: {  	s2 =	sld [smem:$0x3FFC];
	_ =	sdelay $0x3  }
0x94: {  	_ =	strace s2  }
0x95: {  	s2 =	sld [smem:$0x3FFD];
	_ =	sdelay $0x3  }
0x96: {  	_ =	strace s2  }
0x97: {  	_ =	strace $0x8FFFFFFF  }
0x98: {  	s18 =	sld [smem:$0x3FDB];
	_ =	sdelay $0x1  }
0x99: {  	s19 =	simm.s32 $_scs_section_size  }
0x9a: {  	s4 =	simm.s32 $_size__tile_overlayer_lowered;
	s5 =	simm.s32 $_tile_overlayer_lowered  }
0x9b: {  	s22 =	simm.s32 $0x1BFF;
	s21 =	sshll.u32 s5, $0x1;
	s2 =	sadd.s32 s19, s18  }
0x9c: {  	s6 =	simm.s32 $0x0;
	s20 =	sshll.u32 s4, $0x1;
	s4 =	sadd.s32 s21, s2  }
0x9d: {  	[timem:s6], [sflag:s22] =	dma.local [hbm:s4], s20  }
0x9e: {  	_ =	swait.ge [sflag:s22], s20  }
0x9f: {  	s3 =	ssub.s32 $0x0, s20;
	[sflag:s22] =	ssyncset.done $0x0  }
0xa0: {  	[sflag:s22] =	ssyncadd.s32 s3;
	_ =	sdelay $0x1  }
0xa1: {  	s23 =	simm.s32 $0x1B8B  }
0xa2: {  	_ =	swait.ge [sflag:s23], $0x1  }
0xa3: {  	[sflag:s23] =	ssyncset.done $0x0  }
0xa4: {  	s25 =	simm.s32 $0x1B8E;
	s24 =	sld [smem:$0x3FFE];
	[sflag:s23] =	ssyncadd.s32 $0xFFFFFFFF  }
0xa5: {  	s26 =	simm.s32 $execute0_lowered;
	[smem:$0x3FD2] =	sst s25  }
0xa6: {  	s4 =	sshll.u32 s26, $0x1;
	_ =	strace $0x80000049;
	[dreg:$0x1] =	wrdreg $0xFFFFFFFF  }
0xa7: {  	s28 =	simm.s32 $_size_execute0_lowered;
	s2 =	sadd.s32 s2, s4;
	[dreg:$0x0] =	wrdreg $0x0  }
0xa8: {  	s4 =	sshll.u32 s28, $0x1;
	[dreg:$0x2] =	wrdreg s2  }
0xa9: {  	[dreg:$0x3] =	wrdreg s4  }
0xaa: {  	[dreg:$0x4] =	wrdreg $0xC0  }
0xab: {  	_ =	task [dreg:s6], $0x5FFFF  }
0xac: {  	[dreg:$0x1] =	wrdreg $0xFFFFFFFF  }
0xad: {  	[dreg:$0x0] =	wrdreg $0x60  }
0xae: {  	[dreg:$0x2] =	wrdreg s24  }
0xaf: {  	[dreg:$0x3] =	wrdreg $0x9  }
0xb0: {  	_ =	task.clear_ibuf [dreg:s6], $0x4FFFF;
	_ =	strace $0x90000049  }
0xb1: {  	s29 =	simm.s32 $0x9;
	_ =	strace $0x8000004B  }
0xb2: {  	_ =	swait.ge [sflag:s29], $0x1  }
0xb3: {  	[sflag:s29] =	ssyncadd.s32 $0xFFFFFFFF  }
0xb4: {  	_ =	strace $0x9000004B  }
0xb5: {  	_ =	sfence  }
0xb6: {  	s30 =	sld [smem:$0x0];
	_ =	sdelay $0x2  }
0xb7: {  	s31 =	sshll.u32 s1, $0xD;
	s1 =	sshrl.u32 s1, $0x2  }
0xb8: {  	s3 =	sand.u32 $0x4000, s31;
	s1 =	sadd.s32 s1, s30  }
0xb9: {  	s0 =	sor.u32 s3, s0;
	s1 =	sshll.u32 s1, $0x11  }
0xba: {  	s0 =	sor.u32 s1, s0  }
0xbb: {  	s0 =	sadd.s32 $0x8F2B, s0  }
0xbc: {  	[sflag:s0] =	ssyncadd.remote.s32 $0x1  }
0xbd: {  	_ =	sfence.sel $0xFFFF  }
0xbe: {  	[dreg:$0x0] =	wrdreg $0xFFFFFFFF;
	(pc) =	sbr.abs _section_cstart, $3  }
0xbf: {  	[dreg:$0x1] =	wrdreg $0xFFFFFFFF  }
0xc0: {  	_ =	task.clear_ibuf [dreg:s6], $0x2FFFF;
	_ =	strace $0x9FFFFFFF  }
0xc1: {  	(tm) =	ssettm $0x7FFFFFFF  }
tec
execute0_lowered:
.L_overlay_start_1:
0x0: {  	(tag) =	ssettag $0x1  }
0x1: {  	s0 =	rddreg [dreg:$0x0];
	s1 =	simm.s32 $0x0  }
0x2: {  	s3 =	srdreg.scid;
	s14 =	stileid.u32;
	s28 =	simm.s32 $0xA00  }
0x3: {  	s29 =	simm.s32 $0xB00;
	s30 =	simm.s32 $0xA80;
	s31 =	simm.s32 $0x2B00  }
0x4: {  	[smem:$0x7FF] =	sst s1;
	s2 =	sadd.s32 $0x5A00, s0;
	s6 =	sadd.s32 $0x36600, s0  }
0x5: {  	s7 =	sand.u32 $0x1, s3;
	s3 =	sadd.s32 $0x6600, s0;
	s11 =	smul.u32 $0x3, s14  }
0x6: {  	s5 =	sshll.u32 s14, $0x7;
	s4 =	sadd.s32 $0x36A00, s0;
	s13 =	smul.u32 $0xC0, s14  }
0x7: {  	s12 =	smul.u32 $0x180, s14;
	s24 =	sshll.u32 s14, $0x9;
	_ =	strace $0x8000004A  }
0x8: {  	s8 =	sshll.u32 s7, $0x6;
	s7 =	ssub.s32 $0x2, s7;
	v0 =	vmov s24;
	s24 =	simm.s32 $0x780  }
0x9: {  	s5 =	sor.u32 s8, s5;
	s10 =	sshrl.u32 s7, $0x1;
	s15 =	sadd.s32 $0x1, s11  }
0xa: {  	s11 =	sadd.s32 $0x2, s11;
	s17 =	sor.u32 s8, s12;
	s9 =	sshll.u32 s5, $0x3  }
0xb: {  	s7 =	ssub.s32 s7, s10;
	s16 =	sshll.u32 s15, $0x6;
	s18 =	sshll.u32 s15, $0x7  }
0xc: {  	s19 =	sshll.u32 s11, $0x7;
	s21 =	sshll.u32 s5, $0xA;
	s12 =	sadd.s32 $0x7FFFF, s5  }
0xd: {  	s0 =	sadd.s32 s9, s0;
	s9 =	sadd.s32 s2, s13;
	s13 =	sshll.u32 s11, $0x6  }
0xe: {  	s20 =	sor.u32 s8, s18;
	s8 =	sor.u32 s8, s19;
	s23 =	sadd.s32 s21, s4  }
0xf: {  	s18 =	simm.s32 $0x5;
	[dreg:$0x2] =	wrdreg s9;
	s9 =	sadd.s32 s2, s16  }
0x10: {  	s19 =	simm.s32 $0x200;
	s2 =	sadd.s32 s2, s13;
	[dreg:$0x3] =	wrdreg s9  }
0x11: {  	s21 =	simm.s32 $0x3;
	s25 =	sadd.s32 $0x26600, s0;
	[dreg:$0x4] =	wrdreg s2  }
0x12: {  	s8 =	sshrl.u32 s8, $0x3;
	s26 =	sadd.s32 $0x2A600, s0;
	[dreg:$0x9] =	wrdreg s25  }
0x13: {  	s0 =	sadd.s32 $0x2E600, s0;
	s2 =	sshrl.u32 s17, $0x3;
	[dreg:$0xa] =	wrdreg s26  }
0x14: {  	s22 =	sadd.s32 s6, s8;
	[dreg:$0xb] =	wrdreg s0;
	s17 =	smax.u32 s7, $0x1  }
0x15: {  	v1 =	vimm.s32 $0x0;
	v2 =	vlaneseq.u32;
	s25 =	simm.s32 $0x4B00;
	s26 =	simm.s32 $0x40;
	s2 =	sadd.s32 s6, s2  }
0x16: {  	v3 =	vor.u32 $0x200, v2;
	v4 =	vor.u32 $0x1000, v2;
	v5 =	vor.u32 $0x2000, v2;
	s0 =	simm.s32 $0x1;
	[dreg:$0x5] =	wrdreg s2;
	s2 =	sshrl.u32 s20, $0x3  }
0x17: {  	v6 =	vor.u32 $0x10, v2;
	v7 =	vor.u32 $0x1010, v2;
	v8 =	vor.u32 $0x2010, v2;
	[dreg:$0x7] =	wrdreg s22;
	s22 =	simm.s32 $0x4;
	s2 =	sadd.s32 s6, s2  }
0x18: {  	v9 =	vor.u32 $0x20, v2;
	v10 =	vor.u32 $0x1020, v2;
	v11 =	vor.u32 $0x2020, v2;
	s20 =	simm.s32 $0x400;
	[dreg:$0x6] =	wrdreg s2;
	s2 =	sadd.s32 $0xFC00, s23  }
0x19: {  	v12 =	vor.u32 $0x30, v2;
	v13 =	vor.u32 $0x1030, v2;
	v14 =	vor.u32 $0x2030, v2;
	s23 =	simm.s32 $0x0;
	[dreg:$0x8] =	wrdreg s2;
	s2 =	simm.s32 $0x2  }
.LBB2_1:
0x1a: {  	s6 =	rddreg [dreg:$0x2]  }
0x1b: {  	[tilespmem:s1], [sflag:$0x5] =	stream.linear.gather [hbm4b:s6+s1], $0x200, $0x38;
	[tilespmem:$0x7B00] =	vst v63  }
0x1c: {  	_ =	swait.ge [sflag:s18], $0x200  }
0x1d: {  	[sflag:s18] =	ssyncset.done $0x0  }
0x1e: {  	s9 =	rddreg [dreg:$0x3];
	[sflag:s18] =	ssyncadd.s32 $0xFFFFFE00  }
0x1f: {  	[tilespmem:s19], [sflag:$0x5] =	stream.linear.gather [hbm4b:s9+s1], $0x200, $0x38;
	[tilespmem:$0x7B00] =	vst v63  }
0x20: {  	_ =	swait.ge [sflag:s18], $0x200  }
0x21: {  	[sflag:s18] =	ssyncset.done $0x0  }
0x22: {  	s10 =	rddreg [dreg:$0x4];
	[sflag:s18] =	ssyncadd.s32 $0xFFFFFE00  }
0x23: {  	[tilespmem:s20], [sflag:$0x5] =	stream.linear.gather [hbm4b:s10+s1], $0x200, $0x38;
	[tilespmem:$0x7B00] =	vst v63  }
0x24: {  	_ =	swait.ge [sflag:s18], $0x200  }
0x25: {  	[sflag:s18] =	ssyncset.done $0x0  }
0x26: {  	s7 =	simm.s32 $0x600;
	s11 =	rddreg [dreg:$0x5];
	[sflag:s18] =	ssyncadd.s32 $0xFFFFFE00  }
0x27: {  	[tilespmem:s7], [sflag:$0x5] =	stream.linear.gather [hbm4b:s11+s1], $0x40, $0x38;
	[tilespmem:$0x7B00] =	vst v63  }
0x28: {  	_ =	swait.ge [sflag:s18], $0x40  }
0x29: {  	[sflag:s18] =	ssyncset.done $0x0  }
0x2a: {  	s14 =	simm.s32 $0x680;
	s13 =	rddreg [dreg:$0x6];
	[sflag:s18] =	ssyncadd.s32 $0xFFFFFFC0  }
0x2b: {  	[tilespmem:s14], [sflag:$0x5] =	stream.linear.gather [hbm4b:s13+s1], $0x40, $0x38;
	[tilespmem:$0x7B00] =	vst v63  }
0x2c: {  	_ =	swait.ge [sflag:s18], $0x40  }
0x2d: {  	[sflag:s18] =	ssyncset.done $0x0  }
0x2e: {  	s16 =	simm.s32 $0x700;
	s15 =	rddreg [dreg:$0x7];
	[sflag:s18] =	ssyncadd.s32 $0xFFFFFFC0  }
0x2f: {  	[tilespmem:s16], [sflag:$0x5] =	stream.linear.gather [hbm4b:s15+s1], $0x40, $0x38;
	[tilespmem:$0x7B00] =	vst v63  }
0x30: {  	_ =	swait.ge [sflag:s18], $0x40  }
0x31: {  	[sflag:s18] =	ssyncset.done $0x0  }
0x32: {  	s6 =	simm.s32 $0x0;
	[sflag:s18] =	ssyncadd.s32 $0xFFFFFFC0  }
.LBB2_2:
0x33: {  	s7 =	sshll.u32 s6, $0x1  }
0x34: {  	v17 =	vld.msk [tilespmem:s7+$0x600 ss:$0x0], $0xffff  }
0x35: {  	s8 =	simm.s32 $0x0;
	v15 =	vld.msk [tilespmem:s7+$0x680 ss:$0x0], $0xffff  }
0x36: {  	s9 =	simm.s32 $0x200;
	v18 =	vld [tilespmem:s8+$0x0]  }
0x37: {  	v19 =	vld [tilespmem:s9+$0x0]  }
0x38: {  	s10 =	simm.s32 $0x400;
	v16 =	vld.msk [tilespmem:s7+$0x700 ss:$0x0], $0xffff  }
0x39: {  	v20 =	vld [tilespmem:s10+$0x0];
	_ =	sdelay $0x2  }
0x3a: {  	v18 =	vsub.f32 v18, v17;
	v19 =	vsub.f32 v19, v15;
	_ =	sdelay $0x1  }
0x3b: {  	v20 =	vsub.f32 v20, v16;
	v18 =	vmul.f32 v18, v18;
	v19 =	vmul.f32 v19, v19;
	_ =	sdelay $0x1  }
0x3c: {  	v18 =	vadd.f32 v19, v18;
	v19 =	vmul.f32 v20, v20;
	_ =	sdelay $0x1  }
0x3d: {  	v18 =	vadd.f32 v19, v18;
	_ =	sdelay $0x1  }
0x3e: {  	vm0 =	vle.f32 v18, $1.599999960e-01  }
0x3f: {  	v18 =	vsel vm0, $0x1, v1  }
0x40: {  	(xrf0) =	vadd.scan.msk.s32 $0xffff, v18;
	_ =	sdelay $0x2  }
0x41: {  	v18 =	vmov s8  }
0x42: {  	v18 =	vadd.s32 $0xFFFFFFFF, v18  }
0x43: {  	v18 =	vbroadcast v18, $0x0  }
0x44: {  	v19, _, _ =	vpop (xrf0)  }
0x45: {  	v18 =	vadd.s32 v18, v19;
	(v2sf) =	vpush v19, $0xF  }
0x46: {  	v18 =	vsel vm0, v18, v3;
	_ =	sdelay $0x3  }
0x47: {  	v20 =	vor.u32 s8, v2  }
0x48: {  	s9 =	simm.s32 $0x10;
	[tilespmem:v18+s24+$0x0] =	vst.idx.msk $0xffff, v20  }
0x49: {  	s11 =	simm.s32 $0x210;
	v18 =	vld [tilespmem:s9+$0x0]  }
0x4a: {  	s13 =	simm.s32 $0x20;
	s14 =	simm.s32 $0x10;
	v19 =	vld [tilespmem:s11+$0x0]  }
.LBB2_3:
0x4b: {  	p0 =	sne.s32 s13, $0x1F0;
	s10 =	sadd.s32 $0x10, s10  }
0x4c: {  	v20 =	vld [tilespmem:s10+$0x0];
	_ =	sdelay $0x2  }
0x4d: {  	v18 =	vsub.f32 v18, v17;
	v19 =	vsub.f32 v19, v15;
	_ =	sdelay $0x1  }
0x4e: {  	v18 =	vmul.f32 v18, v18;
	v20 =	vsub.f32 v20, v16;
	v19 =	vmul.f32 v19, v19;
	s15 =	spop (v2sf)  }
0x4f: {  	s8 =	sadd.s32 s8, s15  }
0x50: {  	v18 =	vadd.f32 v19, v18;
	v19 =	vmul.f32 v20, v20;
	v20 =	vmov s8  }
0x51: {  	v20 =	vadd.s32 $0xFFFFFFFF, v20  }
0x52: {  	v18 =	vadd.f32 v19, v18;
	v19 =	vbroadcast v20, $0x0;
	_ =	sdelay $0x1  }
0x53: {  	vm0 =	vle.f32 v18, $1.599999960e-01  }
0x54: {  	v18 =	vsel vm0, $0x1, v1  }
0x55: {  	(xrf0) =	vadd.scan.msk.s32 $0xffff, v18;
	_ =	sdelay $0x5  }
0x56: {  	v18, _, _ =	vpop (xrf0)  }
0x57: {  	v19 =	vadd.s32 v19, v18;
	(v2sf) =	vpush v18, $0xF  }
0x58: {  	v18 =	vsel vm0, v19, v3;
	_ =	sdelay $0x2  }
.Ltmp0:
0x59: {  	(pc) =	sbr.rel @p0 .LBB2_3-.Ltmp0, $4  }
0x5a: {  	v19 =	vor.u32 s9, v2;
	s9 =	smov.u32 s13  }
0x5b: {  	s14 =	sadd.s32 $0x10, s14;
	[tilespmem:v18+s24+$0x0] =	vst.idx.msk $0xffff, v19  }
0x5c: {  	s11 =	sadd.s32 $0x10, s11;
	v18 =	vld [tilespmem:s14+$0x0]  }
0x5d: {  	s13 =	sadd.s32 $0x10, s13;
	v19 =	vld [tilespmem:s11+$0x0]  }
0x5e: {  	s10 =	sadd.s32 $0x10, s10  }
0x5f: {  	v20 =	vld [tilespmem:s10+$0x0];
	_ =	sdelay $0x2  }
0x60: {  	v18 =	vsub.f32 v18, v17;
	v19 =	vsub.f32 v19, v15;
	_ =	sdelay $0x1  }
0x61: {  	v18 =	vmul.f32 v18, v18;
	v20 =	vsub.f32 v20, v16;
	v19 =	vmul.f32 v19, v19;
	_ =	sdelay $0x1  }
0x62: {  	v18 =	vadd.f32 v19, v18;
	v19 =	vmul.f32 v20, v20;
	_ =	sdelay $0x1  }
0x63: {  	v18 =	vadd.f32 v19, v18;
	_ =	sdelay $0x1  }
0x64: {  	vm0 =	vle.f32 v18, $1.599999960e-01  }
0x65: {  	v18 =	vsel vm0, $0x1, v1  }
0x66: {  	(xrf0) =	vadd.scan.msk.s32 $0xffff, v18;
	_ =	sdelay $0x5  }
0x67: {  	v18, _, _ =	vpop (xrf0)  }
0x68: {  	(v2sf) =	vpush v18, $0xF;
	_ =	sdelay $0x2  }
0x69: {  	s14 =	spop (v2sf)  }
0x6a: {  	s8 =	sadd.s32 s8, s14  }
0x6b: {  	v19 =	vmov s8  }
0x6c: {  	v19 =	vadd.s32 $0xFFFFFFFF, v19  }
0x6d: {  	v19 =	vbroadcast v19, $0x0;
	_ =	sdelay $0x1  }
0x6e: {  	v18 =	vadd.s32 v19, v18  }
0x6f: {  	v18 =	vsel vm0, v18, v3;
	_ =	sdelay $0x3  }
0x70: {  	p0 =	seq.s32 s6, $0x0;
	v19 =	vor.u32 s9, v2  }
0x71: {  	s10 =	simm.s32 @!p0 $0x3;
	[tilespmem:v18+s24+$0x0] =	vst.idx.msk $0xffff, v19;
	s15 =	spop (v2sf)  }
0x72: {  	_ =	swait.ge @!p0 [sflag:s10], $0x2000  }
0x73: {  	[sflag:s10] =	ssyncset.done @!p0 $0x0  }
0x74: {  	[sflag:s10] =	ssyncadd.s32 @!p0 $0xFFFFE000  }
0x75: {  	v18 =	vld [tilespmem:$0x780];
	_ =	sdelay $0x1  }
0x76: {  	s8 =	sadd.s32 s8, s15  }
0x77: {  	p1 =	slt.s32 s8, $0x40  }
0x78: {  	s8 =	simm.s32 @!p1 $0x40  }
0x79: {  	v19 =	vmov s8;
	v20 =	vbroadcast v18, $0x0  }
0x7a: {  	vm11 =	vgt.s32 v19, v2  }
0x7b: {  	v18 =	vsel vm11, v18, v20;
	_ =	sdelay $0x2  }
0x7c: {  	v21 =	vadd.s32 v0, v18  }
0x7d: {  	[tilespmem:$0xA00] =	vst v21  }
0x7e: {  	v21 =	vld.idx.msk [tilespmem:v18+s1+$0x0], $0xffff  }
0x7f: {  	s8 =	sshll.u32 s6, $0x7  }
0x80: {  	v22 =	vor.u32 s8, v2;
	_ =	sdelay $0x2  }
0x81: {  	v21 =	vsub.f32 v21, v17;
	_ =	sdelay $0x1  }
0x82: {  	[tilespmem:v22+s25+$0x0] =	vst.idx.msk $0xffff, v21  }
0x83: {  	v21 =	vld.idx.msk [tilespmem:v18+s19+$0x0], $0xffff;
	_ =	sdelay $0x1  }
0x84: {  	v54 =	vor.u32 s8, v4;
	_ =	sdelay $0x2  }
0x85: {  	v21 =	vsub.f32 v21, v15;
	_ =	sdelay $0x1  }
0x86: {  	[tilespmem:v54+s25+$0x0] =	vst.idx.msk $0xffff, v21  }
0x87: {  	v18 =	vld.idx.msk [tilespmem:v18+s20+$0x0], $0xffff;
	_ =	sdelay $0x1  }
0x88: {  	v55 =	vor.u32 s8, v5;
	_ =	sdelay $0x2  }
0x89: {  	v18 =	vsub.f32 v18, v16;
	_ =	sdelay $0x1  }
0x8a: {  	[tilespmem:v55+s25+$0x0] =	vst.idx.msk $0xffff, v18  }
0x8b: {  	v18 =	vld [tilespmem:$0x790];
	_ =	sdelay $0x3  }
0x8c: {  	vm12 =	vgt.s32 v19, v6  }
0x8d: {  	v18 =	vsel vm12, v18, v20;
	_ =	sdelay $0x2  }
0x8e: {  	v56 =	vadd.s32 v0, v18  }
0x8f: {  	[tilespmem:$0xA10] =	vst v56  }
0x90: {  	v21 =	vld.idx.msk [tilespmem:v18+s1+$0x0], $0xffff;
	_ =	sdelay $0x1  }
0x91: {  	v57 =	vor.u32 s8, v6;
	_ =	sdelay $0x2  }
0x92: {  	v21 =	vsub.f32 v21, v17;
	_ =	sdelay $0x1  }
0x93: {  	[tilespmem:v57+s25+$0x0] =	vst.idx.msk $0xffff, v21  }
0x94: {  	v21 =	vld.idx.msk [tilespmem:v18+s19+$0x0], $0xffff;
	_ =	sdelay $0x1  }
0x95: {  	v58 =	vor.u32 s8, v7;
	_ =	sdelay $0x2  }
0x96: {  	v21 =	vsub.f32 v21, v15;
	_ =	sdelay $0x1  }
0x97: {  	[tilespmem:v58+s25+$0x0] =	vst.idx.msk $0xffff, v21  }
0x98: {  	v18 =	vld.idx.msk [tilespmem:v18+s20+$0x0], $0xffff;
	_ =	sdelay $0x1  }
0x99: {  	v59 =	vor.u32 s8, v8;
	_ =	sdelay $0x2  }
0x9a: {  	v18 =	vsub.f32 v18, v16;
	_ =	sdelay $0x1  }
0x9b: {  	[tilespmem:v59+s25+$0x0] =	vst.idx.msk $0xffff, v18  }
0x9c: {  	v18 =	vld [tilespmem:$0x7A0];
	_ =	sdelay $0x3  }
0x9d: {  	vm13 =	vgt.s32 v19, v9  }
0x9e: {  	v18 =	vsel vm13, v18, v20;
	_ =	sdelay $0x2  }
0x9f: {  	v60 =	vadd.s32 v0, v18  }
0xa0: {  	[tilespmem:$0xA20] =	vst v60  }
0xa1: {  	v21 =	vld.idx.msk [tilespmem:v18+s1+$0x0], $0xffff;
	_ =	sdelay $0x1  }
0xa2: {  	v61 =	vor.u32 s8, v9;
	_ =	sdelay $0x2  }
0xa3: {  	v21 =	vsub.f32 v21, v17;
	_ =	sdelay $0x1  }
0xa4: {  	[tilespmem:v61+s25+$0x0] =	vst.idx.msk $0xffff, v21  }
0xa5: {  	v21 =	vld.idx.msk [tilespmem:v18+s19+$0x0], $0xffff;
	_ =	sdelay $0x1  }
0xa6: {  	v62 =	vor.u32 s8, v10;
	_ =	sdelay $0x2  }
0xa7: {  	v21 =	vsub.f32 v21, v15;
	_ =	sdelay $0x1  }
0xa8: {  	[tilespmem:v62+s25+$0x0] =	vst.idx.msk $0xffff, v21  }
0xa9: {  	v18 =	vld.idx.msk [tilespmem:v18+s20+$0x0], $0xffff;
	_ =	sdelay $0x1  }
0xaa: {  	v63 =	vor.u32 s8, v11;
	_ =	sdelay $0x2  }
0xab: {  	v18 =	vsub.f32 v18, v16;
	_ =	sdelay $0x1  }
0xac: {  	[tilespmem:v63+s25+$0x0] =	vst.idx.msk $0xffff, v18  }
0xad: {  	v18 =	vld [tilespmem:$0x7B0];
	_ =	sdelay $0x3  }
0xae: {  	vm14 =	vgt.s32 v19, v12  }
0xaf: {  	v18 =	vsel vm14, v18, v20;
	_ =	sdelay $0x2  }
0xb0: {  	v19 =	vadd.s32 v0, v18  }
0xb1: {  	[tilespmem:$0xA30] =	vst v19  }
0xb2: {  	v19 =	vld.idx.msk [tilespmem:v18+s1+$0x0], $0xffff;
	_ =	sdelay $0x1  }
0xb3: {  	v20 =	vor.u32 s8, v12;
	_ =	sdelay $0x2  }
0xb4: {  	v17 =	vsub.f32 v19, v17;
	_ =	sdelay $0x1  }
0xb5: {  	[tilespmem:v20+s25+$0x0] =	vst.idx.msk $0xffff, v17  }
0xb6: {  	v17 =	vld.idx.msk [tilespmem:v18+s19+$0x0], $0xffff;
	_ =	sdelay $0x1  }
0xb7: {  	v19 =	vor.u32 s8, v13;
	_ =	sdelay $0x2  }
0xb8: {  	v15 =	vsub.f32 v17, v15;
	_ =	sdelay $0x1  }
0xb9: {  	[tilespmem:v19+s25+$0x0] =	vst.idx.msk $0xffff, v15  }
0xba: {  	v15 =	vld.idx.msk [tilespmem:v18+s20+$0x0], $0xffff;
	_ =	sdelay $0x1  }
0xbb: {  	v17 =	vor.u32 s8, v14;
	_ =	sdelay $0x2  }
0xbc: {  	v15 =	vsub.f32 v15, v16;
	_ =	sdelay $0x1  }
0xbd: {  	s9 =	simm.s32 @!p0 $0x2;
	[tilespmem:v17+s25+$0x0] =	vst.idx.msk $0xffff, v15  }
0xbe: {  	[tilespmem:s29], [sflag:$0x1] =	stream.indirect.gather [hbm4b:s3+s26], $0x80, s28, s26, $0xb8;
	[tilespmem:$0x7B00] =	vst v63  }
0xbf: {  	s10 =	sadd.s32 @!p0 s7, s12;
	_ =	swait.ge @!p0 [sflag:s9], $0x2000  }
0xc0: {  	s10 =	sshll.u32 @!p0 s10, $0xA;
	[sflag:s9] =	ssyncset.done @!p0 $0x0  }
0xc1: {  	[sflag:s9] =	ssyncadd.s32 @!p0 $0xFFFFE000;
	s9 =	sand.u32 @!p0 $0x1FFFFC00, s10  }
0xc2: {  	s11 =	simm.s32 @!p0 $0x2B00;
	s10 =	simm.s32 @!p0 $0x0;
	s9 =	sadd.s32 @!p0 s4, s9  }
0xc3: {  	[hbm4b:s9+s10] =	stream.linear.scatter @!p0 [tilespmem:s11], [sflag:$0x4], $0x2000, $0x38;
	[tilespmem:$0x7B00] =	vst v63  }
0xc4: {  	v17 =	vld.msk [tilespmem:s7+$0x601 ss:$0x0], $0xffff  }
0xc5: {  	s9 =	simm.s32 $0x0;
	v15 =	vld.msk [tilespmem:s7+$0x681 ss:$0x0], $0xffff  }
0xc6: {  	s16 =	simm.s32 $0x200;
	v18 =	vld [tilespmem:s9+$0x0]  }
0xc7: {  	v19 =	vld [tilespmem:s16+$0x0]  }
0xc8: {  	s11 =	simm.s32 $0x400;
	v16 =	vld.msk [tilespmem:s7+$0x701 ss:$0x0], $0xffff  }
0xc9: {  	v20 =	vld [tilespmem:s11+$0x0];
	_ =	sdelay $0x2  }
0xca: {  	v18 =	vsub.f32 v18, v17;
	v19 =	vsub.f32 v19, v15;
	_ =	sdelay $0x1  }
0xcb: {  	v20 =	vsub.f32 v20, v16;
	v18 =	vmul.f32 v18, v18;
	v19 =	vmul.f32 v19, v19;
	_ =	sdelay $0x1  }
0xcc: {  	v18 =	vadd.f32 v19, v18;
	v19 =	vmul.f32 v20, v20;
	_ =	sdelay $0x1  }
0xcd: {  	v18 =	vadd.f32 v19, v18;
	_ =	sdelay $0x1  }
0xce: {  	vm15 =	vle.f32 v18, $1.599999960e-01  }
0xcf: {  	v18 =	vsel vm15, $0x1, v1  }
0xd0: {  	(xrf0) =	vadd.scan.msk.s32 $0xffff, v18;
	_ =	sdelay $0x2  }
0xd1: {  	v18 =	vmov s9  }
0xd2: {  	v18 =	vadd.s32 $0xFFFFFFFF, v18  }
0xd3: {  	v18 =	vbroadcast v18, $0x0  }
0xd4: {  	v19, _, _ =	vpop (xrf0)  }
0xd5: {  	v18 =	vadd.s32 v18, v19;
	(v2sf) =	vpush v19, $0xF  }
0xd6: {  	v18 =	vsel vm15, v18, v3;
	_ =	sdelay $0x3  }
0xd7: {  	v20 =	vor.u32 s9, v2  }
0xd8: {  	s10 =	simm.s32 $0x10;
	[tilespmem:v18+s24+$0x0] =	vst.idx.msk $0xffff, v20  }
0xd9: {  	s13 =	simm.s32 $0x210;
	v18 =	vld [tilespmem:s10+$0x0]  }
0xda: {  	s14 =	simm.s32 $0x20;
	s15 =	simm.s32 $0x10;
	v19 =	vld [tilespmem:s13+$0x0]  }
.LBB2_5:
0xdb: {  	p1 =	sne.s32 s14, $0x1F0;
	s11 =	sadd.s32 $0x10, s11  }
0xdc: {  	v20 =	vld [tilespmem:s11+$0x0];
	_ =	sdelay $0x2  }
0xdd: {  	v18 =	vsub.f32 v18, v17;
	v19 =	vsub.f32 v19, v15;
	_ =	sdelay $0x1  }
0xde: {  	v18 =	vmul.f32 v18, v18;
	v20 =	vsub.f32 v20, v16;
	v19 =	vmul.f32 v19, v19;
	s16 =	spop (v2sf)  }
0xdf: {  	s9 =	sadd.s32 s9, s16  }
0xe0: {  	v18 =	vadd.f32 v19, v18;
	v19 =	vmul.f32 v20, v20;
	v20 =	vmov s9  }
0xe1: {  	v20 =	vadd.s32 $0xFFFFFFFF, v20  }
0xe2: {  	v18 =	vadd.f32 v19, v18;
	v19 =	vbroadcast v20, $0x0;
	_ =	sdelay $0x1  }
0xe3: {  	vm0 =	vle.f32 v18, $1.599999960e-01  }
0xe4: {  	v18 =	vsel vm0, $0x1, v1  }
0xe5: {  	(xrf0) =	vadd.scan.msk.s32 $0xffff, v18;
	_ =	sdelay $0x5  }
0xe6: {  	v18, _, _ =	vpop (xrf0)  }
0xe7: {  	v19 =	vadd.s32 v19, v18;
	(v2sf) =	vpush v18, $0xF  }
0xe8: {  	v18 =	vsel vm0, v19, v3;
	_ =	sdelay $0x2  }
.Ltmp1:
0xe9: {  	(pc) =	sbr.rel @p1 .LBB2_5-.Ltmp1, $4  }
0xea: {  	v19 =	vor.u32 s10, v2;
	s10 =	smov.u32 s14  }
0xeb: {  	s15 =	sadd.s32 $0x10, s15;
	[tilespmem:v18+s24+$0x0] =	vst.idx.msk $0xffff, v19  }
0xec: {  	s13 =	sadd.s32 $0x10, s13;
	v18 =	vld [tilespmem:s15+$0x0]  }
0xed: {  	s14 =	sadd.s32 $0x10, s14;
	v19 =	vld [tilespmem:s13+$0x0]  }
0xee: {  	s11 =	sadd.s32 $0x10, s11  }
0xef: {  	v20 =	vld [tilespmem:s11+$0x0];
	_ =	sdelay $0x2  }
0xf0: {  	v18 =	vsub.f32 v18, v17;
	v19 =	vsub.f32 v19, v15;
	_ =	sdelay $0x1  }
0xf1: {  	v18 =	vmul.f32 v18, v18;
	v20 =	vsub.f32 v20, v16;
	v19 =	vmul.f32 v19, v19;
	_ =	sdelay $0x1  }
0xf2: {  	v18 =	vadd.f32 v19, v18;
	v43 =	vmul.f32 v20, v20;
	_ =	sdelay $0x1  }
0xf3: {  	v18 =	vadd.f32 v43, v18;
	_ =	sdelay $0x1  }
0xf4: {  	vm0 =	vle.f32 v18, $1.599999960e-01  }
0xf5: {  	v18 =	vsel vm0, $0x1, v1  }
0xf6: {  	(xrf0) =	vadd.scan.msk.s32 $0xffff, v18;
	_ =	sdelay $0x5  }
0xf7: {  	v18, _, _ =	vpop (xrf0)  }
0xf8: {  	(v2sf) =	vpush v18, $0xF;
	_ =	sdelay $0x2  }
0xf9: {  	s15 =	spop (v2sf)  }
0xfa: {  	s9 =	sadd.s32 s9, s15  }
0xfb: {  	v44 =	vmov s9  }
0xfc: {  	v19 =	vadd.s32 $0xFFFFFFFF, v44  }
0xfd: {  	v19 =	vbroadcast v19, $0x0;
	_ =	sdelay $0x1  }
0xfe: {  	v18 =	vadd.s32 v19, v18  }
0xff: {  	v18 =	vsel vm0, v18, v3;
	_ =	sdelay $0x3  }
0x100: {  	v45 =	vor.u32 s10, v2  }
0x101: {  	s11 =	simm.s32 @!p0 $0x4;
	[tilespmem:v18+s24+$0x0] =	vst.idx.msk $0xffff, v45;
	s16 =	spop (v2sf)  }
0x102: {  	_ =	swait.ge @!p0 [sflag:s11], $0x2000  }
0x103: {  	[sflag:s11] =	ssyncset.done @!p0 $0x0  }
0x104: {  	[sflag:s11] =	ssyncadd.s32 @!p0 $0xFFFFE000  }
0x105: {  	v46 =	vld [tilespmem:$0x780];
	_ =	sdelay $0x1  }
0x106: {  	s9 =	sadd.s32 s9, s16  }
0x107: {  	p0 =	slt.s32 s9, $0x40  }
0x108: {  	s9 =	simm.s32 @!p0 $0x40  }
0x109: {  	v47 =	vmov s9;
	v48 =	vbroadcast v46, $0x0  }
0x10a: {  	vm12 =	vgt.s32 v47, v2  }
0x10b: {  	v18 =	vsel vm12, v46, v48;
	_ =	sdelay $0x2  }
0x10c: {  	v21 =	vadd.s32 v0, v18  }
0x10d: {  	[tilespmem:$0xA80] =	vst v21  }
0x10e: {  	v21 =	vld.idx.msk [tilespmem:v18+s1+$0x0], $0xffff  }
0x10f: {  	s8 =	sor.u32 $0x40, s8  }
0x110: {  	v22 =	vor.u32 s8, v2;
	_ =	sdelay $0x2  }
0x111: {  	v21 =	vsub.f32 v21, v17;
	_ =	sdelay $0x1  }
0x112: {  	[tilespmem:v22+s25+$0x0] =	vst.idx.msk $0xffff, v21  }
0x113: {  	v21 =	vld.idx.msk [tilespmem:v18+s19+$0x0], $0xffff;
	_ =	sdelay $0x1  }
0x114: {  	v49 =	vor.u32 s8, v4;
	_ =	sdelay $0x2  }
0x115: {  	v21 =	vsub.f32 v21, v15;
	_ =	sdelay $0x1  }
0x116: {  	[tilespmem:v49+s25+$0x0] =	vst.idx.msk $0xffff, v21  }
0x117: {  	v18 =	vld.idx.msk [tilespmem:v18+s20+$0x0], $0xffff;
	_ =	sdelay $0x1  }
0x118: {  	v50 =	vor.u32 s8, v5;
	_ =	sdelay $0x2  }
0x119: {  	v18 =	vsub.f32 v18, v16;
	_ =	sdelay $0x1  }
0x11a: {  	[tilespmem:v50+s25+$0x0] =	vst.idx.msk $0xffff, v18  }
0x11b: {  	v18 =	vld [tilespmem:$0x790];
	_ =	sdelay $0x3  }
0x11c: {  	vm13 =	vgt.s32 v47, v6  }
0x11d: {  	v18 =	vsel vm13, v18, v48;
	_ =	sdelay $0x2  }
0x11e: {  	v51 =	vadd.s32 v0, v18  }
0x11f: {  	[tilespmem:$0xA90] =	vst v51  }
0x120: {  	v21 =	vld.idx.msk [tilespmem:v18+s1+$0x0], $0xffff;
	_ =	sdelay $0x1  }
0x121: {  	v52 =	vor.u32 s8, v6;
	_ =	sdelay $0x2  }
0x122: {  	v21 =	vsub.f32 v21, v17;
	_ =	sdelay $0x1  }
0x123: {  	[tilespmem:v52+s25+$0x0] =	vst.idx.msk $0xffff, v21  }
0x124: {  	v21 =	vld.idx.msk [tilespmem:v18+s19+$0x0], $0xffff;
	_ =	sdelay $0x1  }
0x125: {  	v53 =	vor.u32 s8, v7;
	_ =	sdelay $0x2  }
0x126: {  	v21 =	vsub.f32 v21, v15;
	_ =	sdelay $0x1  }
0x127: {  	[tilespmem:v53+s25+$0x0] =	vst.idx.msk $0xffff, v21  }
0x128: {  	v18 =	vld.idx.msk [tilespmem:v18+s20+$0x0], $0xffff;
	_ =	sdelay $0x1  }
0x129: {  	v54 =	vor.u32 s8, v8;
	_ =	sdelay $0x2  }
0x12a: {  	v18 =	vsub.f32 v18, v16;
	_ =	sdelay $0x1  }
0x12b: {  	[tilespmem:v54+s25+$0x0] =	vst.idx.msk $0xffff, v18  }
0x12c: {  	v18 =	vld [tilespmem:$0x7A0];
	_ =	sdelay $0x3  }
0x12d: {  	vm14 =	vgt.s32 v47, v9  }
0x12e: {  	v18 =	vsel vm14, v18, v48;
	_ =	sdelay $0x2  }
0x12f: {  	v55 =	vadd.s32 v0, v18  }
0x130: {  	[tilespmem:$0xAA0] =	vst v55  }
0x131: {  	v21 =	vld.idx.msk [tilespmem:v18+s1+$0x0], $0xffff;
	_ =	sdelay $0x1  }
0x132: {  	v56 =	vor.u32 s8, v9;
	_ =	sdelay $0x2  }
0x133: {  	v21 =	vsub.f32 v21, v17;
	_ =	sdelay $0x1  }
0x134: {  	[tilespmem:v56+s25+$0x0] =	vst.idx.msk $0xffff, v21  }
0x135: {  	v21 =	vld.idx.msk [tilespmem:v18+s19+$0x0], $0xffff;
	_ =	sdelay $0x1  }
0x136: {  	v57 =	vor.u32 s8, v10;
	_ =	sdelay $0x2  }
0x137: {  	v21 =	vsub.f32 v21, v15;
	_ =	sdelay $0x1  }
0x138: {  	[tilespmem:v57+s25+$0x0] =	vst.idx.msk $0xffff, v21  }
0x139: {  	v18 =	vld.idx.msk [tilespmem:v18+s20+$0x0], $0xffff;
	_ =	sdelay $0x1  }
0x13a: {  	v58 =	vor.u32 s8, v11;
	_ =	sdelay $0x2  }
0x13b: {  	v18 =	vsub.f32 v18, v16;
	_ =	sdelay $0x1  }
0x13c: {  	[tilespmem:v58+s25+$0x0] =	vst.idx.msk $0xffff, v18  }
0x13d: {  	v18 =	vld [tilespmem:$0x7B0];
	_ =	sdelay $0x3  }
0x13e: {  	vm15 =	vgt.s32 v47, v12  }
0x13f: {  	v18 =	vsel vm15, v18, v48;
	_ =	sdelay $0x2  }
0x140: {  	v59 =	vadd.s32 v0, v18  }
0x141: {  	[tilespmem:$0xAB0] =	vst v59  }
0x142: {  	v19 =	vld.idx.msk [tilespmem:v18+s1+$0x0], $0xffff;
	_ =	sdelay $0x1  }
0x143: {  	v60 =	vor.u32 s8, v12;
	_ =	sdelay $0x2  }
0x144: {  	v61 =	vsub.f32 v19, v17;
	_ =	sdelay $0x1  }
0x145: {  	[tilespmem:v60+s25+$0x0] =	vst.idx.msk $0xffff, v61  }
0x146: {  	v17 =	vld.idx.msk [tilespmem:v18+s19+$0x0], $0xffff;
	_ =	sdelay $0x1  }
0x147: {  	v62 =	vor.u32 s8, v13;
	_ =	sdelay $0x2  }
0x148: {  	v15 =	vsub.f32 v17, v15;
	_ =	sdelay $0x1  }
0x149: {  	[tilespmem:v62+s25+$0x0] =	vst.idx.msk $0xffff, v15  }
0x14a: {  	v15 =	vld.idx.msk [tilespmem:v18+s20+$0x0], $0xffff;
	_ =	sdelay $0x1  }
0x14b: {  	v63 =	vor.u32 s8, v14;
	_ =	sdelay $0x2  }
0x14c: {  	v15 =	vsub.f32 v15, v16  }
0x14d: {  	s6 =	sadd.s32 $0x1, s6  }
0x14e: {  	p0 =	sne.s32 s6, $0x20;
	[tilespmem:v63+s25+$0x0] =	vst.idx.msk $0xffff, v15  }
0x14f: {  	[tilespmem:s31], [sflag:$0x2] =	stream.indirect.gather [hbm4b:s3+s26], $0x80, s30, s26, $0xb8;
	[tilespmem:$0x7B00] =	vst v63  }
.Ltmp2:
0x150: {  	_ = 	snop;
	(pc) =	sbr.rel @p0 .LBB2_2-.Ltmp2, $4  }
0x151: {  	s7 =	sadd.s32 s5, s7;
	_ =	swait.ge [sflag:s0], $0x2000  }
0x152: {  	s7 =	sshll.u32 s7, $0xA;
	[sflag:s0] =	ssyncset.done $0x0  }
0x153: {  	s7 =	sadd.s32 s4, s7;
	[sflag:s0] =	ssyncadd.s32 $0xFFFFE000  }
0x154: {  	[hbm4b:s7+s1] =	stream.linear.scatter [tilespmem:s29], [sflag:$0x3], $0x2000, $0x38;
	[tilespmem:$0x7B00] =	vst v63  }
0x155: {  	_ =	swait.ge [sflag:s2], $0x2000  }
0x156: {  	[sflag:s2] =	ssyncset.done $0x0  }
0x157: {  	s6 =	rddreg [dreg:$0x8];
	[sflag:s2] =	ssyncadd.s32 $0xFFFFE000  }
0x158: {  	[hbm4b:s6+s1] =	stream.linear.scatter [tilespmem:s31], [sflag:$0x4], $0x2000, $0x38;
	[tilespmem:$0x7B00] =	vst v63  }
0x159: {  	_ =	swait.ge [sflag:s21], $0x2000  }
0x15a: {  	[sflag:s21] =	ssyncset.done $0x0  }
0x15b: {  	[sflag:s21] =	ssyncadd.s32 $0xFFFFE000  }
0x15c: {  	_ =	swait.ge [sflag:s22], $0x2000  }
0x15d: {  	[sflag:s22] =	ssyncset.done $0x0  }
0x15e: {  	s13 =	rddreg [dreg:$0x9];
	[sflag:s22] =	ssyncadd.s32 $0xFFFFE000  }
0x15f: {  	[hbm4b:s13+s1] =	stream.linear.scatter [tilespmem:s25], [sflag:$0x5], $0x1000, $0x38;
	[tilespmem:$0x7B00] =	vst v63  }
0x160: {  	_ =	swait.ge [sflag:s18], $0x1000  }
0x161: {  	[sflag:s18] =	ssyncset.done $0x0  }
0x162: {  	s7 =	simm.s32 $0x5B00;
	s14 =	rddreg [dreg:$0xa];
	[sflag:s18] =	ssyncadd.s32 $0xFFFFF000  }
0x163: {  	[hbm4b:s14+s1] =	stream.linear.scatter [tilespmem:s7], [sflag:$0x5], $0x1000, $0x38;
	[tilespmem:$0x7B00] =	vst v63  }
0x164: {  	s23 =	sadd.s32 $0x1, s23;
	_ =	swait.ge [sflag:s18], $0x1000  }
0x165: {  	s16 =	simm.s32 $0x6B00;
	p0 =	sne.s32 s23, s17;
	[sflag:s18] =	ssyncset.done $0x0  }
.Ltmp3:
0x166: {  	s15 =	rddreg [dreg:$0xb];
	[sflag:s18] =	ssyncadd.s32 $0xFFFFF000;
	(pc) =	sbr.rel @p0 .LBB2_1-.Ltmp3, $4  }
0x167: {  	[hbm4b:s15+s1] =	stream.linear.scatter [tilespmem:s16], [sflag:$0x5], $0x1000, $0x38;
	[tilespmem:$0x7B00] =	vst v63  }
0x168: {  	_ =	swait.ge [sflag:s18], $0x1000  }
0x169: {  	[sflag:s18] =	ssyncset.done $0x0  }
0x16a: {  	[sflag:s18] =	ssyncadd.s32 $0xFFFFF000  }
0x16b: {  	_ =	sfence.sel $0x180000  }
0x16c: {  	[bflag:$0x0] =	sbarrier.arrive $0xFFFF  }
0x16d: {  	_ =	strace $0x9000004A  }
0x16e: {  	s0 =	stileid.u32;
	[bflag:$0x2] =	sbarrier.arrive $0xFFFF  }
0x16f: {  	p0 =	sne.s32 s0, $0x0;
	s0 =	rddreg [dreg:$0x1]  }
0x170: {  	s0 =	sadd.s32 @!p0 $0x100000, s0  }
0x171: {  	[sflag:s0] =	ssyncadd.tile.s32 @!p0 $0x1;
	_ =	shalt  }
.Lfunc_end2:
_tile_overlayer_lowered:
.L_overlay_start_2:
0x172: {  	(tag) =	ssettag $0x2  }
0x173: {  	s0 =	rddreg [dreg:$0x0];
	s2 =	stileid.u32  }
0x174: {  	s1 =	rddreg [dreg:$0x1];
	p0 =	sne.s32 s2, $0x0  }
0x175: {  	s3 =	rddreg [dreg:$0x2];
	[bflag:$0x3] =	sbarrier.arrive $0xFFFF;
	s2 =	simm.s32 @!p0 $0x1C05  }
0x176: {  	[timem:s3], [sflag:s2] =	dma.local @!p0 [hbm:s0], s1  }
0x177: {  	s0 =	simm.s32 @!p0 $0x5  }
0x178: {  	_ =	swait.ge @!p0 [sflag:s0], s1  }
0x179: {  	s1 =	ssub.s32 @!p0 $0x0, s1;
	[sflag:s0] =	ssyncset.done @!p0 $0x0  }
0x17a: {  	[sflag:s0] =	ssyncadd.s32 @!p0 s1  }
0x17b: {  	[bflag:$0x3] =	sbarrier.arrive $0xFFFF  }
0x17c: {  	_ =	shalt  }

// kernel: kernel.9.cloned.1.call-start
scs
__scs_entry_jumppad:
0x0: {  	(pc) =	sbr.rel $0x88, $3  }
0x1: {  	(tag) =	ssettag $0x0;
	lr =	simm.s32 $0x1  }
0x2: {  	[smem:$0x3F88] =	sst lr;
	_ =	strace $0xD0000000  }
0x3: {  	_ = 	snop  }
0x4: {  	_ = 	snop  }
0x5: {  	_ = 	snop  }
0x6: {  	_ = 	snop  }
0x7: {  	_ = 	snop  }
__scs_overlays_trampoline_lowered:
0x8: {  	[smem:$0x3F97] =	sst s0  }
0x9: {  	[smem:$0x3F98] =	sst s1  }
0xa: {  	[smem:$0x3F99] =	sst s2  }
0xb: {  	[smem:$0x3F9A] =	sst s3  }
0xc: {  	[smem:$0x3F9B] =	sst s4  }
0xd: {  	[smem:$0x3F9C] =	sst s5  }
0xe: {  	[smem:$0x3F9D] =	sst s6  }
0xf: {  	[smem:$0x3F9E] =	sst s7  }
0x10: {  	[smem:$0x3F9F] =	sst s8  }
0x11: {  	[smem:$0x3FA0] =	sst s9;
	s0 =	simm.s32 @!p0 $0x0  }
0x12: {  	s1 =	sld [smem:$0x3F86];
	s0 =	simm.s32 @p0 $0x1  }
0x13: {  	[smem:$0x3FA1] =	sst s0;
	s0 =	simm.s32 @!p1 $0x0  }
0x14: {  	s2 =	sld [smem:$0x3F85];
	s0 =	simm.s32 @p1 $0x1  }
0x15: {  	[smem:$0x3FA2] =	sst s0;
	s0 =	simm.s32 @!p2 $0x0  }
0x16: {  	s3 =	sld [smem:$0x3FDB];
	s0 =	simm.s32 @p2 $0x1  }
0x17: {  	s4 =	simm.s32 $0x1BF5;
	[smem:$0x3FA4] =	sst s0  }
0x18: {  	s0 =	sld [smem:$0x3F87];
	_ =	swait.ge [sflag:s4], $0x0  }
0x19: {  	s7 =	sld [smem:$0x3F88]  }
0x1a: {  	s8 =	sadd.s32 $0xFFFFE003, lr  }
0x1b: {  	s9 =	sadd.s32 $0xFFFFFEF7, lr;
	s5 =	simm.s32 $0xFFFFFFFF;
	p2 =	slt.u32 s8, $0xFFFFF086  }
0x1c: {  	p1 =	slt.u32 s9, $0xF7A;
	s5 =	simm.s32 @!p2 $0x0  }
0x1d: {  	s5 =	simm.s32 @p1 $0x1;
	p0 =	seq.s32 s7, s2  }
0x1e: {  	s7 =	smul.u32 @!p0 $0xF7A, s2;
	p2 =	seq.s32 @!p0 s5, $0x0  }
0x1f: {  	s9 =	smul.u32 $0xF7A, s1;
	s8 =	simm.s32 @!p0 $0x1BF5;
	p2 =	por !p2, p0  }
0x20: {  	[sflag:s8] =	ssyncset.s32 @!p0 $0xFFFFF086;
	s6 =	sadd.s32 @!p0 s3, s7;
	s7 =	simm.s32 @!p0 $0x108  }
0x21: {  	s3 =	sadd.s32 s3, s9;
	s6 =	sadd.s32 @!p0 $0x88, s6;
	s7 =	simm.s32 @p2 $0x1082  }
0x22: {  	[simem:s7], [sflag:s8] =	dma.local @!p0 [hbm:s6], $0xF7A  }
0x23: {  	s9 =	sor.u32 $0xD0000000, s2;
	s6 =	simm.s32 $0x108;
	_ =	swait.ge @!p0 [sflag:s8], $0x0  }
0x24: {  	s3 =	sadd.s32 $0x88, s3;
	s6 =	simm.s32 @!p1 $0x1082;
	[sflag:s4] =	ssyncset.s32 $0xFFFFF086  }
0x25: {  	[simem:s6], [sflag:s4] =	dma.local [hbm:s3], $0xF7A  }
0x26: {  	[smem:$0x3F88] =	sst s1;
	(tag) =	ssettag s2;
	_ =	strace s9  }
0x27: {  	s1 =	sld [smem:$0x3F98]  }
0x28: {  	s2 =	sld [smem:$0x3F99]  }
0x29: {  	s4 =	sld [smem:$0x3F9B]  }
0x2a: {  	p0 =	seq.s32 s5, $0x0;
	s5 =	sld [smem:$0x3F9C]  }
0x2b: {  	s6 =	sld [smem:$0x3F9D]  }
0x2c: {  	s7 =	sld [smem:$0x3F9E]  }
0x2d: {  	s3 =	simm.s32 $0x108;
	s8 =	sld [smem:$0x3F9F]  }
0x2e: {  	s3 =	simm.s32 @!p0 $0x1082;
	s9 =	sld [smem:$0x3FA0]  }
0x2f: {  	lr =	sadd.s32 s0, s3;
	s0 =	sld [smem:$0x3F97]  }
0x30: {  	s3 =	sld [smem:$0x3F9A]  }
0x31: {  	[smem:$0x3FA3] =	sst s10  }
0x32: {  	s10 =	sld [smem:$0x3FA1];
	_ =	sdelay $0x3  }
0x33: {  	p0 =	seq.s32 s10, $0x1;
	s10 =	sld [smem:$0x3FA3];
	_ =	sdelay $0x3  }
0x34: {  	[smem:$0x3FA3] =	sst s10  }
0x35: {  	s10 =	sld [smem:$0x3FA2];
	_ =	sdelay $0x3  }
0x36: {  	p1 =	seq.s32 s10, $0x1;
	s10 =	sld [smem:$0x3FA3];
	_ =	sdelay $0x3  }
0x37: {  	[smem:$0x3FA3] =	sst s10  }
0x38: {  	s10 =	sld [smem:$0x3FA4]  }
0x39: {  	_ = 	snop;
	(pc) =	sbr.ind lr, $3  }
0x3a: {  	_ = 	snop  }
0x3b: {  	_ = 	snop  }
0x3c: {  	p2 =	seq.s32 s10, $0x1;
	s10 =	sld [smem:$0x3FA3]  }
0x3d: {  	_ =	shalt  }
0x3e: {  	_ =	shalt  }
0x3f: {  	_ =	shalt  }
0x40: {  	_ =	shalt  }
0x41: {  	_ =	shalt  }
0x42: {  	_ =	shalt  }
0x43: {  	_ =	shalt  }
0x44: {  	_ =	shalt  }
0x45: {  	_ =	shalt  }
0x46: {  	_ =	shalt  }
0x47: {  	_ =	shalt  }
0x48: {  	_ =	shalt  }
0x49: {  	_ =	shalt  }
0x4a: {  	_ =	shalt  }
0x4b: {  	_ =	shalt  }
0x4c: {  	_ =	shalt  }
0x4d: {  	_ =	shalt  }
0x4e: {  	_ =	shalt  }
0x4f: {  	_ =	shalt  }
0x50: {  	_ =	shalt  }
0x51: {  	_ =	shalt  }
0x52: {  	_ =	shalt  }
0x53: {  	_ =	shalt  }
0x54: {  	_ =	shalt  }
0x55: {  	_ =	shalt  }
0x56: {  	_ =	shalt  }
0x57: {  	_ =	shalt  }
0x58: {  	_ =	shalt  }
0x59: {  	_ =	shalt  }
0x5a: {  	_ =	shalt  }
0x5b: {  	_ =	shalt  }
0x5c: {  	_ =	shalt  }
0x5d: {  	_ =	shalt  }
0x5e: {  	_ =	shalt  }
0x5f: {  	_ =	shalt  }
0x60: {  	_ =	shalt  }
0x61: {  	_ =	shalt  }
0x62: {  	_ =	shalt  }
0x63: {  	_ =	shalt  }
0x64: {  	_ =	shalt  }
0x65: {  	_ =	shalt  }
0x66: {  	_ =	shalt  }
0x67: {  	_ =	shalt  }
0x68: {  	_ =	shalt  }
0x69: {  	_ =	shalt  }
0x6a: {  	_ =	shalt  }
0x6b: {  	_ =	shalt  }
0x6c: {  	_ =	shalt  }
0x6d: {  	_ =	shalt  }
0x6e: {  	_ =	shalt  }
0x6f: {  	_ =	shalt  }
0x70: {  	_ =	shalt  }
0x71: {  	_ =	shalt  }
0x72: {  	_ =	shalt  }
0x73: {  	_ =	shalt  }
0x74: {  	_ =	shalt  }
0x75: {  	_ =	shalt  }
0x76: {  	_ =	shalt  }
0x77: {  	_ =	shalt  }
0x78: {  	_ =	shalt  }
0x79: {  	_ =	shalt  }
0x7a: {  	_ =	shalt  }
0x7b: {  	_ =	shalt  }
0x7c: {  	_ =	shalt  }
0x7d: {  	_ =	shalt  }
0x7e: {  	_ =	shalt  }
0x7f: {  	_ =	shalt  }
0x80: {  	_ =	shalt  }
0x81: {  	_ =	shalt  }
0x82: {  	_ =	shalt  }
0x83: {  	_ =	shalt  }
0x84: {  	_ =	shalt  }
0x85: {  	_ =	shalt  }
0x86: {  	_ =	shalt  }
0x87: {  	_ =	shalt  }
.Lfunc_end0:
.L_simem_size_0:
called_computation_lowered:
.L_overlay_start_0:
0x88: {  	s2 =	sld [smem:$0x3FD9]  }
0x89: {  	s3 =	sld [smem:$0x3FFE];
	_ =	sdelay $0x1  }
0x8a: {  	s1 =	srdreg.scid  }
0x8b: {  	s0 =	sand.u32 $0x1, s1  }
0x8c: {  	s16 =	sshll.u32 s0, $0xA;
	s2 =	sadd.s32 s3, s2  }
0x8d: {  	s2 =	sadd.s32 s2, s16  }
0x8e: {  	[smem:$0x3FAF] =	sst s2  }
0x8f: {  	_ = 	snop  }
0x90: {  	(tm) =	ssettm $0x1  }
0x91: {  	s17 =	sld [smem:$0x3FFB];
	_ =	sdelay $0x3  }
0x92: {  	_ =	strace s17  }
0x93: {  	s2 =	sld [smem:$0x3FFC];
	_ =	sdelay $0x3  }
0x94: {  	_ =	strace s2  }
0x95: {  	s2 =	sld [smem:$0x3FFD];
	_ =	sdelay $0x3  }
0x96: {  	_ =	strace s2  }
0x97: {  	_ =	strace $0x8FFFFFFF  }
0x98: {  	s18 =	sld [smem:$0x3FDB];
	_ =	sdelay $0x1  }
0x99: {  	s19 =	simm.s32 $_scs_section_size  }
0x9a: {  	s4 =	simm.s32 $_size__tile_overlayer_lowered;
	s5 =	simm.s32 $_tile_overlayer_lowered  }
0x9b: {  	s22 =	simm.s32 $0x1BFF;
	s21 =	sshll.u32 s5, $0x1;
	s2 =	sadd.s32 s19, s18  }
0x9c: {  	s6 =	simm.s32 $0x0;
	s20 =	sshll.u32 s4, $0x1;
	s4 =	sadd.s32 s21, s2  }
0x9d: {  	[timem:s6], [sflag:s22] =	dma.local [hbm:s4], s20  }
0x9e: {  	_ =	swait.ge [sflag:s22], s20  }
0x9f: {  	s3 =	ssub.s32 $0x0, s20;
	[sflag:s22] =	ssyncset.done $0x0  }
0xa0: {  	[sflag:s22] =	ssyncadd.s32 s3;
	_ =	sdelay $0x1  }
0xa1: {  	s23 =	simm.s32 $0x1B8B  }
0xa2: {  	_ =	swait.ge [sflag:s23], $0x1  }
0xa3: {  	[sflag:s23] =	ssyncset.done $0x0  }
0xa4: {  	s25 =	simm.s32 $0x1B8E;
	s24 =	sld [smem:$0x3FFE];
	[sflag:s23] =	ssyncadd.s32 $0xFFFFFFFF  }
0xa5: {  	s26 =	simm.s32 $execute0_lowered;
	[smem:$0x3FD2] =	sst s25  }
0xa6: {  	s4 =	sshll.u32 s26, $0x1;
	_ =	strace $0x80000046;
	[dreg:$0x1] =	wrdreg $0xFFFFFFFF  }
0xa7: {  	s28 =	simm.s32 $_size_execute0_lowered;
	s2 =	sadd.s32 s2, s4;
	[dreg:$0x0] =	wrdreg $0x0  }
0xa8: {  	s4 =	sshll.u32 s28, $0x1;
	[dreg:$0x2] =	wrdreg s2  }
0xa9: {  	[dreg:$0x3] =	wrdreg s4  }
0xaa: {  	[dreg:$0x4] =	wrdreg $0xC0  }
0xab: {  	_ =	task [dreg:s6], $0x5FFFF  }
0xac: {  	[dreg:$0x1] =	wrdreg $0xFFFFFFFF  }
0xad: {  	[dreg:$0x0] =	wrdreg $0x60  }
0xae: {  	[dreg:$0x2] =	wrdreg s24  }
0xaf: {  	[dreg:$0x3] =	wrdreg $0x9  }
0xb0: {  	_ =	task.clear_ibuf [dreg:s6], $0x4FFFF;
	_ =	strace $0x90000046  }
0xb1: {  	s29 =	simm.s32 $0x9;
	_ =	strace $0x80000048  }
0xb2: {  	_ =	swait.ge [sflag:s29], $0x1  }
0xb3: {  	[sflag:s29] =	ssyncadd.s32 $0xFFFFFFFF  }
0xb4: {  	_ =	strace $0x90000048  }
0xb5: {  	_ =	sfence  }
0xb6: {  	s30 =	sld [smem:$0x0];
	_ =	sdelay $0x2  }
0xb7: {  	s31 =	sshll.u32 s1, $0xD;
	s1 =	sshrl.u32 s1, $0x2  }
0xb8: {  	s3 =	sand.u32 $0x4000, s31;
	s1 =	sadd.s32 s1, s30  }
0xb9: {  	s0 =	sor.u32 s3, s0;
	s1 =	sshll.u32 s1, $0x11  }
0xba: {  	s0 =	sor.u32 s1, s0  }
0xbb: {  	s0 =	sadd.s32 $0x8F2B, s0  }
0xbc: {  	[sflag:s0] =	ssyncadd.remote.s32 $0x1  }
0xbd: {  	_ =	sfence.sel $0xFFFF  }
0xbe: {  	[dreg:$0x0] =	wrdreg $0xFFFFFFFF;
	(pc) =	sbr.abs _section_cstart, $3  }
0xbf: {  	[dreg:$0x1] =	wrdreg $0xFFFFFFFF  }
0xc0: {  	_ =	task.clear_ibuf [dreg:s6], $0x2FFFF;
	_ =	strace $0x9FFFFFFF  }
0xc1: {  	(tm) =	ssettm $0x7FFFFFFF  }
tec
execute0_lowered:
.L_overlay_start_1:
0x0: {  	(tag) =	ssettag $0x1  }
0x1: {  	s3 =	rddreg [dreg:$0x0];
	s1 =	simm.s32 $0x0  }
0x2: {  	s4 =	srdreg.scid;
	s2 =	stileid.u32;
	s13 =	simm.s32 $0x1  }
0x3: {  	s14 =	simm.s32 $0x400;
	s15 =	simm.s32 $0x800;
	s16 =	simm.s32 $0xC00  }
0x4: {  	s17 =	simm.s32 $0xD80;
	s18 =	simm.s32 $0xF00;
	s19 =	simm.s32 $0x1080  }
0x5: {  	s20 =	simm.s32 $0x1500;
	s21 =	simm.s32 $0x5500;
	[smem:$0x7FF] =	sst s1  }
0x6: {  	s5 =	sadd.s32 $0x4200, s3;
	s6 =	sand.u32 $0x1, s4;
	s9 =	smul.u32 $0x3, s2  }
0x7: {  	s8 =	sadd.s32 $0x5A00, s3;
	s22 =	sshll.u32 s2, $0xC;
	s25 =	smul.u32 $0x180, s2  }
0x8: {  	s29 =	smul.u32 $0x600, s2;
	_ =	strace $0x80000047;
	s7 =	sshll.u32 s6, $0xB  }
0x9: {  	s23 =	ssub.s32 $0x2, s6;
	s6 =	sshll.u32 s6, $0x8;
	s4 =	sor.u32 s7, s22  }
0xa: {  	s24 =	sshrl.u32 s23, $0x1;
	s26 =	sadd.s32 $0x1, s9;
	s9 =	sadd.s32 $0x2, s9  }
0xb: {  	s22 =	simm.s32 $0x9500;
	s11 =	sadd.s32 s4, s3;
	s12 =	ssub.s32 s23, s24  }
0xc: {  	s3 =	sadd.s32 s5, s25;
	s28 =	sshll.u32 s26, $0x7;
	s10 =	sshll.u32 s9, $0x7  }
0xd: {  	s7 =	sshll.u32 s26, $0x9;
	s9 =	sshll.u32 s9, $0x9;
	s23 =	simm.s32 $0x0  }
0xe: {  	v0 =	vimm.s32 $0x0;
	v1 =	vlaneseq.u32;
	s4 =	sadd.s32 s5, s28;
	s5 =	sadd.s32 s5, s10;
	s10 =	sor.u32 s6, s29  }
0xf: {  	v2 =	vor.u32 $0x400, v1;
	v3 =	vor.u32 $0x4000, v1;
	v4 =	vor.u32 $0x8000, v1;
	s7 =	sor.u32 s6, s7;
	s6 =	sor.u32 s6, s9;
	s9 =	sadd.s32 $0x6600, s11  }
0x10: {  	v5 =	vor.u32 $0x10, v1;
	v6 =	vor.u32 $0x4010, v1;
	v7 =	vor.u32 $0x8010, v1;
	s12 =	smax.u32 s12, $0x1;
	s30 =	sshrl.u32 s10, $0x3;
	s7 =	sshrl.u32 s7, $0x3  }
0x11: {  	v8 =	vor.u32 $0x20, v1;
	v9 =	vor.u32 $0x4020, v1;
	v10 =	vor.u32 $0x8020, v1;
	s31 =	sshrl.u32 s6, $0x3;
	s10 =	sadd.s32 $0x16600, s11;
	s11 =	sadd.s32 $0x26600, s11  }
0x12: {  	v11 =	vor.u32 $0x30, v1;
	v12 =	vor.u32 $0x4030, v1;
	v13 =	vor.u32 $0x8030, v1;
	s6 =	sadd.s32 s8, s30;
	s7 =	sadd.s32 s8, s7;
	s8 =	sadd.s32 s8, s31  }
.LBB2_1:
0x13: {  	[tilespmem:s1], [sflag:$0x1] =	stream.linear.gather [hbm4b:s3+s1], $0x400, $0x38;
	[tilespmem:$0xD500] =	vst v63  }
0x14: {  	_ =	swait.ge [sflag:s13], $0x400  }
0x15: {  	[sflag:s13] =	ssyncset.done $0x0  }
0x16: {  	[sflag:s13] =	ssyncadd.s32 $0xFFFFFC00  }
0x17: {  	[tilespmem:s14], [sflag:$0x1] =	stream.linear.gather [hbm4b:s4+s1], $0x400, $0x38;
	[tilespmem:$0xD500] =	vst v63  }
0x18: {  	_ =	swait.ge [sflag:s13], $0x400  }
0x19: {  	[sflag:s13] =	ssyncset.done $0x0  }
0x1a: {  	[sflag:s13] =	ssyncadd.s32 $0xFFFFFC00  }
0x1b: {  	[tilespmem:s15], [sflag:$0x1] =	stream.linear.gather [hbm4b:s5+s1], $0x400, $0x38;
	[tilespmem:$0xD500] =	vst v63  }
0x1c: {  	_ =	swait.ge [sflag:s13], $0x400  }
0x1d: {  	[sflag:s13] =	ssyncset.done $0x0  }
0x1e: {  	[sflag:s13] =	ssyncadd.s32 $0xFFFFFC00  }
0x1f: {  	[tilespmem:s16], [sflag:$0x1] =	stream.linear.gather [hbm4b:s6+s1], $0x100, $0x38;
	[tilespmem:$0xD500] =	vst v63  }
0x20: {  	_ =	swait.ge [sflag:s13], $0x100  }
0x21: {  	[sflag:s13] =	ssyncset.done $0x0  }
0x22: {  	[sflag:s13] =	ssyncadd.s32 $0xFFFFFF00  }
0x23: {  	[tilespmem:s17], [sflag:$0x1] =	stream.linear.gather [hbm4b:s7+s1], $0x100, $0x38;
	[tilespmem:$0xD500] =	vst v63  }
0x24: {  	_ =	swait.ge [sflag:s13], $0x100  }
0x25: {  	[sflag:s13] =	ssyncset.done $0x0  }
0x26: {  	[sflag:s13] =	ssyncadd.s32 $0xFFFFFF00  }
0x27: {  	[tilespmem:s18], [sflag:$0x1] =	stream.linear.gather [hbm4b:s8+s1], $0x100, $0x38;
	[tilespmem:$0xD500] =	vst v63  }
0x28: {  	_ =	swait.ge [sflag:s13], $0x100  }
0x29: {  	[sflag:s13] =	ssyncset.done $0x0  }
0x2a: {  	s24 =	simm.s32 $0x0;
	[sflag:s13] =	ssyncadd.s32 $0xFFFFFF00  }
.LBB2_2:
0x2b: {  	v16 =	vld.msk [tilespmem:s24+$0xC00 ss:$0x0], $0xffff  }
0x2c: {  	v14 =	vld.msk [tilespmem:s24+$0xD80 ss:$0x0], $0xffff;
	s25 =	simm.s32 $0x0  }
0x2d: {  	s26 =	simm.s32 $0x400;
	v17 =	vld [tilespmem:s25+$0x0]  }
0x2e: {  	v18 =	vld [tilespmem:s26+$0x0]  }
0x2f: {  	v15 =	vld.msk [tilespmem:s24+$0xF00 ss:$0x0], $0xffff;
	s28 =	simm.s32 $0x800  }
0x30: {  	v19 =	vld [tilespmem:s28+$0x0];
	_ =	sdelay $0x2  }
0x31: {  	v17 =	vsub.f32 v17, v16;
	v18 =	vsub.f32 v18, v14;
	_ =	sdelay $0x1  }
0x32: {  	v19 =	vsub.f32 v19, v15;
	v17 =	vmul.f32 v17, v17;
	v18 =	vmul.f32 v18, v18;
	_ =	sdelay $0x1  }
0x33: {  	v17 =	vadd.f32 v18, v17;
	v18 =	vmul.f32 v19, v19;
	_ =	sdelay $0x1  }
0x34: {  	v17 =	vadd.f32 v18, v17;
	_ =	sdelay $0x1  }
0x35: {  	vm0 =	vle.f32 v17, $3.999999910e-02  }
0x36: {  	v17 =	vsel vm0, $0x1, v0  }
0x37: {  	(xrf0) =	vadd.scan.msk.s32 $0xffff, v17;
	_ =	sdelay $0x2  }
0x38: {  	v17 =	vmov s25  }
0x39: {  	v17 =	vadd.s32 $0xFFFFFFFF, v17  }
0x3a: {  	v17 =	vbroadcast v17, $0x0  }
0x3b: {  	v18, _, _ =	vpop (xrf0)  }
0x3c: {  	v17 =	vadd.s32 v17, v18;
	(v2sf) =	vpush v18, $0xF  }
0x3d: {  	v17 =	vsel vm0, v17, v2;
	_ =	sdelay $0x3  }
0x3e: {  	v19 =	vor.u32 s25, v1  }
0x3f: {  	s26 =	simm.s32 $0x10;
	[tilespmem:v17+s19+$0x0] =	vst.idx.msk $0xffff, v19  }
0x40: {  	s29 =	simm.s32 $0x410;
	v17 =	vld [tilespmem:s26+$0x0]  }
0x41: {  	s30 =	simm.s32 $0x20;
	s31 =	simm.s32 $0x10;
	v18 =	vld [tilespmem:s29+$0x0]  }
.LBB2_3:
0x42: {  	p0 =	sne.s32 s30, $0x3F0;
	s28 =	sadd.s32 $0x10, s28  }
0x43: {  	v19 =	vld [tilespmem:s28+$0x0];
	_ =	sdelay $0x2  }
0x44: {  	v17 =	vsub.f32 v17, v16;
	v18 =	vsub.f32 v18, v14;
	_ =	sdelay $0x1  }
0x45: {  	v17 =	vmul.f32 v17, v17;
	v19 =	vsub.f32 v19, v15;
	v18 =	vmul.f32 v18, v18;
	s0 =	spop (v2sf)  }
0x46: {  	s25 =	sadd.s32 s25, s0  }
0x47: {  	v17 =	vadd.f32 v18, v17;
	v18 =	vmul.f32 v19, v19;
	v19 =	vmov s25  }
0x48: {  	v19 =	vadd.s32 $0xFFFFFFFF, v19  }
0x49: {  	v17 =	vadd.f32 v18, v17;
	v18 =	vbroadcast v19, $0x0;
	_ =	sdelay $0x1  }
0x4a: {  	vm0 =	vle.f32 v17, $3.999999910e-02  }
0x4b: {  	v17 =	vsel vm0, $0x1, v0  }
0x4c: {  	(xrf0) =	vadd.scan.msk.s32 $0xffff, v17;
	_ =	sdelay $0x5  }
0x4d: {  	v17, _, _ =	vpop (xrf0)  }
0x4e: {  	v18 =	vadd.s32 v18, v17;
	(v2sf) =	vpush v17, $0xF  }
0x4f: {  	v17 =	vsel vm0, v18, v2;
	_ =	sdelay $0x2  }
.Ltmp0:
0x50: {  	(pc) =	sbr.rel @p0 .LBB2_3-.Ltmp0, $4  }
0x51: {  	v18 =	vor.u32 s26, v1;
	s26 =	smov.u32 s30  }
0x52: {  	s31 =	sadd.s32 $0x10, s31;
	[tilespmem:v17+s19+$0x0] =	vst.idx.msk $0xffff, v18  }
0x53: {  	s29 =	sadd.s32 $0x10, s29;
	v17 =	vld [tilespmem:s31+$0x0]  }
0x54: {  	s30 =	sadd.s32 $0x10, s30;
	v18 =	vld [tilespmem:s29+$0x0]  }
0x55: {  	s0 =	sadd.s32 $0x10, s28  }
0x56: {  	v19 =	vld [tilespmem:s0+$0x0];
	_ =	sdelay $0x2  }
0x57: {  	v17 =	vsub.f32 v17, v16;
	v18 =	vsub.f32 v18, v14;
	_ =	sdelay $0x1  }
0x58: {  	v17 =	vmul.f32 v17, v17;
	v19 =	vsub.f32 v19, v15;
	v18 =	vmul.f32 v18, v18;
	_ =	sdelay $0x1  }
0x59: {  	v17 =	vadd.f32 v18, v17;
	v46 =	vmul.f32 v19, v19;
	_ =	sdelay $0x1  }
0x5a: {  	v17 =	vadd.f32 v46, v17;
	_ =	sdelay $0x1  }
0x5b: {  	vm0 =	vle.f32 v17, $3.999999910e-02  }
0x5c: {  	v17 =	vsel vm0, $0x1, v0  }
0x5d: {  	(xrf0) =	vadd.scan.msk.s32 $0xffff, v17;
	_ =	sdelay $0x5  }
0x5e: {  	v17, _, _ =	vpop (xrf0)  }
0x5f: {  	(v2sf) =	vpush v17, $0xF  }
0x60: {  	s29 =	spop (v2sf)  }
0x61: {  	s0 =	sadd.s32 s25, s29  }
0x62: {  	v47 =	vmov s0  }
0x63: {  	v18 =	vadd.s32 $0xFFFFFFFF, v47  }
0x64: {  	v18 =	vbroadcast v18, $0x0;
	_ =	sdelay $0x1  }
0x65: {  	v17 =	vadd.s32 v18, v17  }
0x66: {  	v17 =	vsel vm0, v17, v2;
	_ =	sdelay $0x3  }
0x67: {  	v48 =	vor.u32 s26, v1  }
0x68: {  	[tilespmem:v17+s19+$0x0] =	vst.idx.msk $0xffff, v48  }
0x69: {  	v17 =	vld [tilespmem:$0x1080]  }
0x6a: {  	s30 =	spop (v2sf)  }
0x6b: {  	s0 =	sadd.s32 s0, s30  }
0x6c: {  	p0 =	slt.s32 s0, $0x40  }
0x6d: {  	s0 =	simm.s32 @!p0 $0x40  }
0x6e: {  	v50 =	vbroadcast v17, $0x0;
	v49 =	vmov s0  }
0x6f: {  	vm12 =	vgt.s32 v49, v1  }
0x70: {  	v17 =	vsel vm12, v17, v50;
	_ =	sdelay $0x4  }
0x71: {  	v20 =	vld.idx.msk [tilespmem:v17+s1+$0x0], $0xffff  }
0x72: {  	s31 =	sshll.u32 s24, $0x6  }
0x73: {  	v21 =	vor.u32 s31, v1;
	_ =	sdelay $0x2  }
0x74: {  	v20 =	vsub.f32 v20, v16;
	_ =	sdelay $0x1  }
0x75: {  	[tilespmem:v21+s20+$0x0] =	vst.idx.msk $0xffff, v20  }
0x76: {  	v20 =	vld.idx.msk [tilespmem:v17+s14+$0x0], $0xffff;
	_ =	sdelay $0x1  }
0x77: {  	v51 =	vor.u32 s31, v3;
	_ =	sdelay $0x2  }
0x78: {  	v20 =	vsub.f32 v20, v14;
	_ =	sdelay $0x1  }
0x79: {  	[tilespmem:v51+s20+$0x0] =	vst.idx.msk $0xffff, v20  }
0x7a: {  	v17 =	vld.idx.msk [tilespmem:v17+s15+$0x0], $0xffff;
	_ =	sdelay $0x1  }
0x7b: {  	v52 =	vor.u32 s31, v4;
	_ =	sdelay $0x2  }
0x7c: {  	v17 =	vsub.f32 v17, v15;
	_ =	sdelay $0x1  }
0x7d: {  	[tilespmem:v52+s20+$0x0] =	vst.idx.msk $0xffff, v17  }
0x7e: {  	v17 =	vld [tilespmem:$0x1090];
	_ =	sdelay $0x3  }
0x7f: {  	vm13 =	vgt.s32 v49, v5  }
0x80: {  	v17 =	vsel vm13, v17, v50;
	_ =	sdelay $0x4  }
0x81: {  	v20 =	vld.idx.msk [tilespmem:v17+s1+$0x0], $0xffff;
	_ =	sdelay $0x1  }
0x82: {  	v53 =	vor.u32 s31, v5;
	_ =	sdelay $0x2  }
0x83: {  	v20 =	vsub.f32 v20, v16;
	_ =	sdelay $0x1  }
0x84: {  	[tilespmem:v53+s20+$0x0] =	vst.idx.msk $0xffff, v20  }
0x85: {  	v20 =	vld.idx.msk [tilespmem:v17+s14+$0x0], $0xffff;
	_ =	sdelay $0x1  }
0x86: {  	v54 =	vor.u32 s31, v6;
	_ =	sdelay $0x2  }
0x87: {  	v20 =	vsub.f32 v20, v14;
	_ =	sdelay $0x1  }
0x88: {  	[tilespmem:v54+s20+$0x0] =	vst.idx.msk $0xffff, v20  }
0x89: {  	v17 =	vld.idx.msk [tilespmem:v17+s15+$0x0], $0xffff;
	_ =	sdelay $0x1  }
0x8a: {  	v55 =	vor.u32 s31, v7;
	_ =	sdelay $0x2  }
0x8b: {  	v17 =	vsub.f32 v17, v15;
	_ =	sdelay $0x1  }
0x8c: {  	[tilespmem:v55+s20+$0x0] =	vst.idx.msk $0xffff, v17  }
0x8d: {  	v17 =	vld [tilespmem:$0x10A0];
	_ =	sdelay $0x3  }
0x8e: {  	vm14 =	vgt.s32 v49, v8  }
0x8f: {  	v17 =	vsel vm14, v17, v50;
	_ =	sdelay $0x4  }
0x90: {  	v20 =	vld.idx.msk [tilespmem:v17+s1+$0x0], $0xffff;
	_ =	sdelay $0x1  }
0x91: {  	v56 =	vor.u32 s31, v8;
	_ =	sdelay $0x2  }
0x92: {  	v20 =	vsub.f32 v20, v16;
	_ =	sdelay $0x1  }
0x93: {  	[tilespmem:v56+s20+$0x0] =	vst.idx.msk $0xffff, v20  }
0x94: {  	v20 =	vld.idx.msk [tilespmem:v17+s14+$0x0], $0xffff;
	_ =	sdelay $0x1  }
0x95: {  	v57 =	vor.u32 s31, v9;
	_ =	sdelay $0x2  }
0x96: {  	v20 =	vsub.f32 v20, v14;
	_ =	sdelay $0x1  }
0x97: {  	[tilespmem:v57+s20+$0x0] =	vst.idx.msk $0xffff, v20  }
0x98: {  	v17 =	vld.idx.msk [tilespmem:v17+s15+$0x0], $0xffff;
	_ =	sdelay $0x1  }
0x99: {  	v58 =	vor.u32 s31, v10;
	_ =	sdelay $0x2  }
0x9a: {  	v17 =	vsub.f32 v17, v15;
	_ =	sdelay $0x1  }
0x9b: {  	[tilespmem:v58+s20+$0x0] =	vst.idx.msk $0xffff, v17  }
0x9c: {  	v17 =	vld [tilespmem:$0x10B0];
	_ =	sdelay $0x3  }
0x9d: {  	vm15 =	vgt.s32 v49, v11  }
0x9e: {  	v17 =	vsel vm15, v17, v50;
	_ =	sdelay $0x4  }
0x9f: {  	v59 =	vld.idx.msk [tilespmem:v17+s1+$0x0], $0xffff;
	_ =	sdelay $0x1  }
0xa0: {  	v60 =	vor.u32 s31, v11;
	_ =	sdelay $0x2  }
0xa1: {  	v61 =	vsub.f32 v59, v16;
	_ =	sdelay $0x1  }
0xa2: {  	[tilespmem:v60+s20+$0x0] =	vst.idx.msk $0xffff, v61  }
0xa3: {  	v16 =	vld.idx.msk [tilespmem:v17+s14+$0x0], $0xffff;
	_ =	sdelay $0x1  }
0xa4: {  	v62 =	vor.u32 s31, v12;
	_ =	sdelay $0x2  }
0xa5: {  	v14 =	vsub.f32 v16, v14;
	_ =	sdelay $0x1  }
0xa6: {  	[tilespmem:v62+s20+$0x0] =	vst.idx.msk $0xffff, v14  }
0xa7: {  	v14 =	vld.idx.msk [tilespmem:v17+s15+$0x0], $0xffff  }
0xa8: {  	s24 =	sadd.s32 $0x1, s24  }
0xa9: {  	v63 =	vor.u32 s31, v13;
	p0 =	sne.s32 s24, $0x100  }
.Ltmp1:
0xaa: {  	_ = 	snop;
	(pc) =	sbr.rel @p0 .LBB2_2-.Ltmp1, $3  }
0xab: {  	_ = 	snop  }
0xac: {  	v14 =	vsub.f32 v14, v15;
	_ =	sdelay $0x1  }
0xad: {  	[tilespmem:v63+s20+$0x0] =	vst.idx.msk $0xffff, v14  }
0xae: {  	[hbm4b:s9+s1] =	stream.linear.scatter [tilespmem:s20], [sflag:$0x1], $0x4000, $0x38;
	[tilespmem:$0xD500] =	vst v63  }
0xaf: {  	_ =	swait.ge [sflag:s13], $0x4000  }
0xb0: {  	[sflag:s13] =	ssyncset.done $0x0  }
0xb1: {  	[sflag:s13] =	ssyncadd.s32 $0xFFFFC000  }
0xb2: {  	[hbm4b:s10+s1] =	stream.linear.scatter [tilespmem:s21], [sflag:$0x1], $0x4000, $0x38;
	[tilespmem:$0xD500] =	vst v63  }
0xb3: {  	s23 =	sadd.s32 $0x1, s23;
	_ =	swait.ge [sflag:s13], $0x4000  }
0xb4: {  	p0 =	sne.s32 s23, s12;
	[sflag:s13] =	ssyncset.done $0x0  }
.Ltmp2:
0xb5: {  	[sflag:s13] =	ssyncadd.s32 $0xFFFFC000;
	(pc) =	sbr.rel @p0 .LBB2_1-.Ltmp2, $4  }
0xb6: {  	[hbm4b:s11+s1] =	stream.linear.scatter [tilespmem:s22], [sflag:$0x1], $0x4000, $0x38;
	[tilespmem:$0xD500] =	vst v63  }
0xb7: {  	_ =	swait.ge [sflag:s13], $0x4000  }
0xb8: {  	[sflag:s13] =	ssyncset.done $0x0  }
0xb9: {  	[sflag:s13] =	ssyncadd.s32 $0xFFFFC000  }
0xba: {  	_ =	sfence.sel $0x180000  }
0xbb: {  	[bflag:$0x0] =	sbarrier.arrive $0xFFFF  }
0xbc: {  	_ =	strace $0x90000047  }
0xbd: {  	[bflag:$0x2] =	sbarrier.arrive $0xFFFF  }
0xbe: {  	p0 =	sne.s32 s2, $0x0;
	s0 =	rddreg [dreg:$0x1]  }
0xbf: {  	s0 =	sadd.s32 @!p0 $0x100000, s0  }
0xc0: {  	[sflag:s0] =	ssyncadd.tile.s32 @!p0 $0x1;
	_ =	shalt  }
.Lfunc_end2:
_tile_overlayer_lowered:
.L_overlay_start_2:
0xc1: {  	(tag) =	ssettag $0x2  }
0xc2: {  	s0 =	rddreg [dreg:$0x0];
	s2 =	stileid.u32  }
0xc3: {  	s1 =	rddreg [dreg:$0x1];
	p0 =	sne.s32 s2, $0x0  }
0xc4: {  	s3 =	rddreg [dreg:$0x2];
	[bflag:$0x3] =	sbarrier.arrive $0xFFFF;
	s2 =	simm.s32 @!p0 $0x1C01  }
0xc5: {  	[timem:s3], [sflag:s2] =	dma.local @!p0 [hbm:s0], s1  }
0xc6: {  	s0 =	simm.s32 @!p0 $0x1  }
0xc7: {  	_ =	swait.ge @!p0 [sflag:s0], s1  }
0xc8: {  	s1 =	ssub.s32 @!p0 $0x0, s1;
	[sflag:s0] =	ssyncset.done @!p0 $0x0  }
0xc9: {  	[sflag:s0] =	ssyncadd.s32 @!p0 s1  }
0xca: {  	[bflag:$0x3] =	sbarrier.arrive $0xFFFF  }
0xcb: {  	_ =	shalt  }

</sc_bundles>
